<compile_context>
chip_gen: v7x
topology: tpu7x:2x2x1
jax: 0.10.2.dev20260603
libtpu: 0.0.44.dev20260713+nightly
codegen_flags: <defaults>
</compile_context>

<pallas_src>
import functools

import jax
import jax.numpy as jnp
from jax.experimental import pallas as pl
from jax.experimental.pallas import tpu as pltpu
from jax.experimental.pallas import tpu_sc as plsc

SIGMA_DIST = 0.1
BN_EPS = 1e-5
LEAKY_SLOPE = 0.1
BLK = 32
SC_WINDOW = 128
TBL_W = 256


def _sc_gather(table, idx_flat, nk_pad):
    mesh = plsc.VectorSubcoreMesh(core_axis_name="c", subcore_axis_name="s")
    n_workers = 32
    per_w = nk_pad // n_workers
    n_win = per_w // SC_WINDOW

    @functools.partial(
        pl.kernel,
        out_type=jax.ShapeDtypeStruct((nk_pad, TBL_W), jnp.float32),
        mesh=mesh,
        scratch_types=[
            pltpu.VMEM((per_w,), jnp.int32),
            pltpu.VMEM((SC_WINDOW, TBL_W), jnp.float32),
            pltpu.VMEM((SC_WINDOW, TBL_W), jnp.float32),
            pltpu.SemaphoreType.DMA,
            pltpu.SemaphoreType.DMA,
            pltpu.SemaphoreType.DMA,
            pltpu.SemaphoreType.DMA,
        ],
    )
    def gather_kernel(x_hbm, i_hbm, o_hbm, idx_v, rows_a, rows_b,
                      gsem_a, gsem_b, wsem_a, wsem_b):
        wid = jax.lax.axis_index("s") * 2 + jax.lax.axis_index("c")
        base = wid * per_w
        pltpu.sync_copy(i_hbm.at[pl.ds(base, per_w)], idx_v)

        def win_idx(g):
            return idx_v.at[pl.ds(g * SC_WINDOW, SC_WINDOW)]

        pltpu.async_copy(x_hbm.at[win_idx(0)], rows_a, gsem_a)
        pltpu.async_copy(x_hbm.at[win_idx(1)], rows_b, gsem_b)

        bufs = ((rows_a, gsem_a, wsem_a), (rows_b, gsem_b, wsem_b))

        @pl.loop(0, n_win, step=2)
        def _(g):
            for b in range(2):
                rows, gsem, wsem = bufs[b]
                gi = g + b
                pltpu.make_async_copy(x_hbm.at[win_idx(gi)], rows, gsem).wait()
                out_slc = o_hbm.at[pl.ds(base + gi * SC_WINDOW, SC_WINDOW)]
                pltpu.async_copy(rows, out_slc, wsem)
                nxt = gi + 2

                @pl.when(nxt < n_win)
                def _prefetch():
                    pltpu.make_async_copy(rows, out_slc, wsem).wait()
                    pltpu.async_copy(x_hbm.at[win_idx(nxt)], rows, gsem)

        for b in range(2):
            rows, _, wsem = bufs[b]
            gi = n_win - 2 + b
            out_slc = o_hbm.at[pl.ds(base + gi * SC_WINDOW, SC_WINDOW)]
            pltpu.make_async_copy(rows, out_slc, wsem).wait()

    return gather_kernel(table, idx_flat)


def _kpconv_block(g_ref, posb_ref, w2_ref, kpt_ref, kp2_ref, e_ref,
                  out_ref, stats_ref, *, n_valid, kp, d, k):
    pid = pl.program_id(0)
    pos_own = posb_ref[:, 0:3]

    wsc = jnp.zeros((BLK, kp * d), jnp.float32)
    for kk in range(k):
        rows = g_ref[kk]
        feat = rows[:, 0:d]
        rel = rows[:, d:d + 3] - pos_own
        r2 = jnp.sum(rel * rel, axis=1, keepdims=True)
        acc = (rel[:, 0:1] * kpt_ref[0:1, :]
               + rel[:, 1:2] * kpt_ref[1:2, :]
               + rel[:, 2:3] * kpt_ref[2:3, :])
        d2 = jnp.maximum(r2 - 2.0 * acc + kp2_ref[0:1, :], 0.0)
        dist = jnp.sqrt(d2 + 1e-12)
        infl = jnp.maximum(0.0, 1.0 - dist * (1.0 / SIGMA_DIST))
        inflx = jnp.dot(infl, e_ref[...],
                        preferred_element_type=jnp.float32)
        featx = jnp.concatenate([feat] * kp, axis=1)
        wsc = wsc + inflx * featx

    x_blk = jnp.dot(wsc, w2_ref[...],
                    preferred_element_type=jnp.float32)
    out_ref[...] = x_blk

    row_ids = pid * BLK + jax.lax.broadcasted_iota(jnp.int32, (BLK, 1), 0)
    xm = jnp.where(row_ids < n_valid, x_blk, 0.0)
    sx = jnp.sum(xm, axis=0, keepdims=True)
    sq = jnp.sum(xm * xm, axis=0, keepdims=True)

    @pl.when(pid == 0)
    def _init():
        stats_ref[...] = jnp.zeros_like(stats_ref)

    stats_ref[0:1, :] += sx
    stats_ref[1:2, :] += sq


def _bn_lrelu(x_ref, stats_ref, gamma_ref, beta_ref, out_ref, *, n_valid):
    inv_n = 1.0 / n_valid
    mean = stats_ref[0:1, :] * inv_n
    var = stats_ref[1:2, :] * inv_n - mean * mean
    scale = gamma_ref[...] * jax.lax.rsqrt(var + BN_EPS)
    y = (x_ref[...] - mean) * scale + beta_ref[...]
    out_ref[...] = jnp.where(y >= 0.0, y, LEAKY_SLOPE * y)


@jax.jit
def kernel(points, point_features, neighbors, kernel_points, W, gamma, beta):
    n, d = point_features.shape
    k = neighbors.shape[1]
    kp, _, o = W.shape
    n_pad = ((n + 255) // 256) * 256
    nk_pad = n_pad * k

    pos = points[:, 1:4]
    table = jnp.concatenate(
        [point_features, pos, jnp.zeros((n, TBL_W - d - 3), jnp.float32)],
        axis=1)
    posb = jnp.pad(jnp.concatenate([pos, jnp.zeros((n, 1), jnp.float32)], 1),
                   ((0, n_pad - n), (0, 0)))
    idx_flat = jnp.pad(neighbors, ((0, n_pad - n), (0, 0))).T.reshape(-1)
    w2 = W.reshape(kp * d, o)
    kpt = kernel_points.T
    kp2 = jnp.sum(kernel_points * kernel_points, axis=1)[None, :]
    expand = jnp.kron(jnp.eye(kp, dtype=jnp.float32),
                      jnp.ones((1, d), jnp.float32))

    gathered = _sc_gather(table, idx_flat, nk_pad)
    g3 = gathered.reshape(k, n_pad, TBL_W)

    grid = n_pad // BLK
    x_raw, stats = pl.pallas_call(
        functools.partial(_kpconv_block, n_valid=n, kp=kp, d=d, k=k),
        grid=(grid,),
        in_specs=[
            pl.BlockSpec((k, BLK, TBL_W), lambda i: (0, i, 0)),
            pl.BlockSpec((BLK, 4), lambda i: (i, 0)),
            pl.BlockSpec((kp * d, o), lambda i: (0, 0)),
            pl.BlockSpec((3, kp), lambda i: (0, 0)),
            pl.BlockSpec((1, kp), lambda i: (0, 0)),
            pl.BlockSpec((kp, kp * d), lambda i: (0, 0)),
        ],
        out_specs=[
            pl.BlockSpec((BLK, o), lambda i: (i, 0)),
            pl.BlockSpec((8, o), lambda i: (0, 0)),
        ],
        out_shape=[
            jax.ShapeDtypeStruct((n_pad, o), jnp.float32),
            jax.ShapeDtypeStruct((8, o), jnp.float32),
        ],
    )(g3, posb, w2, kpt, kp2, expand)

    out = pl.pallas_call(
        functools.partial(_bn_lrelu, n_valid=n),
        grid=(n_pad // 1280,),
        in_specs=[
            pl.BlockSpec((1280, o), lambda i: (i, 0)),
            pl.BlockSpec((8, o), lambda i: (0, 0)),
            pl.BlockSpec((1, o), lambda i: (0, 0)),
            pl.BlockSpec((1, o), lambda i: (0, 0)),
        ],
        out_specs=pl.BlockSpec((1280, o), lambda i: (i, 0)),
        out_shape=jax.ShapeDtypeStruct((n_pad, o), jnp.float32),
    )(x_raw, stats, gamma[None, :], beta[None, :])
    return out[:n]

# --- scband reference (transcript-rebuilt; emitter-appended) ---
"""Pipeline reference for scband-simple-block-82480551952816 (READ-ONLY COPY).

The authoritative reference and input builder live on the scoring server;
editing this copy changes nothing except your own understanding.
"""

import jax, jax.numpy as jnp
import numpy as np

N = 10000          # number of points (no stride: query == support)
K = 32             # max_num_neighbors
D = 128            # input feature dim (down_conv_nn[0])
O = 128            # output feature dim (down_conv_nn[1])
KP = 15            # number of rigid KPConv kernel points (standard 3D rigid kernel)
SIGMA_DIST = 0.1   # kernel_influence_dist = prev_grid_size * sigma = 0.1 * 1.0
BN_EPS = 1e-5
LEAKY_SLOPE = 0.1


def setup_inputs(seed: int = 0) -> dict:
    key = jax.random.key(seed)
    k1, k2, k3, k4, k5 = jax.random.split(key, 5)
    # points [N, 4]: first column is batch index (all zeros here -> single cloud), last 3 are xyz in [0,1)
    xyz = jax.random.uniform(k1, (N, 3), dtype=jnp.float32)
    points = jnp.concatenate([jnp.zeros((N, 1), dtype=jnp.float32), xyz], axis=1)
    point_features = jax.random.normal(k2, (N, D), dtype=jnp.float32)
    # neighbor indices produced by the (external) radius neighbor_finder: [N, K] into support points
    neighbors = jax.random.randint(k3, (N, K), 0, N, dtype=jnp.int32)
    # learned params of KPConvLayer: kernel point positions (fixed rigid disposition) + weights
    kernel_points = (jax.random.uniform(k4, (KP, 3), dtype=jnp.float32, minval=-1.0, maxval=1.0) * SIGMA_DIST)
    W = jax.random.normal(k5, (KP, D, O), dtype=jnp.float32) * (1.0 / np.sqrt(KP * D))
    # BatchNorm1d affine params
    gamma = jnp.ones((O,), dtype=jnp.float32)
    beta = jnp.zeros((O,), dtype=jnp.float32)
    return {
        "points": points,
        "point_features": point_features,
        "neighbors": neighbors,
        "kernel_points": kernel_points,
        "W": W,
        "gamma": gamma,
        "beta": beta,
    }


def reference(points, point_features, neighbors, kernel_points, W, gamma, beta):
    # SimpleBlock.forward with grid_size == prev_grid_size (no sampler):
    # query_points = points; edge_indices come from neighbor_finder (passed as `neighbors`).
    pos = points[:, 1:]                                    # [N, 3]
    # --- KPConvLayer (rigid KPConv, partial_dense) ---
    nb_pos = jnp.take(pos, neighbors, axis=0)              # gather [N, K, 3]
    rel = nb_pos - pos[:, None, :]                         # relative neighbor coords [N, K, 3]
    diff = rel[:, :, None, :] - kernel_points[None, None, :, :]   # [N, K, KP, 3]
    dist = jnp.sqrt(jnp.sum(diff * diff, axis=-1) + 1e-12)        # [N, K, KP]
    # linear correlation / influence: max(0, 1 - d / kernel_influence_dist)
    influence = jnp.maximum(0.0, 1.0 - dist / SIGMA_DIST)          # [N, K, KP]
    nb_feat = jnp.take(point_features, neighbors, axis=0)         # gather [N, K, D]
    weighted = jnp.einsum("nkp,nkd->npd", influence, nb_feat)     # [N, KP, D]
    x = jnp.einsum("npd,pdo->no", weighted, W)                     # [N, O]
    # --- BatchNorm1d (training-mode batch statistics) ---
    mean = jnp.mean(x, axis=0)
    var = jnp.var(x, axis=0)
    x = (x - mean) / jnp.sqrt(var + BN_EPS) * gamma + beta
    # --- LeakyReLU(0.1) ---
    x = jnp.where(x >= 0, x, LEAKY_SLOPE * x)
    return x

if __name__ == "__main__":
    import jax
    _d = setup_inputs()
    print(jax.jit(kernel)(*tuple(_d.values())))

</pallas_src>

<mosaic_0001>
#map = affine_map<(d0, d1) -> (0, 0)>
#map1 = affine_map<(d0, d1) -> (0)>
module attributes {stable_mosaic.version = 14 : i64} {
  func.func @gather_kernel(%arg0: i32, %arg1: i32, %arg2: memref<10000x256xf32, #tpu.memory_space<hbm>>, %arg3: memref<327680xi32, #tpu.memory_space<hbm>>, %arg4: memref<327680x256xf32, #tpu.memory_space<hbm>>, %arg5: memref<10240xi32, #tpu.memory_space<vmem>>, %arg6: memref<128x256xf32, #tpu.memory_space<vmem>>, %arg7: memref<128x256xf32, #tpu.memory_space<vmem>>, %arg8: memref<!tpu.dma_semaphore, #tpu.memory_space<semaphore_mem>>, %arg9: memref<!tpu.dma_semaphore, #tpu.memory_space<semaphore_mem>>, %arg10: memref<!tpu.dma_semaphore, #tpu.memory_space<semaphore_mem>>, %arg11: memref<!tpu.dma_semaphore, #tpu.memory_space<semaphore_mem>>) attributes {dimension_semantics = [#tpu.dimension_semantics<core_parallel>, #tpu.dimension_semantics<subcore_parallel>], iteration_bounds = array<i64: 2, 16>, scalar_prefetch = 0 : i64, scratch_operands = 7 : i64, tpu.core_type = #tpu.core_type<sc_vector_subcore>, window_params = [{transform_indices = #map}, {transform_indices = #map1}, {transform_indices = #map}]} {
    %mul3A = arith.constant 2 : i32
    %mul3A_0 = arith.muli %arg1, %mul3A : i32
    %add3A = arith.addi %mul3A_0, %arg0 : i32
    %mul3A_1 = arith.constant 10240 : i32
    %mul3A_2 = arith.muli %add3A, %mul3A_1 : i32
    "tpu.region"() ({
      %run_scoped3A = tpu.sem_alloc : memref<!tpu.dma_semaphore, #tpu.memory_space<semaphore_mem>>
      %dma_start3A_27 = tpu.memref_slice %arg3[%mul3A_2] : memref<327680xi32, #tpu.memory_space<hbm>> -> memref<10240xi32, #tpu.memory_space<hbm>>
      %dma_start3A_28 = tpu.memref_slice %arg3[%mul3A_2] : memref<327680xi32, #tpu.memory_space<hbm>> -> memref<10240xi32, #tpu.memory_space<hbm>>
      tpu.enqueue_dma source(%dma_start3A_28 : memref<10240xi32, #tpu.memory_space<hbm>>) target(%arg5 : memref<10240xi32, #tpu.memory_space<vmem>>) target_semaphore(%run_scoped3A : memref<!tpu.dma_semaphore, #tpu.memory_space<semaphore_mem>>)
      %dma_wait3A_29 = tpu.memref_slice %arg3[%mul3A_2] : memref<327680xi32, #tpu.memory_space<hbm>> -> memref<10240xi32, #tpu.memory_space<hbm>>
      %dma_wait3A_30 = tpu.memref_slice %arg3[%mul3A_2] : memref<327680xi32, #tpu.memory_space<hbm>> -> memref<10240xi32, #tpu.memory_space<hbm>>
      tpu.wait_dma2 semaphore(%run_scoped3A : memref<!tpu.dma_semaphore, #tpu.memory_space<semaphore_mem>>) src(%dma_wait3A_30 : memref<10240xi32, #tpu.memory_space<hbm>>) dst(%arg5 : memref<10240xi32, #tpu.memory_space<vmem>>)
      tpu.yield
    }) : () -> ()
    %dma_start3A = arith.constant 0 : i32
    %dma_start3A_3 = tpu.memref_slice %arg5[%dma_start3A] : memref<10240xi32, #tpu.memory_space<vmem>> -> memref<128xi32, #tpu.memory_space<vmem>>
    %dma_start3A_4 = arith.constant 0 : i32
    %dma_start3A_5 = arith.constant 0 : i32
    %dma_start3A_6 = tpu.memref_slice %arg2[%dma_start3A_4, %dma_start3A_5] : memref<10000x256xf32, #tpu.memory_space<hbm>> -> memref<10000x256xf32, #tpu.memory_space<hbm>>
    tpu.enqueue_indirect_dma source(%dma_start3A_6 : memref<10000x256xf32, #tpu.memory_space<hbm>>) target(%arg6 : memref<128x256xf32, #tpu.memory_space<vmem>>) offsets(%dma_start3A_3 : memref<128xi32, #tpu.memory_space<vmem>>) semaphore(%arg8 : memref<!tpu.dma_semaphore, #tpu.memory_space<semaphore_mem>>)
    %dma_start3A_7 = arith.constant 128 : i32
    %dma_start3A_8 = tpu.memref_slice %arg5[%dma_start3A_7] : memref<10240xi32, #tpu.memory_space<vmem>> -> memref<128xi32, #tpu.memory_space<vmem>>
    %dma_start3A_9 = arith.constant 0 : i32
    %dma_start3A_10 = arith.constant 0 : i32
    %dma_start3A_11 = tpu.memref_slice %arg2[%dma_start3A_9, %dma_start3A_10] : memref<10000x256xf32, #tpu.memory_space<hbm>> -> memref<10000x256xf32, #tpu.memory_space<hbm>>
    tpu.enqueue_indirect_dma source(%dma_start3A_11 : memref<10000x256xf32, #tpu.memory_space<hbm>>) target(%arg7 : memref<128x256xf32, #tpu.memory_space<vmem>>) offsets(%dma_start3A_8 : memref<128xi32, #tpu.memory_space<vmem>>) semaphore(%arg9 : memref<!tpu.dma_semaphore, #tpu.memory_space<semaphore_mem>>)
    %scan3A = arith.constant 0 : i32
    %scan3A_12 = arith.constant 40 : i32
    %scan3A_13 = arith.addi %scan3A, %scan3A_12 : i32
    %scan3A_14 = arith.constant 1 : i32
    scf.for %scan3A_27 = %scan3A to %scan3A_13 step %scan3A_14  : i32 {
      %mul3A_28 = arith.constant 2 : i32
      %mul3A_29 = arith.muli %scan3A_27, %mul3A_28 : i32
      %add3A_30 = arith.constant 0 : i32
      %add3A_31 = arith.addi %add3A_30, %mul3A_29 : i32
      %add3A_32 = arith.constant 0 : i32
      %add3A_33 = arith.addi %add3A_31, %add3A_32 : i32
      %mul3A_34 = arith.constant 128 : i32
      %mul3A_35 = arith.muli %add3A_33, %mul3A_34 : i32
      %dma_wait3A_36 = tpu.memref_slice %arg5[%mul3A_35] : memref<10240xi32, #tpu.memory_space<vmem>> -> memref<128xi32, #tpu.memory_space<vmem>>
      %dma_wait3A_37 = arith.constant 0 : i32
      %dma_wait3A_38 = arith.constant 0 : i32
      %dma_wait3A_39 = tpu.memref_slice %arg2[%dma_wait3A_37, %dma_wait3A_38] : memref<10000x256xf32, #tpu.memory_space<hbm>> -> memref<10000x256xf32, #tpu.memory_space<hbm>>
      tpu.wait_indirect_dma semaphore(%arg8 : memref<!tpu.dma_semaphore, #tpu.memory_space<semaphore_mem>>) src(%dma_wait3A_39 : memref<10000x256xf32, #tpu.memory_space<hbm>>) dst(%arg6 : memref<128x256xf32, #tpu.memory_space<vmem>>)
      %mul3A_40 = arith.constant 128 : i32
      %mul3A_41 = arith.muli %add3A_33, %mul3A_40 : i32
      %add3A_42 = arith.addi %mul3A_2, %mul3A_41 : i32
      %dma_start3A_43 = arith.constant 0 : i32
      %dma_start3A_44 = tpu.memref_slice %arg4[%add3A_42, %dma_start3A_43] : memref<327680x256xf32, #tpu.memory_space<hbm>> -> memref<128x256xf32, #tpu.memory_space<hbm>>
      %dma_start3A_45 = arith.constant 0 : i32
      %dma_start3A_46 = tpu.memref_slice %arg4[%add3A_42, %dma_start3A_45] : memref<327680x256xf32, #tpu.memory_space<hbm>> -> memref<128x256xf32, #tpu.memory_space<hbm>>
      tpu.enqueue_dma source(%arg6 : memref<128x256xf32, #tpu.memory_space<vmem>>) target(%dma_start3A_46 : memref<128x256xf32, #tpu.memory_space<hbm>>) target_semaphore(%arg10 : memref<!tpu.dma_semaphore, #tpu.memory_space<semaphore_mem>>)
      %add3A_47 = arith.constant 2 : i32
      %add3A_48 = arith.addi %add3A_33, %add3A_47 : i32
      %lt3A = arith.constant 80 : i32
      %lt3A_49 = arith.cmpi slt, %add3A_48, %lt3A : i32
      %convert_element_type3A = arith.extui %lt3A_49 : i1 to i32
      %cond3A = arith.constant 0 : i32
      %cond3A_50 = arith.cmpi ne, %convert_element_type3A, %cond3A : i32
      scf.if %cond3A_50 {
        %dma_wait3A_73 = arith.constant 0 : i32
        %dma_wait3A_74 = tpu.memref_slice %arg4[%add3A_42, %dma_wait3A_73] : memref<327680x256xf32, #tpu.memory_space<hbm>> -> memref<128x256xf32, #tpu.memory_space<hbm>>
        %dma_wait3A_75 = arith.constant 0 : i32
        %dma_wait3A_76 = tpu.memref_slice %arg4[%add3A_42, %dma_wait3A_75] : memref<327680x256xf32, #tpu.memory_space<hbm>> -> memref<128x256xf32, #tpu.memory_space<hbm>>
        tpu.wait_dma2 semaphore(%arg10 : memref<!tpu.dma_semaphore, #tpu.memory_space<semaphore_mem>>) src(%arg6 : memref<128x256xf32, #tpu.memory_space<vmem>>) dst(%dma_wait3A_76 : memref<128x256xf32, #tpu.memory_space<hbm>>)
        %mul3A_77 = arith.constant 128 : i32
        %mul3A_78 = arith.muli %add3A_48, %mul3A_77 : i32
        %dma_start3A_79 = tpu.memref_slice %arg5[%mul3A_78] : memref<10240xi32, #tpu.memory_space<vmem>> -> memref<128xi32, #tpu.memory_space<vmem>>
        %dma_start3A_80 = arith.constant 0 : i32
        %dma_start3A_81 = arith.constant 0 : i32
        %dma_start3A_82 = tpu.memref_slice %arg2[%dma_start3A_80, %dma_start3A_81] : memref<10000x256xf32, #tpu.memory_space<hbm>> -> memref<10000x256xf32, #tpu.memory_space<hbm>>
        tpu.enqueue_indirect_dma source(%dma_start3A_82 : memref<10000x256xf32, #tpu.memory_space<hbm>>) target(%arg6 : memref<128x256xf32, #tpu.memory_space<vmem>>) offsets(%dma_start3A_79 : memref<128xi32, #tpu.memory_space<vmem>>) semaphore(%arg8 : memref<!tpu.dma_semaphore, #tpu.memory_space<semaphore_mem>>)
      } else {
      }
      %add3A_51 = arith.constant 1 : i32
      %add3A_52 = arith.addi %add3A_31, %add3A_51 : i32
      %mul3A_53 = arith.constant 128 : i32
      %mul3A_54 = arith.muli %add3A_52, %mul3A_53 : i32
      %dma_wait3A_55 = tpu.memref_slice %arg5[%mul3A_54] : memref<10240xi32, #tpu.memory_space<vmem>> -> memref<128xi32, #tpu.memory_space<vmem>>
      %dma_wait3A_56 = arith.constant 0 : i32
      %dma_wait3A_57 = arith.constant 0 : i32
      %dma_wait3A_58 = tpu.memref_slice %arg2[%dma_wait3A_56, %dma_wait3A_57] : memref<10000x256xf32, #tpu.memory_space<hbm>> -> memref<10000x256xf32, #tpu.memory_space<hbm>>
      tpu.wait_indirect_dma semaphore(%arg9 : memref<!tpu.dma_semaphore, #tpu.memory_space<semaphore_mem>>) src(%dma_wait3A_58 : memref<10000x256xf32, #tpu.memory_space<hbm>>) dst(%arg7 : memref<128x256xf32, #tpu.memory_space<vmem>>)
      %mul3A_59 = arith.constant 128 : i32
      %mul3A_60 = arith.muli %add3A_52, %mul3A_59 : i32
      %add3A_61 = arith.addi %mul3A_2, %mul3A_60 : i32
      %dma_start3A_62 = arith.constant 0 : i32
      %dma_start3A_63 = tpu.memref_slice %arg4[%add3A_61, %dma_start3A_62] : memref<327680x256xf32, #tpu.memory_space<hbm>> -> memref<128x256xf32, #tpu.memory_space<hbm>>
      %dma_start3A_64 = arith.constant 0 : i32
      %dma_start3A_65 = tpu.memref_slice %arg4[%add3A_61, %dma_start3A_64] : memref<327680x256xf32, #tpu.memory_space<hbm>> -> memref<128x256xf32, #tpu.memory_space<hbm>>
      tpu.enqueue_dma source(%arg7 : memref<128x256xf32, #tpu.memory_space<vmem>>) target(%dma_start3A_65 : memref<128x256xf32, #tpu.memory_space<hbm>>) target_semaphore(%arg11 : memref<!tpu.dma_semaphore, #tpu.memory_space<semaphore_mem>>)
      %add3A_66 = arith.constant 2 : i32
      %add3A_67 = arith.addi %add3A_52, %add3A_66 : i32
      %lt3A_68 = arith.constant 80 : i32
      %lt3A_69 = arith.cmpi slt, %add3A_67, %lt3A_68 : i32
      %convert_element_type3A_70 = arith.extui %lt3A_69 : i1 to i32
      %cond3A_71 = arith.constant 0 : i32
      %cond3A_72 = arith.cmpi ne, %convert_element_type3A_70, %cond3A_71 : i32
      scf.if %cond3A_72 {
        %dma_wait3A_73 = arith.constant 0 : i32
        %dma_wait3A_74 = tpu.memref_slice %arg4[%add3A_61, %dma_wait3A_73] : memref<327680x256xf32, #tpu.memory_space<hbm>> -> memref<128x256xf32, #tpu.memory_space<hbm>>
        %dma_wait3A_75 = arith.constant 0 : i32
        %dma_wait3A_76 = tpu.memref_slice %arg4[%add3A_61, %dma_wait3A_75] : memref<327680x256xf32, #tpu.memory_space<hbm>> -> memref<128x256xf32, #tpu.memory_space<hbm>>
        tpu.wait_dma2 semaphore(%arg11 : memref<!tpu.dma_semaphore, #tpu.memory_space<semaphore_mem>>) src(%arg7 : memref<128x256xf32, #tpu.memory_space<vmem>>) dst(%dma_wait3A_76 : memref<128x256xf32, #tpu.memory_space<hbm>>)
        %mul3A_77 = arith.constant 128 : i32
        %mul3A_78 = arith.muli %add3A_67, %mul3A_77 : i32
        %dma_start3A_79 = tpu.memref_slice %arg5[%mul3A_78] : memref<10240xi32, #tpu.memory_space<vmem>> -> memref<128xi32, #tpu.memory_space<vmem>>
        %dma_start3A_80 = arith.constant 0 : i32
        %dma_start3A_81 = arith.constant 0 : i32
        %dma_start3A_82 = tpu.memref_slice %arg2[%dma_start3A_80, %dma_start3A_81] : memref<10000x256xf32, #tpu.memory_space<hbm>> -> memref<10000x256xf32, #tpu.memory_space<hbm>>
        tpu.enqueue_indirect_dma source(%dma_start3A_82 : memref<10000x256xf32, #tpu.memory_space<hbm>>) target(%arg7 : memref<128x256xf32, #tpu.memory_space<vmem>>) offsets(%dma_start3A_79 : memref<128xi32, #tpu.memory_space<vmem>>) semaphore(%arg9 : memref<!tpu.dma_semaphore, #tpu.memory_space<semaphore_mem>>)
      } else {
      }
    }
    %scan3A_15 = arith.constant 40 : i32
    %add3A_16 = arith.constant 9984 : i32
    %add3A_17 = arith.addi %mul3A_2, %add3A_16 : i32
    %dma_wait3A = arith.constant 0 : i32
    %dma_wait3A_18 = tpu.memref_slice %arg4[%add3A_17, %dma_wait3A] : memref<327680x256xf32, #tpu.memory_space<hbm>> -> memref<128x256xf32, #tpu.memory_space<hbm>>
    %dma_wait3A_19 = arith.constant 0 : i32
    %dma_wait3A_20 = tpu.memref_slice %arg4[%add3A_17, %dma_wait3A_19] : memref<327680x256xf32, #tpu.memory_space<hbm>> -> memref<128x256xf32, #tpu.memory_space<hbm>>
    tpu.wait_dma2 semaphore(%arg10 : memref<!tpu.dma_semaphore, #tpu.memory_space<semaphore_mem>>) src(%arg6 : memref<128x256xf32, #tpu.memory_space<vmem>>) dst(%dma_wait3A_20 : memref<128x256xf32, #tpu.memory_space<hbm>>)
    %add3A_21 = arith.constant 10112 : i32
    %add3A_22 = arith.addi %mul3A_2, %add3A_21 : i32
    %dma_wait3A_23 = arith.constant 0 : i32
    %dma_wait3A_24 = tpu.memref_slice %arg4[%add3A_22, %dma_wait3A_23] : memref<327680x256xf32, #tpu.memory_space<hbm>> -> memref<128x256xf32, #tpu.memory_space<hbm>>
    %dma_wait3A_25 = arith.constant 0 : i32
    %dma_wait3A_26 = tpu.memref_slice %arg4[%add3A_22, %dma_wait3A_25] : memref<327680x256xf32, #tpu.memory_space<hbm>> -> memref<128x256xf32, #tpu.memory_space<hbm>>
    tpu.wait_dma2 semaphore(%arg11 : memref<!tpu.dma_semaphore, #tpu.memory_space<semaphore_mem>>) src(%arg7 : memref<128x256xf32, #tpu.memory_space<vmem>>) dst(%dma_wait3A_26 : memref<128x256xf32, #tpu.memory_space<hbm>>)
    return
  }
}

module attributes {stable_mosaic.version = 14 : i64} {
  func.func @_bn_lrelu(%arg0: i32, %arg1: memref<1280x128xf32, #tpu.memory_space<vmem>>, %arg2: memref<8x128xf32, #tpu.memory_space<vmem>>, %arg3: memref<1x128xf32, #tpu.memory_space<vmem>>, %arg4: memref<1x128xf32, #tpu.memory_space<vmem>>, %arg5: memref<1280x128xf32, #tpu.memory_space<vmem>>) attributes {dimension_semantics = [#tpu.dimension_semantics<arbitrary>], iteration_bounds = array<i64: 8>, scalar_prefetch = 0 : i64, scratch_operands = 0 : i64, tpu.core_type = #tpu.core_type<tc>, window_params = [{transform_indices = @transform_0, window_bounds = array<i64: 1280, 128>}, {pipeline_mode = #tpu.pipeline_mode<synchronous>, transform_indices = @transform_1, window_bounds = array<i64: 8, 128>}, {pipeline_mode = #tpu.pipeline_mode<synchronous>, transform_indices = @transform_2, window_bounds = array<i64: 1, 128>}, {pipeline_mode = #tpu.pipeline_mode<synchronous>, transform_indices = @transform_3, window_bounds = array<i64: 1, 128>}, {transform_indices = @transform_4, window_bounds = array<i64: 1280, 128>}]} {
    %get3A = arith.constant 0 : index
    %get3A_0 = arith.constant 0 : index
    %get3A_1 = vector.load %arg2[%get3A, %get3A_0] : memref<8x128xf32, #tpu.memory_space<vmem>>, vector<1x128xf32>
    %mul3A = arith.constant 9.99999974E-5 : f32
    %mul3A_2 = vector.broadcast %mul3A : f32 to vector<1x128xf32>
    %mul3A_3 = arith.mulf %get3A_1, %mul3A_2 : vector<1x128xf32>
    %get3A_4 = arith.constant 1 : index
    %get3A_5 = arith.constant 0 : index
    %get3A_6 = vector.load %arg2[%get3A_4, %get3A_5] : memref<8x128xf32, #tpu.memory_space<vmem>>, vector<1x128xf32>
    %mul3A_7 = arith.constant 9.99999974E-5 : f32
    %mul3A_8 = vector.broadcast %mul3A_7 : f32 to vector<1x128xf32>
    %mul3A_9 = arith.mulf %get3A_6, %mul3A_8 : vector<1x128xf32>
    %mul3A_10 = arith.mulf %mul3A_3, %mul3A_3 : vector<1x128xf32>
    %sub3A = arith.subf %mul3A_9, %mul3A_10 : vector<1x128xf32>
    %get3A_11 = arith.constant 0 : index
    %get3A_12 = arith.constant 0 : index
    %get3A_13 = vector.load %arg3[%get3A_11, %get3A_12] : memref<1x128xf32, #tpu.memory_space<vmem>>, vector<1x128xf32>
    %add3A = arith.constant 9.99999974E-6 : f32
    %add3A_14 = vector.broadcast %add3A : f32 to vector<1x128xf32>
    %add3A_15 = arith.addf %sub3A, %add3A_14 : vector<1x128xf32>
    %rsqrt3A = math.rsqrt %add3A_15 : vector<1x128xf32>
    %mul3A_16 = arith.mulf %get3A_13, %rsqrt3A : vector<1x128xf32>
    %get3A_17 = arith.constant 0 : index
    %get3A_18 = arith.constant 0 : index
    %get3A_19 = vector.load %arg1[%get3A_17, %get3A_18] : memref<1280x128xf32, #tpu.memory_space<vmem>>, vector<1280x128xf32>
    %sub3A_20 = vector.broadcast %mul3A_3 : vector<1x128xf32> to vector<1280x128xf32>
    %sub3A_21 = arith.subf %get3A_19, %sub3A_20 : vector<1280x128xf32>
    %mul3A_22 = vector.broadcast %mul3A_16 : vector<1x128xf32> to vector<1280x128xf32>
    %mul3A_23 = arith.mulf %sub3A_21, %mul3A_22 : vector<1280x128xf32>
    %get3A_24 = arith.constant 0 : index
    %get3A_25 = arith.constant 0 : index
    %get3A_26 = vector.load %arg4[%get3A_24, %get3A_25] : memref<1x128xf32, #tpu.memory_space<vmem>>, vector<1x128xf32>
    %add3A_27 = vector.broadcast %get3A_26 : vector<1x128xf32> to vector<1280x128xf32>
    %add3A_28 = arith.addf %mul3A_23, %add3A_27 : vector<1280x128xf32>
    %ge3A = arith.constant 0.000000e+00 : f32
    %ge3A_29 = vector.broadcast %ge3A : f32 to vector<1280x128xf32>
    %ge3A_30 = arith.cmpf oge, %add3A_28, %ge3A_29 : vector<1280x128xf32>
    %mul3A_31 = arith.constant 1.000000e-01 : f32
    %mul3A_32 = vector.broadcast %mul3A_31 : f32 to vector<1280x128xf32>
    %mul3A_33 = arith.mulf %mul3A_32, %add3A_28 : vector<1280x128xf32>
    %select_n3A = arith.select %ge3A_30, %add3A_28, %mul3A_33 : vector<1280x128xi1>, vector<1280x128xf32>
    %swap3A = arith.constant 0 : index
    %swap3A_34 = arith.constant 0 : index
    %swap3A_35 = vector.load %arg5[%swap3A, %swap3A_34] : memref<1280x128xf32, #tpu.memory_space<vmem>>, vector<1280x128xf32>
    tpu.vector_store %arg5[%swap3A, %swap3A_34], %select_n3A {strides = array<i32>} : memref<1280x128xf32, #tpu.memory_space<vmem>>, vector<1280x128xf32>,
    return
  }
  func.func @transform_0(%arg0: i32) -> (i32, i32) {
    %c0_i32 = arith.constant 0 : i32
    %c0_i32_0 = arith.constant 0 : i32
    return %arg0, %c0_i32 : i32, i32
  }
  func.func @transform_1(%arg0: i32) -> (i32, i32) {
    %c0_i32 = arith.constant 0 : i32
    %c0_i32_0 = arith.constant 0 : i32
    %c0_i32_1 = arith.constant 0 : i32
    return %c0_i32, %c0_i32_0 : i32, i32
  }
  func.func @transform_2(%arg0: i32) -> (i32, i32) {
    %c0_i32 = arith.constant 0 : i32
    %c0_i32_0 = arith.constant 0 : i32
    %c0_i32_1 = arith.constant 0 : i32
    return %c0_i32, %c0_i32_0 : i32, i32
  }
  func.func @transform_3(%arg0: i32) -> (i32, i32) {
    %c0_i32 = arith.constant 0 : i32
    %c0_i32_0 = arith.constant 0 : i32
    %c0_i32_1 = arith.constant 0 : i32
    return %c0_i32, %c0_i32_0 : i32, i32
  }
  func.func @transform_4(%arg0: i32) -> (i32, i32) {
    %c0_i32 = arith.constant 0 : i32
    %c0_i32_0 = arith.constant 0 : i32
    return %arg0, %c0_i32 : i32, i32
  }
}

module attributes {stable_mosaic.version = 14 : i64} {
  func.func @_kpconv_block(%arg0: i32, %arg1: memref<32x32x256xf32, #tpu.memory_space<vmem>>, %arg2: memref<32x4xf32, #tpu.memory_space<vmem>>, %arg3: memref<1920x128xf32, #tpu.memory_space<vmem>>, %arg4: memref<3x15xf32, #tpu.memory_space<vmem>>, %arg5: memref<1x15xf32, #tpu.memory_space<vmem>>, %arg6: memref<15x1920xf32, #tpu.memory_space<vmem>>, %arg7: memref<32x128xf32, #tpu.memory_space<vmem>>, %arg8: memref<8x128xf32, #tpu.memory_space<vmem>>) attributes {dimension_semantics = [#tpu.dimension_semantics<arbitrary>], iteration_bounds = array<i64: 320>, scalar_prefetch = 0 : i64, scratch_operands = 0 : i64, tpu.core_type = #tpu.core_type<tc>, window_params = [{transform_indices = @transform_0, window_bounds = array<i64: 32, 32, 256>}, {transform_indices = @transform_1, window_bounds = array<i64: 32, 4>}, {pipeline_mode = #tpu.pipeline_mode<synchronous>, transform_indices = @transform_2, window_bounds = array<i64: 1920, 128>}, {pipeline_mode = #tpu.pipeline_mode<synchronous>, transform_indices = @transform_3, window_bounds = array<i64: 3, 15>}, {pipeline_mode = #tpu.pipeline_mode<synchronous>, transform_indices = @transform_4, window_bounds = array<i64: 1, 15>}, {pipeline_mode = #tpu.pipeline_mode<synchronous>, transform_indices = @transform_5, window_bounds = array<i64: 15, 1920>}, {transform_indices = @transform_6, window_bounds = array<i64: 32, 128>}, {pipeline_mode = #tpu.pipeline_mode<synchronous>, transform_indices = @transform_7, window_bounds = array<i64: 8, 128>}]} {
    %get3A = arith.constant 0 : index
    %get3A_0 = arith.constant 0 : index
    %get3A_1 = vector.load %arg2[%get3A, %get3A_0] : memref<32x4xf32, #tpu.memory_space<vmem>>, vector<32x3xf32>
    %broadcast_in_dim3A = arith.constant 0.000000e+00 : f32
    %broadcast_in_dim3A_2 = vector.broadcast %broadcast_in_dim3A : f32 to vector<32x1920xf32>
    %get3A_3 = arith.constant 0 : index
    %get3A_4 = arith.constant 0 : index
    %get3A_5 = arith.constant 0 : index
    %get3A_6 = vector.load %arg1[%get3A_3, %get3A_4, %get3A_5] : memref<32x32x256xf32, #tpu.memory_space<vmem>>, vector<1x32x256xf32>
    %get3A_7 = vector.shape_cast %get3A_6 : vector<1x32x256xf32> to vector<32x256xf32>
    %slice3A = vector.extract_strided_slice %get3A_7 {offsets = [0, 0], sizes = [32, 128], strides = [1, 1]} : vector<32x256xf32> to vector<32x128xf32>
    %slice3A_8 = vector.extract_strided_slice %get3A_7 {offsets = [0, 128], sizes = [32, 3], strides = [1, 1]} : vector<32x256xf32> to vector<32x3xf32>
    %sub3A = arith.subf %slice3A_8, %get3A_1 : vector<32x3xf32>
    %mul3A = arith.mulf %sub3A, %sub3A : vector<32x3xf32>
    %reduce_sum3A = arith.constant dense<0.000000e+00> : vector<32xf32>
    %reduce_sum3A_9 = vector.multi_reduction <add>, %mul3A, %reduce_sum3A [1] : vector<32x3xf32> to vector<32xf32>
    %broadcast_in_dim3A_10 = vector.shape_cast %reduce_sum3A_9 : vector<32xf32> to vector<32x1xf32>
    %slice3A_11 = vector.extract_strided_slice %sub3A {offsets = [0, 0], sizes = [32, 1], strides = [1, 1]} : vector<32x3xf32> to vector<32x1xf32>
    %get3A_12 = arith.constant 0 : index
    %get3A_13 = arith.constant 0 : index
    %get3A_14 = vector.load %arg4[%get3A_12, %get3A_13] : memref<3x15xf32, #tpu.memory_space<vmem>>, vector<1x15xf32>
    %mul3A_15 = vector.broadcast %slice3A_11 : vector<32x1xf32> to vector<32x15xf32>
    %mul3A_16 = vector.broadcast %get3A_14 : vector<1x15xf32> to vector<32x15xf32>
    %mul3A_17 = arith.mulf %mul3A_15, %mul3A_16 : vector<32x15xf32>
    %slice3A_18 = vector.extract_strided_slice %sub3A {offsets = [0, 1], sizes = [32, 1], strides = [1, 1]} : vector<32x3xf32> to vector<32x1xf32>
    %get3A_19 = arith.constant 1 : index
    %get3A_20 = arith.constant 0 : index
    %get3A_21 = vector.load %arg4[%get3A_19, %get3A_20] : memref<3x15xf32, #tpu.memory_space<vmem>>, vector<1x15xf32>
    %mul3A_22 = vector.broadcast %slice3A_18 : vector<32x1xf32> to vector<32x15xf32>
    %mul3A_23 = vector.broadcast %get3A_21 : vector<1x15xf32> to vector<32x15xf32>
    %mul3A_24 = arith.mulf %mul3A_22, %mul3A_23 : vector<32x15xf32>
    %add3A = arith.addf %mul3A_17, %mul3A_24 : vector<32x15xf32>
    %slice3A_25 = vector.extract_strided_slice %sub3A {offsets = [0, 2], sizes = [32, 1], strides = [1, 1]} : vector<32x3xf32> to vector<32x1xf32>
    %get3A_26 = arith.constant 2 : index
    %get3A_27 = arith.constant 0 : index
    %get3A_28 = vector.load %arg4[%get3A_26, %get3A_27] : memref<3x15xf32, #tpu.memory_space<vmem>>, vector<1x15xf32>
    %mul3A_29 = vector.broadcast %slice3A_25 : vector<32x1xf32> to vector<32x15xf32>
    %mul3A_30 = vector.broadcast %get3A_28 : vector<1x15xf32> to vector<32x15xf32>
    %mul3A_31 = arith.mulf %mul3A_29, %mul3A_30 : vector<32x15xf32>
    %add3A_32 = arith.addf %add3A, %mul3A_31 : vector<32x15xf32>
    %mul3A_33 = arith.constant 2.000000e+00 : f32
    %mul3A_34 = vector.broadcast %mul3A_33 : f32 to vector<32x15xf32>
    %mul3A_35 = arith.mulf %mul3A_34, %add3A_32 : vector<32x15xf32>
    %sub3A_36 = vector.broadcast %broadcast_in_dim3A_10 : vector<32x1xf32> to vector<32x15xf32>
    %sub3A_37 = arith.subf %sub3A_36, %mul3A_35 : vector<32x15xf32>
    %get3A_38 = arith.constant 0 : index
    %get3A_39 = arith.constant 0 : index
    %get3A_40 = vector.load %arg5[%get3A_38, %get3A_39] : memref<1x15xf32, #tpu.memory_space<vmem>>, vector<1x15xf32>
    %add3A_41 = vector.broadcast %get3A_40 : vector<1x15xf32> to vector<32x15xf32>
    %add3A_42 = arith.addf %sub3A_37, %add3A_41 : vector<32x15xf32>
    %max3A = arith.constant 0.000000e+00 : f32
    %max3A_43 = vector.broadcast %max3A : f32 to vector<32x15xf32>
    %max3A_44 = arith.maximumf %add3A_42, %max3A_43 : vector<32x15xf32>
    %add3A_45 = arith.constant 9.99999996E-13 : f32
    %add3A_46 = vector.broadcast %add3A_45 : f32 to vector<32x15xf32>
    %add3A_47 = arith.addf %max3A_44, %add3A_46 : vector<32x15xf32>
    %sqrt3A = math.sqrt %add3A_47 : vector<32x15xf32>
    %mul3A_48 = arith.constant 1.000000e+01 : f32
    %mul3A_49 = vector.broadcast %mul3A_48 : f32 to vector<32x15xf32>
    %mul3A_50 = arith.mulf %sqrt3A, %mul3A_49 : vector<32x15xf32>
    %sub3A_51 = arith.constant 1.000000e+00 : f32
    %sub3A_52 = vector.broadcast %sub3A_51 : f32 to vector<32x15xf32>
    %sub3A_53 = arith.subf %sub3A_52, %mul3A_50 : vector<32x15xf32>
    %max3A_54 = arith.constant 0.000000e+00 : f32
    %max3A_55 = vector.broadcast %max3A_54 : f32 to vector<32x15xf32>
    %max3A_56 = arith.maximumf %max3A_55, %sub3A_53 : vector<32x15xf32>
    %get3A_57 = arith.constant 0 : index
    %get3A_58 = arith.constant 0 : index
    %get3A_59 = vector.load %arg6[%get3A_57, %get3A_58] : memref<15x1920xf32, #tpu.memory_space<vmem>>, vector<15x1920xf32>
    %dot_general3A = arith.constant dense<0.000000e+00> : vector<32x1920xf32>
    %dot_general3A_60 = tpu.matmul %max3A_56, %get3A_59, %dot_general3A {dimension_numbers = #tpu.dot_dimension_numbers<[1], [0], [0], [1], [0, 0, 1, 1], [], []>, transpose_lhs_hint = false} : vector<32x15xf32>, vector<15x1920xf32>, vector<32x1920xf32> -> vector<32x1920xf32>
    %concatenate3A = tpu.concatenate %slice3A, %slice3A, %slice3A, %slice3A, %slice3A, %slice3A, %slice3A, %slice3A, %slice3A, %slice3A, %slice3A, %slice3A, %slice3A, %slice3A, %slice3A in 1 : vector<32x128xf32>, vector<32x128xf32>, vector<32x128xf32>, vector<32x128xf32>, vector<32x128xf32>, vector<32x128xf32>, vector<32x128xf32>, vector<32x128xf32>, vector<32x128xf32>, vector<32x128xf32>, vector<32x128xf32>, vector<32x128xf32>, vector<32x128xf32>, vector<32x128xf32>, vector<32x128xf32> -> vector<32x1920xf32>
    %mul3A_61 = arith.mulf %dot_general3A_60, %concatenate3A : vector<32x1920xf32>
    %add3A_62 = arith.addf %broadcast_in_dim3A_2, %mul3A_61 : vector<32x1920xf32>
    %get3A_63 = arith.constant 1 : index
    %get3A_64 = arith.constant 0 : index
    %get3A_65 = arith.constant 0 : index
    %get3A_66 = vector.load %arg1[%get3A_63, %get3A_64, %get3A_65] : memref<32x32x256xf32, #tpu.memory_space<vmem>>, vector<1x32x256xf32>
    %get3A_67 = vector.shape_cast %get3A_66 : vector<1x32x256xf32> to vector<32x256xf32>
    %slice3A_68 = vector.extract_strided_slice %get3A_67 {offsets = [0, 0], sizes = [32, 128], strides = [1, 1]} : vector<32x256xf32> to vector<32x128xf32>
    %slice3A_69 = vector.extract_strided_slice %get3A_67 {offsets = [0, 128], sizes = [32, 3], strides = [1, 1]} : vector<32x256xf32> to vector<32x3xf32>
    %sub3A_70 = arith.subf %slice3A_69, %get3A_1 : vector<32x3xf32>
    %mul3A_71 = arith.mulf %sub3A_70, %sub3A_70 : vector<32x3xf32>
    %reduce_sum3A_72 = arith.constant dense<0.000000e+00> : vector<32xf32>
    %reduce_sum3A_73 = vector.multi_reduction <add>, %mul3A_71, %reduce_sum3A_72 [1] : vector<32x3xf32> to vector<32xf32>
    %broadcast_in_dim3A_74 = vector.shape_cast %reduce_sum3A_73 : vector<32xf32> to vector<32x1xf32>
    %slice3A_75 = vector.extract_strided_slice %sub3A_70 {offsets = [0, 0], sizes = [32, 1], strides = [1, 1]} : vector<32x3xf32> to vector<32x1xf32>
    %get3A_76 = arith.constant 0 : index
    %get3A_77 = arith.constant 0 : index
    %get3A_78 = vector.load %arg4[%get3A_76, %get3A_77] : memref<3x15xf32, #tpu.memory_space<vmem>>, vector<1x15xf32>
    %mul3A_79 = vector.broadcast %slice3A_75 : vector<32x1xf32> to vector<32x15xf32>
    %mul3A_80 = vector.broadcast %get3A_78 : vector<1x15xf32> to vector<32x15xf32>
    %mul3A_81 = arith.mulf %mul3A_79, %mul3A_80 : vector<32x15xf32>
    %slice3A_82 = vector.extract_strided_slice %sub3A_70 {offsets = [0, 1], sizes = [32, 1], strides = [1, 1]} : vector<32x3xf32> to vector<32x1xf32>
    %get3A_83 = arith.constant 1 : index
    %get3A_84 = arith.constant 0 : index
    %get3A_85 = vector.load %arg4[%get3A_83, %get3A_84] : memref<3x15xf32, #tpu.memory_space<vmem>>, vector<1x15xf32>
    %mul3A_86 = vector.broadcast %slice3A_82 : vector<32x1xf32> to vector<32x15xf32>
    %mul3A_87 = vector.broadcast %get3A_85 : vector<1x15xf32> to vector<32x15xf32>
    %mul3A_88 = arith.mulf %mul3A_86, %mul3A_87 : vector<32x15xf32>
    %add3A_89 = arith.addf %mul3A_81, %mul3A_88 : vector<32x15xf32>
    %slice3A_90 = vector.extract_strided_slice %sub3A_70 {offsets = [0, 2], sizes = [32, 1], strides = [1, 1]} : vector<32x3xf32> to vector<32x1xf32>
    %get3A_91 = arith.constant 2 : index
    %get3A_92 = arith.constant 0 : index
    %get3A_93 = vector.load %arg4[%get3A_91, %get3A_92] : memref<3x15xf32, #tpu.memory_space<vmem>>, vector<1x15xf32>
    %mul3A_94 = vector.broadcast %slice3A_90 : vector<32x1xf32> to vector<32x15xf32>
    %mul3A_95 = vector.broadcast %get3A_93 : vector<1x15xf32> to vector<32x15xf32>
    %mul3A_96 = arith.mulf %mul3A_94, %mul3A_95 : vector<32x15xf32>
    %add3A_97 = arith.addf %add3A_89, %mul3A_96 : vector<32x15xf32>
    %mul3A_98 = arith.constant 2.000000e+00 : f32
    %mul3A_99 = vector.broadcast %mul3A_98 : f32 to vector<32x15xf32>
    %mul3A_100 = arith.mulf %mul3A_99, %add3A_97 : vector<32x15xf32>
    %sub3A_101 = vector.broadcast %broadcast_in_dim3A_74 : vector<32x1xf32> to vector<32x15xf32>
    %sub3A_102 = arith.subf %sub3A_101, %mul3A_100 : vector<32x15xf32>
    %get3A_103 = arith.constant 0 : index
    %get3A_104 = arith.constant 0 : index
    %get3A_105 = vector.load %arg5[%get3A_103, %get3A_104] : memref<1x15xf32, #tpu.memory_space<vmem>>, vector<1x15xf32>
    %add3A_106 = vector.broadcast %get3A_105 : vector<1x15xf32> to vector<32x15xf32>
    %add3A_107 = arith.addf %sub3A_102, %add3A_106 : vector<32x15xf32>
    %max3A_108 = arith.constant 0.000000e+00 : f32
    %max3A_109 = vector.broadcast %max3A_108 : f32 to vector<32x15xf32>
    %max3A_110 = arith.maximumf %add3A_107, %max3A_109 : vector<32x15xf32>
    %add3A_111 = arith.constant 9.99999996E-13 : f32
    %add3A_112 = vector.broadcast %add3A_111 : f32 to vector<32x15xf32>
    %add3A_113 = arith.addf %max3A_110, %add3A_112 : vector<32x15xf32>
    %sqrt3A_114 = math.sqrt %add3A_113 : vector<32x15xf32>
    %mul3A_115 = arith.constant 1.000000e+01 : f32
    %mul3A_116 = vector.broadcast %mul3A_115 : f32 to vector<32x15xf32>
    %mul3A_117 = arith.mulf %sqrt3A_114, %mul3A_116 : vector<32x15xf32>
    %sub3A_118 = arith.constant 1.000000e+00 : f32
    %sub3A_119 = vector.broadcast %sub3A_118 : f32 to vector<32x15xf32>
    %sub3A_120 = arith.subf %sub3A_119, %mul3A_117 : vector<32x15xf32>
    %max3A_121 = arith.constant 0.000000e+00 : f32
    %max3A_122 = vector.broadcast %max3A_121 : f32 to vector<32x15xf32>
    %max3A_123 = arith.maximumf %max3A_122, %sub3A_120 : vector<32x15xf32>
    %get3A_124 = arith.constant 0 : index
    %get3A_125 = arith.constant 0 : index
    %get3A_126 = vector.load %arg6[%get3A_124, %get3A_125] : memref<15x1920xf32, #tpu.memory_space<vmem>>, vector<15x1920xf32>
    %dot_general3A_127 = arith.constant dense<0.000000e+00> : vector<32x1920xf32>
    %dot_general3A_128 = tpu.matmul %max3A_123, %get3A_126, %dot_general3A_127 {dimension_numbers = #tpu.dot_dimension_numbers<[1], [0], [0], [1], [0, 0, 1, 1], [], []>, transpose_lhs_hint = false} : vector<32x15xf32>, vector<15x1920xf32>, vector<32x1920xf32> -> vector<32x1920xf32>
    %concatenate3A_129 = tpu.concatenate %slice3A_68, %slice3A_68, %slice3A_68, %slice3A_68, %slice3A_68, %slice3A_68, %slice3A_68, %slice3A_68, %slice3A_68, %slice3A_68, %slice3A_68, %slice3A_68, %slice3A_68, %slice3A_68, %slice3A_68 in 1 : vector<32x128xf32>, vector<32x128xf32>, vector<32x128xf32>, vector<32x128xf32>, vector<32x128xf32>, vector<32x128xf32>, vector<32x128xf32>, vector<32x128xf32>, vector<32x128xf32>, vector<32x128xf32>, vector<32x128xf32>, vector<32x128xf32>, vector<32x128xf32>, vector<32x128xf32>, vector<32x128xf32> -> vector<32x1920xf32>
    %mul3A_130 = arith.mulf %dot_general3A_128, %concatenate3A_129 : vector<32x1920xf32>
    %add3A_131 = arith.addf %add3A_62, %mul3A_130 : vector<32x1920xf32>
    %get3A_132 = arith.constant 2 : index
    %get3A_133 = arith.constant 0 : index
    %get3A_134 = arith.constant 0 : index
    %get3A_135 = vector.load %arg1[%get3A_132, %get3A_133, %get3A_134] : memref<32x32x256xf32, #tpu.memory_space<vmem>>, vector<1x32x256xf32>
    %get3A_136 = vector.shape_cast %get3A_135 : vector<1x32x256xf32> to vector<32x256xf32>
    %slice3A_137 = vector.extract_strided_slice %get3A_136 {offsets = [0, 0], sizes = [32, 128], strides = [1, 1]} : vector<32x256xf32> to vector<32x128xf32>
    %slice3A_138 = vector.extract_strided_slice %get3A_136 {offsets = [0, 128], sizes = [32, 3], strides = [1, 1]} : vector<32x256xf32> to vector<32x3xf32>
    %sub3A_139 = arith.subf %slice3A_138, %get3A_1 : vector<32x3xf32>
    %mul3A_140 = arith.mulf %sub3A_139, %sub3A_139 : vector<32x3xf32>
    %reduce_sum3A_141 = arith.constant dense<0.000000e+00> : vector<32xf32>
    %reduce_sum3A_142 = vector.multi_reduction <add>, %mul3A_140, %reduce_sum3A_141 [1] : vector<32x3xf32> to vector<32xf32>
    %broadcast_in_dim3A_143 = vector.shape_cast %reduce_sum3A_142 : vector<32xf32> to vector<32x1xf32>
    %slice3A_144 = vector.extract_strided_slice %sub3A_139 {offsets = [0, 0], sizes = [32, 1], strides = [1, 1]} : vector<32x3xf32> to vector<32x1xf32>
    %get3A_145 = arith.constant 0 : index
    %get3A_146 = arith.constant 0 : index
    %get3A_147 = vector.load %arg4[%get3A_145, %get3A_146] : memref<3x15xf32, #tpu.memory_space<vmem>>, vector<1x15xf32>
    %mul3A_148 = vector.broadcast %slice3A_144 : vector<32x1xf32> to vector<32x15xf32>
    %mul3A_149 = vector.broadcast %get3A_147 : vector<1x15xf32> to vector<32x15xf32>
    %mul3A_150 = arith.mulf %mul3A_148, %mul3A_149 : vector<32x15xf32>
    %slice3A_151 = vector.extract_strided_slice %sub3A_139 {offsets = [0, 1], sizes = [32, 1], strides = [1, 1]} : vector<32x3xf32> to vector<32x1xf32>
    %get3A_152 = arith.constant 1 : index
    %get3A_153 = arith.constant 0 : index
    %get3A_154 = vector.load %arg4[%get3A_152, %get3A_153] : memref<3x15xf32, #tpu.memory_space<vmem>>, vector<1x15xf32>
    %mul3A_155 = vector.broadcast %slice3A_151 : vector<32x1xf32> to vector<32x15xf32>
    %mul3A_156 = vector.broadcast %get3A_154 : vector<1x15xf32> to vector<32x15xf32>
    %mul3A_157 = arith.mulf %mul3A_155, %mul3A_156 : vector<32x15xf32>
    %add3A_158 = arith.addf %mul3A_150, %mul3A_157 : vector<32x15xf32>
    %slice3A_159 = vector.extract_strided_slice %sub3A_139 {offsets = [0, 2], sizes = [32, 1], strides = [1, 1]} : vector<32x3xf32> to vector<32x1xf32>
    %get3A_160 = arith.constant 2 : index
    %get3A_161 = arith.constant 0 : index
    %get3A_162 = vector.load %arg4[%get3A_160, %get3A_161] : memref<3x15xf32, #tpu.memory_space<vmem>>, vector<1x15xf32>
    %mul3A_163 = vector.broadcast %slice3A_159 : vector<32x1xf32> to vector<32x15xf32>
    %mul3A_164 = vector.broadcast %get3A_162 : vector<1x15xf32> to vector<32x15xf32>
    %mul3A_165 = arith.mulf %mul3A_163, %mul3A_164 : vector<32x15xf32>
    %add3A_166 = arith.addf %add3A_158, %mul3A_165 : vector<32x15xf32>
    %mul3A_167 = arith.constant 2.000000e+00 : f32
    %mul3A_168 = vector.broadcast %mul3A_167 : f32 to vector<32x15xf32>
    %mul3A_169 = arith.mulf %mul3A_168, %add3A_166 : vector<32x15xf32>
    %sub3A_170 = vector.broadcast %broadcast_in_dim3A_143 : vector<32x1xf32> to vector<32x15xf32>
    %sub3A_171 = arith.subf %sub3A_170, %mul3A_169 : vector<32x15xf32>
    %get3A_172 = arith.constant 0 : index
    %get3A_173 = arith.constant 0 : index
    %get3A_174 = vector.load %arg5[%get3A_172, %get3A_173] : memref<1x15xf32, #tpu.memory_space<vmem>>, vector<1x15xf32>
    %add3A_175 = vector.broadcast %get3A_174 : vector<1x15xf32> to vector<32x15xf32>
    %add3A_176 = arith.addf %sub3A_171, %add3A_175 : vector<32x15xf32>
    %max3A_177 = arith.constant 0.000000e+00 : f32
    %max3A_178 = vector.broadcast %max3A_177 : f32 to vector<32x15xf32>
    %max3A_179 = arith.maximumf %add3A_176, %max3A_178 : vector<32x15xf32>
    %add3A_180 = arith.constant 9.99999996E-13 : f32
    %add3A_181 = vector.broadcast %add3A_180 : f32 to vector<32x15xf32>
    %add3A_182 = arith.addf %max3A_179, %add3A_181 : vector<32x15xf32>
    %sqrt3A_183 = math.sqrt %add3A_182 : vector<32x15xf32>
    %mul3A_184 = arith.constant 1.000000e+01 : f32
    %mul3A_185 = vector.broadcast %mul3A_184 : f32 to vector<32x15xf32>
    %mul3A_186 = arith.mulf %sqrt3A_183, %mul3A_185 : vector<32x15xf32>
    %sub3A_187 = arith.constant 1.000000e+00 : f32
    %sub3A_188 = vector.broadcast %sub3A_187 : f32 to vector<32x15xf32>
    %sub3A_189 = arith.subf %sub3A_188, %mul3A_186 : vector<32x15xf32>
    %max3A_190 = arith.constant 0.000000e+00 : f32
    %max3A_191 = vector.broadcast %max3A_190 : f32 to vector<32x15xf32>
    %max3A_192 = arith.maximumf %max3A_191, %sub3A_189 : vector<32x15xf32>
    %get3A_193 = arith.constant 0 : index
    %get3A_194 = arith.constant 0 : index
    %get3A_195 = vector.load %arg6[%get3A_193, %get3A_194] : memref<15x1920xf32, #tpu.memory_space<vmem>>, vector<15x1920xf32>
    %dot_general3A_196 = arith.constant dense<0.000000e+00> : vector<32x1920xf32>
    %dot_general3A_197 = tpu.matmul %max3A_192, %get3A_195, %dot_general3A_196 {dimension_numbers = #tpu.dot_dimension_numbers<[1], [0], [0], [1], [0, 0, 1, 1], [], []>, transpose_lhs_hint = false} : vector<32x15xf32>, vector<15x1920xf32>, vector<32x1920xf32> -> vector<32x1920xf32>
    %concatenate3A_198 = tpu.concatenate %slice3A_137, %slice3A_137, %slice3A_137, %slice3A_137, %slice3A_137, %slice3A_137, %slice3A_137, %slice3A_137, %slice3A_137, %slice3A_137, %slice3A_137, %slice3A_137, %slice3A_137, %slice3A_137, %slice3A_137 in 1 : vector<32x128xf32>, vector<32x128xf32>, vector<32x128xf32>, vector<32x128xf32>, vector<32x128xf32>, vector<32x128xf32>, vector<32x128xf32>, vector<32x128xf32>, vector<32x128xf32>, vector<32x128xf32>, vector<32x128xf32>, vector<32x128xf32>, vector<32x128xf32>, vector<32x128xf32>, vector<32x128xf32> -> vector<32x1920xf32>
    %mul3A_199 = arith.mulf %dot_general3A_197, %concatenate3A_198 : vector<32x1920xf32>
    %add3A_200 = arith.addf %add3A_131, %mul3A_199 : vector<32x1920xf32>
    %get3A_201 = arith.constant 3 : index
    %get3A_202 = arith.constant 0 : index
    %get3A_203 = arith.constant 0 : index
    %get3A_204 = vector.load %arg1[%get3A_201, %get3A_202, %get3A_203] : memref<32x32x256xf32, #tpu.memory_space<vmem>>, vector<1x32x256xf32>
    %get3A_205 = vector.shape_cast %get3A_204 : vector<1x32x256xf32> to vector<32x256xf32>
    %slice3A_206 = vector.extract_strided_slice %get3A_205 {offsets = [0, 0], sizes = [32, 128], strides = [1, 1]} : vector<32x256xf32> to vector<32x128xf32>
    %slice3A_207 = vector.extract_strided_slice %get3A_205 {offsets = [0, 128], sizes = [32, 3], strides = [1, 1]} : vector<32x256xf32> to vector<32x3xf32>
    %sub3A_208 = arith.subf %slice3A_207, %get3A_1 : vector<32x3xf32>
    %mul3A_209 = arith.mulf %sub3A_208, %sub3A_208 : vector<32x3xf32>
    %reduce_sum3A_210 = arith.constant dense<0.000000e+00> : vector<32xf32>
    %reduce_sum3A_211 = vector.multi_reduction <add>, %mul3A_209, %reduce_sum3A_210 [1] : vector<32x3xf32> to vector<32xf32>
    %broadcast_in_dim3A_212 = vector.shape_cast %reduce_sum3A_211 : vector<32xf32> to vector<32x1xf32>
    %slice3A_213 = vector.extract_strided_slice %sub3A_208 {offsets = [0, 0], sizes = [32, 1], strides = [1, 1]} : vector<32x3xf32> to vector<32x1xf32>
    %get3A_214 = arith.constant 0 : index
    %get3A_215 = arith.constant 0 : index
    %get3A_216 = vector.load %arg4[%get3A_214, %get3A_215] : memref<3x15xf32, #tpu.memory_space<vmem>>, vector<1x15xf32>
    %mul3A_217 = vector.broadcast %slice3A_213 : vector<32x1xf32> to vector<32x15xf32>
    %mul3A_218 = vector.broadcast %get3A_216 : vector<1x15xf32> to vector<32x15xf32>
    %mul3A_219 = arith.mulf %mul3A_217, %mul3A_218 : vector<32x15xf32>
    %slice3A_220 = vector.extract_strided_slice %sub3A_208 {offsets = [0, 1], sizes = [32, 1], strides = [1, 1]} : vector<32x3xf32> to vector<32x1xf32>
    %get3A_221 = arith.constant 1 : index
    %get3A_222 = arith.constant 0 : index
    %get3A_223 = vector.load %arg4[%get3A_221, %get3A_222] : memref<3x15xf32, #tpu.memory_space<vmem>>, vector<1x15xf32>
    %mul3A_224 = vector.broadcast %slice3A_220 : vector<32x1xf32> to vector<32x15xf32>
    %mul3A_225 = vector.broadcast %get3A_223 : vector<1x15xf32> to vector<32x15xf32>
    %mul3A_226 = arith.mulf %mul3A_224, %mul3A_225 : vector<32x15xf32>
    %add3A_227 = arith.addf %mul3A_219, %mul3A_226 : vector<32x15xf32>
    %slice3A_228 = vector.extract_strided_slice %sub3A_208 {offsets = [0, 2], sizes = [32, 1], strides = [1, 1]} : vector<32x3xf32> to vector<32x1xf32>
    %get3A_229 = arith.constant 2 : index
    %get3A_230 = arith.constant 0 : index
    %get3A_231 = vector.load %arg4[%get3A_229, %get3A_230] : memref<3x15xf32, #tpu.memory_space<vmem>>, vector<1x15xf32>
    %mul3A_232 = vector.broadcast %slice3A_228 : vector<32x1xf32> to vector<32x15xf32>
    %mul3A_233 = vector.broadcast %get3A_231 : vector<1x15xf32> to vector<32x15xf32>
    %mul3A_234 = arith.mulf %mul3A_232, %mul3A_233 : vector<32x15xf32>
    %add3A_235 = arith.addf %add3A_227, %mul3A_234 : vector<32x15xf32>
    %mul3A_236 = arith.constant 2.000000e+00 : f32
    %mul3A_237 = vector.broadcast %mul3A_236 : f32 to vector<32x15xf32>
    %mul3A_238 = arith.mulf %mul3A_237, %add3A_235 : vector<32x15xf32>
    %sub3A_239 = vector.broadcast %broadcast_in_dim3A_212 : vector<32x1xf32> to vector<32x15xf32>
    %sub3A_240 = arith.subf %sub3A_239, %mul3A_238 : vector<32x15xf32>
    %get3A_241 = arith.constant 0 : index
    %get3A_242 = arith.constant 0 : index
    %get3A_243 = vector.load %arg5[%get3A_241, %get3A_242] : memref<1x15xf32, #tpu.memory_space<vmem>>, vector<1x15xf32>
    %add3A_244 = vector.broadcast %get3A_243 : vector<1x15xf32> to vector<32x15xf32>
    %add3A_245 = arith.addf %sub3A_240, %add3A_244 : vector<32x15xf32>
    %max3A_246 = arith.constant 0.000000e+00 : f32
    %max3A_247 = vector.broadcast %max3A_246 : f32 to vector<32x15xf32>
    %max3A_248 = arith.maximumf %add3A_245, %max3A_247 : vector<32x15xf32>
    %add3A_249 = arith.constant 9.99999996E-13 : f32
    %add3A_250 = vector.broadcast %add3A_249 : f32 to vector<32x15xf32>
    %add3A_251 = arith.addf %max3A_248, %add3A_250 : vector<32x15xf32>
    %sqrt3A_252 = math.sqrt %add3A_251 : vector<32x15xf32>
    %mul3A_253 = arith.constant 1.000000e+01 : f32
    %mul3A_254 = vector.broadcast %mul3A_253 : f32 to vector<32x15xf32>
    %mul3A_255 = arith.mulf %sqrt3A_252, %mul3A_254 : vector<32x15xf32>
    %sub3A_256 = arith.constant 1.000000e+00 : f32
    %sub3A_257 = vector.broadcast %sub3A_256 : f32 to vector<32x15xf32>
    %sub3A_258 = arith.subf %sub3A_257, %mul3A_255 : vector<32x15xf32>
    %max3A_259 = arith.constant 0.000000e+00 : f32
    %max3A_260 = vector.broadcast %max3A_259 : f32 to vector<32x15xf32>
    %max3A_261 = arith.maximumf %max3A_260, %sub3A_258 : vector<32x15xf32>
    %get3A_262 = arith.constant 0 : index
    %get3A_263 = arith.constant 0 : index
    %get3A_264 = vector.load %arg6[%get3A_262, %get3A_263] : memref<15x1920xf32, #tpu.memory_space<vmem>>, vector<15x1920xf32>
    %dot_general3A_265 = arith.constant dense<0.000000e+00> : vector<32x1920xf32>
    %dot_general3A_266 = tpu.matmul %max3A_261, %get3A_264, %dot_general3A_265 {dimension_numbers = #tpu.dot_dimension_numbers<[1], [0], [0], [1], [0, 0, 1, 1], [], []>, transpose_lhs_hint = false} : vector<32x15xf32>, vector<15x1920xf32>, vector<32x1920xf32> -> vector<32x1920xf32>
    %concatenate3A_267 = tpu.concatenate %slice3A_206, %slice3A_206, %slice3A_206, %slice3A_206, %slice3A_206, %slice3A_206, %slice3A_206, %slice3A_206, %slice3A_206, %slice3A_206, %slice3A_206, %slice3A_206, %slice3A_206, %slice3A_206, %slice3A_206 in 1 : vector<32x128xf32>, vector<32x128xf32>, vector<32x128xf32>, vector<32x128xf32>, vector<32x128xf32>, vector<32x128xf32>, vector<32x128xf32>, vector<32x128xf32>, vector<32x128xf32>, vector<32x128xf32>, vector<32x128xf32>, vector<32x128xf32>, vector<32x128xf32>, vector<32x128xf32>, vector<32x128xf32> -> vector<32x1920xf32>
    %mul3A_268 = arith.mulf %dot_general3A_266, %concatenate3A_267 : vector<32x1920xf32>
    %add3A_269 = arith.addf %add3A_200, %mul3A_268 : vector<32x1920xf32>
    %get3A_270 = arith.constant 4 : index
    %get3A_271 = arith.constant 0 : index
    %get3A_272 = arith.constant 0 : index
    %get3A_273 = vector.load %arg1[%get3A_270, %get3A_271, %get3A_272] : memref<32x32x256xf32, #tpu.memory_space<vmem>>, vector<1x32x256xf32>
    %get3A_274 = vector.shape_cast %get3A_273 : vector<1x32x256xf32> to vector<32x256xf32>
    %slice3A_275 = vector.extract_strided_slice %get3A_274 {offsets = [0, 0], sizes = [32, 128], strides = [1, 1]} : vector<32x256xf32> to vector<32x128xf32>
    %slice3A_276 = vector.extract_strided_slice %get3A_274 {offsets = [0, 128], sizes = [32, 3], strides = [1, 1]} : vector<32x256xf32> to vector<32x3xf32>
    %sub3A_277 = arith.subf %slice3A_276, %get3A_1 : vector<32x3xf32>
    %mul3A_278 = arith.mulf %sub3A_277, %sub3A_277 : vector<32x3xf32>
    %reduce_sum3A_279 = arith.constant dense<0.000000e+00> : vector<32xf32>
    %reduce_sum3A_280 = vector.multi_reduction <add>, %mul3A_278, %reduce_sum3A_279 [1] : vector<32x3xf32> to vector<32xf32>
    %broadcast_in_dim3A_281 = vector.shape_cast %reduce_sum3A_280 : vector<32xf32> to vector<32x1xf32>
    %slice3A_282 = vector.extract_strided_slice %sub3A_277 {offsets = [0, 0], sizes = [32, 1], strides = [1, 1]} : vector<32x3xf32> to vector<32x1xf32>
    %get3A_283 = arith.constant 0 : index
    %get3A_284 = arith.constant 0 : index
    %get3A_285 = vector.load %arg4[%get3A_283, %get3A_284] : memref<3x15xf32, #tpu.memory_space<vmem>>, vector<1x15xf32>
    %mul3A_286 = vector.broadcast %slice3A_282 : vector<32x1xf32> to vector<32x15xf32>
    %mul3A_287 = vector.broadcast %get3A_285 : vector<1x15xf32> to vector<32x15xf32>
    %mul3A_288 = arith.mulf %mul3A_286, %mul3A_287 : vector<32x15xf32>
    %slice3A_289 = vector.extract_strided_slice %sub3A_277 {offsets = [0, 1], sizes = [32, 1], strides = [1, 1]} : vector<32x3xf32> to vector<32x1xf32>
    %get3A_290 = arith.constant 1 : index
    %get3A_291 = arith.constant 0 : index
    %get3A_292 = vector.load %arg4[%get3A_290, %get3A_291] : memref<3x15xf32, #tpu.memory_space<vmem>>, vector<1x15xf32>
    %mul3A_293 = vector.broadcast %slice3A_289 : vector<32x1xf32> to vector<32x15xf32>
    %mul3A_294 = vector.broadcast %get3A_292 : vector<1x15xf32> to vector<32x15xf32>
    %mul3A_295 = arith.mulf %mul3A_293, %mul3A_294 : vector<32x15xf32>
    %add3A_296 = arith.addf %mul3A_288, %mul3A_295 : vector<32x15xf32>
    %slice3A_297 = vector.extract_strided_slice %sub3A_277 {offsets = [0, 2], sizes = [32, 1], strides = [1, 1]} : vector<32x3xf32> to vector<32x1xf32>
    %get3A_298 = arith.constant 2 : index
    %get3A_299 = arith.constant 0 : index
    %get3A_300 = vector.load %arg4[%get3A_298, %get3A_299] : memref<3x15xf32, #tpu.memory_space<vmem>>, vector<1x15xf32>
    %mul3A_301 = vector.broadcast %slice3A_297 : vector<32x1xf32> to vector<32x15xf32>
    %mul3A_302 = vector.broadcast %get3A_300 : vector<1x15xf32> to vector<32x15xf32>
    %mul3A_303 = arith.mulf %mul3A_301, %mul3A_302 : vector<32x15xf32>
    %add3A_304 = arith.addf %add3A_296, %mul3A_303 : vector<32x15xf32>
    %mul3A_305 = arith.constant 2.000000e+00 : f32
    %mul3A_306 = vector.broadcast %mul3A_305 : f32 to vector<32x15xf32>
    %mul3A_307 = arith.mulf %mul3A_306, %add3A_304 : vector<32x15xf32>
    %sub3A_308 = vector.broadcast %broadcast_in_dim3A_281 : vector<32x1xf32> to vector<32x15xf32>
    %sub3A_309 = arith.subf %sub3A_308, %mul3A_307 : vector<32x15xf32>
    %get3A_310 = arith.constant 0 : index
    %get3A_311 = arith.constant 0 : index
    %get3A_312 = vector.load %arg5[%get3A_310, %get3A_311] : memref<1x15xf32, #tpu.memory_space<vmem>>, vector<1x15xf32>
    %add3A_313 = vector.broadcast %get3A_312 : vector<1x15xf32> to vector<32x15xf32>
    %add3A_314 = arith.addf %sub3A_309, %add3A_313 : vector<32x15xf32>
    %max3A_315 = arith.constant 0.000000e+00 : f32
    %max3A_316 = vector.broadcast %max3A_315 : f32 to vector<32x15xf32>
    %max3A_317 = arith.maximumf %add3A_314, %max3A_316 : vector<32x15xf32>
    %add3A_318 = arith.constant 9.99999996E-13 : f32
    %add3A_319 = vector.broadcast %add3A_318 : f32 to vector<32x15xf32>
    %add3A_320 = arith.addf %max3A_317, %add3A_319 : vector<32x15xf32>
    %sqrt3A_321 = math.sqrt %add3A_320 : vector<32x15xf32>
    %mul3A_322 = arith.constant 1.000000e+01 : f32
    %mul3A_323 = vector.broadcast %mul3A_322 : f32 to vector<32x15xf32>
    %mul3A_324 = arith.mulf %sqrt3A_321, %mul3A_323 : vector<32x15xf32>
    %sub3A_325 = arith.constant 1.000000e+00 : f32
    %sub3A_326 = vector.broadcast %sub3A_325 : f32 to vector<32x15xf32>
    %sub3A_327 = arith.subf %sub3A_326, %mul3A_324 : vector<32x15xf32>
    %max3A_328 = arith.constant 0.000000e+00 : f32
    %max3A_329 = vector.broadcast %max3A_328 : f32 to vector<32x15xf32>
    %max3A_330 = arith.maximumf %max3A_329, %sub3A_327 : vector<32x15xf32>
    %get3A_331 = arith.constant 0 : index
    %get3A_332 = arith.constant 0 : index
    %get3A_333 = vector.load %arg6[%get3A_331, %get3A_332] : memref<15x1920xf32, #tpu.memory_space<vmem>>, vector<15x1920xf32>
    %dot_general3A_334 = arith.constant dense<0.000000e+00> : vector<32x1920xf32>
    %dot_general3A_335 = tpu.matmul %max3A_330, %get3A_333, %dot_general3A_334 {dimension_numbers = #tpu.dot_dimension_numbers<[1], [0], [0], [1], [0, 0, 1, 1], [], []>, transpose_lhs_hint = false} : vector<32x15xf32>, vector<15x1920xf32>, vector<32x1920xf32> -> vector<32x1920xf32>
    %concatenate3A_336 = tpu.concatenate %slice3A_275, %slice3A_275, %slice3A_275, %slice3A_275, %slice3A_275, %slice3A_275, %slice3A_275, %slice3A_275, %slice3A_275, %slice3A_275, %slice3A_275, %slice3A_275, %slice3A_275, %slice3A_275, %slice3A_275 in 1 : vector<32x128xf32>, vector<32x128xf32>, vector<32x128xf32>, vector<32x128xf32>, vector<32x128xf32>, vector<32x128xf32>, vector<32x128xf32>, vector<32x128xf32>, vector<32x128xf32>, vector<32x128xf32>, vector<32x128xf32>, vector<32x128xf32>, vector<32x128xf32>, vector<32x128xf32>, vector<32x128xf32> -> vector<32x1920xf32>
    %mul3A_337 = arith.mulf %dot_general3A_335, %concatenate3A_336 : vector<32x1920xf32>
    %add3A_338 = arith.addf %add3A_269, %mul3A_337 : vector<32x1920xf32>
    %get3A_339 = arith.constant 5 : index
    %get3A_340 = arith.constant 0 : index
    %get3A_341 = arith.constant 0 : index
    %get3A_342 = vector.load %arg1[%get3A_339, %get3A_340, %get3A_341] : memref<32x32x256xf32, #tpu.memory_space<vmem>>, vector<1x32x256xf32>
    %get3A_343 = vector.shape_cast %get3A_342 : vector<1x32x256xf32> to vector<32x256xf32>
    %slice3A_344 = vector.extract_strided_slice %get3A_343 {offsets = [0, 0], sizes = [32, 128], strides = [1, 1]} : vector<32x256xf32> to vector<32x128xf32>
    %slice3A_345 = vector.extract_strided_slice %get3A_343 {offsets = [0, 128], sizes = [32, 3], strides = [1, 1]} : vector<32x256xf32> to vector<32x3xf32>
    %sub3A_346 = arith.subf %slice3A_345, %get3A_1 : vector<32x3xf32>
    %mul3A_347 = arith.mulf %sub3A_346, %sub3A_346 : vector<32x3xf32>
    %reduce_sum3A_348 = arith.constant dense<0.000000e+00> : vector<32xf32>
    %reduce_sum3A_349 = vector.multi_reduction <add>, %mul3A_347, %reduce_sum3A_348 [1] : vector<32x3xf32> to vector<32xf32>
    %broadcast_in_dim3A_350 = vector.shape_cast %reduce_sum3A_349 : vector<32xf32> to vector<32x1xf32>
    %slice3A_351 = vector.extract_strided_slice %sub3A_346 {offsets = [0, 0], sizes = [32, 1], strides = [1, 1]} : vector<32x3xf32> to vector<32x1xf32>
    %get3A_352 = arith.constant 0 : index
    %get3A_353 = arith.constant 0 : index
    %get3A_354 = vector.load %arg4[%get3A_352, %get3A_353] : memref<3x15xf32, #tpu.memory_space<vmem>>, vector<1x15xf32>
    %mul3A_355 = vector.broadcast %slice3A_351 : vector<32x1xf32> to vector<32x15xf32>
    %mul3A_356 = vector.broadcast %get3A_354 : vector<1x15xf32> to vector<32x15xf32>
    %mul3A_357 = arith.mulf %mul3A_355, %mul3A_356 : vector<32x15xf32>
    %slice3A_358 = vector.extract_strided_slice %sub3A_346 {offsets = [0, 1], sizes = [32, 1], strides = [1, 1]} : vector<32x3xf32> to vector<32x1xf32>
    %get3A_359 = arith.constant 1 : index
    %get3A_360 = arith.constant 0 : index
    %get3A_361 = vector.load %arg4[%get3A_359, %get3A_360] : memref<3x15xf32, #tpu.memory_space<vmem>>, vector<1x15xf32>
    %mul3A_362 = vector.broadcast %slice3A_358 : vector<32x1xf32> to vector<32x15xf32>
    %mul3A_363 = vector.broadcast %get3A_361 : vector<1x15xf32> to vector<32x15xf32>
    %mul3A_364 = arith.mulf %mul3A_362, %mul3A_363 : vector<32x15xf32>
    %add3A_365 = arith.addf %mul3A_357, %mul3A_364 : vector<32x15xf32>
    %slice3A_366 = vector.extract_strided_slice %sub3A_346 {offsets = [0, 2], sizes = [32, 1], strides = [1, 1]} : vector<32x3xf32> to vector<32x1xf32>
    %get3A_367 = arith.constant 2 : index
    %get3A_368 = arith.constant 0 : index
    %get3A_369 = vector.load %arg4[%get3A_367, %get3A_368] : memref<3x15xf32, #tpu.memory_space<vmem>>, vector<1x15xf32>
    %mul3A_370 = vector.broadcast %slice3A_366 : vector<32x1xf32> to vector<32x15xf32>
    %mul3A_371 = vector.broadcast %get3A_369 : vector<1x15xf32> to vector<32x15xf32>
    %mul3A_372 = arith.mulf %mul3A_370, %mul3A_371 : vector<32x15xf32>
    %add3A_373 = arith.addf %add3A_365, %mul3A_372 : vector<32x15xf32>
    %mul3A_374 = arith.constant 2.000000e+00 : f32
    %mul3A_375 = vector.broadcast %mul3A_374 : f32 to vector<32x15xf32>
    %mul3A_376 = arith.mulf %mul3A_375, %add3A_373 : vector<32x15xf32>
    %sub3A_377 = vector.broadcast %broadcast_in_dim3A_350 : vector<32x1xf32> to vector<32x15xf32>
    %sub3A_378 = arith.subf %sub3A_377, %mul3A_376 : vector<32x15xf32>
    %get3A_379 = arith.constant 0 : index
    %get3A_380 = arith.constant 0 : index
    %get3A_381 = vector.load %arg5[%get3A_379, %get3A_380] : memref<1x15xf32, #tpu.memory_space<vmem>>, vector<1x15xf32>
    %add3A_382 = vector.broadcast %get3A_381 : vector<1x15xf32> to vector<32x15xf32>
    %add3A_383 = arith.addf %sub3A_378, %add3A_382 : vector<32x15xf32>
    %max3A_384 = arith.constant 0.000000e+00 : f32
    %max3A_385 = vector.broadcast %max3A_384 : f32 to vector<32x15xf32>
    %max3A_386 = arith.maximumf %add3A_383, %max3A_385 : vector<32x15xf32>
    %add3A_387 = arith.constant 9.99999996E-13 : f32
    %add3A_388 = vector.broadcast %add3A_387 : f32 to vector<32x15xf32>
    %add3A_389 = arith.addf %max3A_386, %add3A_388 : vector<32x15xf32>
    %sqrt3A_390 = math.sqrt %add3A_389 : vector<32x15xf32>
    %mul3A_391 = arith.constant 1.000000e+01 : f32
    %mul3A_392 = vector.broadcast %mul3A_391 : f32 to vector<32x15xf32>
    %mul3A_393 = arith.mulf %sqrt3A_390, %mul3A_392 : vector<32x15xf32>
    %sub3A_394 = arith.constant 1.000000e+00 : f32
    %sub3A_395 = vector.broadcast %sub3A_394 : f32 to vector<32x15xf32>
    %sub3A_396 = arith.subf %sub3A_395, %mul3A_393 : vector<32x15xf32>
    %max3A_397 = arith.constant 0.000000e+00 : f32
    %max3A_398 = vector.broadcast %max3A_397 : f32 to vector<32x15xf32>
    %max3A_399 = arith.maximumf %max3A_398, %sub3A_396 : vector<32x15xf32>
    %get3A_400 = arith.constant 0 : index
    %get3A_401 = arith.constant 0 : index
    %get3A_402 = vector.load %arg6[%get3A_400, %get3A_401] : memref<15x1920xf32, #tpu.memory_space<vmem>>, vector<15x1920xf32>
    %dot_general3A_403 = arith.constant dense<0.000000e+00> : vector<32x1920xf32>
    %dot_general3A_404 = tpu.matmul %max3A_399, %get3A_402, %dot_general3A_403 {dimension_numbers = #tpu.dot_dimension_numbers<[1], [0], [0], [1], [0, 0, 1, 1], [], []>, transpose_lhs_hint = false} : vector<32x15xf32>, vector<15x1920xf32>, vector<32x1920xf32> -> vector<32x1920xf32>
    %concatenate3A_405 = tpu.concatenate %slice3A_344, %slice3A_344, %slice3A_344, %slice3A_344, %slice3A_344, %slice3A_344, %slice3A_344, %slice3A_344, %slice3A_344, %slice3A_344, %slice3A_344, %slice3A_344, %slice3A_344, %slice3A_344, %slice3A_344 in 1 : vector<32x128xf32>, vector<32x128xf32>, vector<32x128xf32>, vector<32x128xf32>, vector<32x128xf32>, vector<32x128xf32>, vector<32x128xf32>, vector<32x128xf32>, vector<32x128xf32>, vector<32x128xf32>, vector<32x128xf32>, vector<32x128xf32>, vector<32x128xf32>, vector<32x128xf32>, vector<32x128xf32> -> vector<32x1920xf32>
    %mul3A_406 = arith.mulf %dot_general3A_404, %concatenate3A_405 : vector<32x1920xf32>
    %add3A_407 = arith.addf %add3A_338, %mul3A_406 : vector<32x1920xf32>
    %get3A_408 = arith.constant 6 : index
    %get3A_409 = arith.constant 0 : index
    %get3A_410 = arith.constant 0 : index
    %get3A_411 = vector.load %arg1[%get3A_408, %get3A_409, %get3A_410] : memref<32x32x256xf32, #tpu.memory_space<vmem>>, vector<1x32x256xf32>
    %get3A_412 = vector.shape_cast %get3A_411 : vector<1x32x256xf32> to vector<32x256xf32>
    %slice3A_413 = vector.extract_strided_slice %get3A_412 {offsets = [0, 0], sizes = [32, 128], strides = [1, 1]} : vector<32x256xf32> to vector<32x128xf32>
    %slice3A_414 = vector.extract_strided_slice %get3A_412 {offsets = [0, 128], sizes = [32, 3], strides = [1, 1]} : vector<32x256xf32> to vector<32x3xf32>
    %sub3A_415 = arith.subf %slice3A_414, %get3A_1 : vector<32x3xf32>
    %mul3A_416 = arith.mulf %sub3A_415, %sub3A_415 : vector<32x3xf32>
    %reduce_sum3A_417 = arith.constant dense<0.000000e+00> : vector<32xf32>
    %reduce_sum3A_418 = vector.multi_reduction <add>, %mul3A_416, %reduce_sum3A_417 [1] : vector<32x3xf32> to vector<32xf32>
    %broadcast_in_dim3A_419 = vector.shape_cast %reduce_sum3A_418 : vector<32xf32> to vector<32x1xf32>
    %slice3A_420 = vector.extract_strided_slice %sub3A_415 {offsets = [0, 0], sizes = [32, 1], strides = [1, 1]} : vector<32x3xf32> to vector<32x1xf32>
    %get3A_421 = arith.constant 0 : index
    %get3A_422 = arith.constant 0 : index
    %get3A_423 = vector.load %arg4[%get3A_421, %get3A_422] : memref<3x15xf32, #tpu.memory_space<vmem>>, vector<1x15xf32>
    %mul3A_424 = vector.broadcast %slice3A_420 : vector<32x1xf32> to vector<32x15xf32>
    %mul3A_425 = vector.broadcast %get3A_423 : vector<1x15xf32> to vector<32x15xf32>
    %mul3A_426 = arith.mulf %mul3A_424, %mul3A_425 : vector<32x15xf32>
    %slice3A_427 = vector.extract_strided_slice %sub3A_415 {offsets = [0, 1], sizes = [32, 1], strides = [1, 1]} : vector<32x3xf32> to vector<32x1xf32>
    %get3A_428 = arith.constant 1 : index
    %get3A_429 = arith.constant 0 : index
    %get3A_430 = vector.load %arg4[%get3A_428, %get3A_429] : memref<3x15xf32, #tpu.memory_space<vmem>>, vector<1x15xf32>
    %mul3A_431 = vector.broadcast %slice3A_427 : vector<32x1xf32> to vector<32x15xf32>
    %mul3A_432 = vector.broadcast %get3A_430 : vector<1x15xf32> to vector<32x15xf32>
    %mul3A_433 = arith.mulf %mul3A_431, %mul3A_432 : vector<32x15xf32>
    %add3A_434 = arith.addf %mul3A_426, %mul3A_433 : vector<32x15xf32>
    %slice3A_435 = vector.extract_strided_slice %sub3A_415 {offsets = [0, 2], sizes = [32, 1], strides = [1, 1]} : vector<32x3xf32> to vector<32x1xf32>
    %get3A_436 = arith.constant 2 : index
    %get3A_437 = arith.constant 0 : index
    %get3A_438 = vector.load %arg4[%get3A_436, %get3A_437] : memref<3x15xf32, #tpu.memory_space<vmem>>, vector<1x15xf32>
    %mul3A_439 = vector.broadcast %slice3A_435 : vector<32x1xf32> to vector<32x15xf32>
    %mul3A_440 = vector.broadcast %get3A_438 : vector<1x15xf32> to vector<32x15xf32>
    %mul3A_441 = arith.mulf %mul3A_439, %mul3A_440 : vector<32x15xf32>
    %add3A_442 = arith.addf %add3A_434, %mul3A_441 : vector<32x15xf32>
    %mul3A_443 = arith.constant 2.000000e+00 : f32
    %mul3A_444 = vector.broadcast %mul3A_443 : f32 to vector<32x15xf32>
    %mul3A_445 = arith.mulf %mul3A_444, %add3A_442 : vector<32x15xf32>
    %sub3A_446 = vector.broadcast %broadcast_in_dim3A_419 : vector<32x1xf32> to vector<32x15xf32>
    %sub3A_447 = arith.subf %sub3A_446, %mul3A_445 : vector<32x15xf32>
    %get3A_448 = arith.constant 0 : index
    %get3A_449 = arith.constant 0 : index
    %get3A_450 = vector.load %arg5[%get3A_448, %get3A_449] : memref<1x15xf32, #tpu.memory_space<vmem>>, vector<1x15xf32>
    %add3A_451 = vector.broadcast %get3A_450 : vector<1x15xf32> to vector<32x15xf32>
    %add3A_452 = arith.addf %sub3A_447, %add3A_451 : vector<32x15xf32>
    %max3A_453 = arith.constant 0.000000e+00 : f32
    %max3A_454 = vector.broadcast %max3A_453 : f32 to vector<32x15xf32>
    %max3A_455 = arith.maximumf %add3A_452, %max3A_454 : vector<32x15xf32>
    %add3A_456 = arith.constant 9.99999996E-13 : f32
    %add3A_457 = vector.broadcast %add3A_456 : f32 to vector<32x15xf32>
    %add3A_458 = arith.addf %max3A_455, %add3A_457 : vector<32x15xf32>
    %sqrt3A_459 = math.sqrt %add3A_458 : vector<32x15xf32>
    %mul3A_460 = arith.constant 1.000000e+01 : f32
    %mul3A_461 = vector.broadcast %mul3A_460 : f32 to vector<32x15xf32>
    %mul3A_462 = arith.mulf %sqrt3A_459, %mul3A_461 : vector<32x15xf32>
    %sub3A_463 = arith.constant 1.000000e+00 : f32
    %sub3A_464 = vector.broadcast %sub3A_463 : f32 to vector<32x15xf32>
    %sub3A_465 = arith.subf %sub3A_464, %mul3A_462 : vector<32x15xf32>
    %max3A_466 = arith.constant 0.000000e+00 : f32
    %max3A_467 = vector.broadcast %max3A_466 : f32 to vector<32x15xf32>
    %max3A_468 = arith.maximumf %max3A_467, %sub3A_465 : vector<32x15xf32>
    %get3A_469 = arith.constant 0 : index
    %get3A_470 = arith.constant 0 : index
    %get3A_471 = vector.load %arg6[%get3A_469, %get3A_470] : memref<15x1920xf32, #tpu.memory_space<vmem>>, vector<15x1920xf32>
    %dot_general3A_472 = arith.constant dense<0.000000e+00> : vector<32x1920xf32>
    %dot_general3A_473 = tpu.matmul %max3A_468, %get3A_471, %dot_general3A_472 {dimension_numbers = #tpu.dot_dimension_numbers<[1], [0], [0], [1], [0, 0, 1, 1], [], []>, transpose_lhs_hint = false} : vector<32x15xf32>, vector<15x1920xf32>, vector<32x1920xf32> -> vector<32x1920xf32>
    %concatenate3A_474 = tpu.concatenate %slice3A_413, %slice3A_413, %slice3A_413, %slice3A_413, %slice3A_413, %slice3A_413, %slice3A_413, %slice3A_413, %slice3A_413, %slice3A_413, %slice3A_413, %slice3A_413, %slice3A_413, %slice3A_413, %slice3A_413 in 1 : vector<32x128xf32>, vector<32x128xf32>, vector<32x128xf32>, vector<32x128xf32>, vector<32x128xf32>, vector<32x128xf32>, vector<32x128xf32>, vector<32x128xf32>, vector<32x128xf32>, vector<32x128xf32>, vector<32x128xf32>, vector<32x128xf32>, vector<32x128xf32>, vector<32x128xf32>, vector<32x128xf32> -> vector<32x1920xf32>
    %mul3A_475 = arith.mulf %dot_general3A_473, %concatenate3A_474 : vector<32x1920xf32>
    %add3A_476 = arith.addf %add3A_407, %mul3A_475 : vector<32x1920xf32>
    %get3A_477 = arith.constant 7 : index
    %get3A_478 = arith.constant 0 : index
    %get3A_479 = arith.constant 0 : index
    %get3A_480 = vector.load %arg1[%get3A_477, %get3A_478, %get3A_479] : memref<32x32x256xf32, #tpu.memory_space<vmem>>, vector<1x32x256xf32>
    %get3A_481 = vector.shape_cast %get3A_480 : vector<1x32x256xf32> to vector<32x256xf32>
    %slice3A_482 = vector.extract_strided_slice %get3A_481 {offsets = [0, 0], sizes = [32, 128], strides = [1, 1]} : vector<32x256xf32> to vector<32x128xf32>
    %slice3A_483 = vector.extract_strided_slice %get3A_481 {offsets = [0, 128], sizes = [32, 3], strides = [1, 1]} : vector<32x256xf32> to vector<32x3xf32>
    %sub3A_484 = arith.subf %slice3A_483, %get3A_1 : vector<32x3xf32>
    %mul3A_485 = arith.mulf %sub3A_484, %sub3A_484 : vector<32x3xf32>
    %reduce_sum3A_486 = arith.constant dense<0.000000e+00> : vector<32xf32>
    %reduce_sum3A_487 = vector.multi_reduction <add>, %mul3A_485, %reduce_sum3A_486 [1] : vector<32x3xf32> to vector<32xf32>
    %broadcast_in_dim3A_488 = vector.shape_cast %reduce_sum3A_487 : vector<32xf32> to vector<32x1xf32>
    %slice3A_489 = vector.extract_strided_slice %sub3A_484 {offsets = [0, 0], sizes = [32, 1], strides = [1, 1]} : vector<32x3xf32> to vector<32x1xf32>
    %get3A_490 = arith.constant 0 : index
    %get3A_491 = arith.constant 0 : index
    %get3A_492 = vector.load %arg4[%get3A_490, %get3A_491] : memref<3x15xf32, #tpu.memory_space<vmem>>, vector<1x15xf32>
    %mul3A_493 = vector.broadcast %slice3A_489 : vector<32x1xf32> to vector<32x15xf32>
    %mul3A_494 = vector.broadcast %get3A_492 : vector<1x15xf32> to vector<32x15xf32>
    %mul3A_495 = arith.mulf %mul3A_493, %mul3A_494 : vector<32x15xf32>
    %slice3A_496 = vector.extract_strided_slice %sub3A_484 {offsets = [0, 1], sizes = [32, 1], strides = [1, 1]} : vector<32x3xf32> to vector<32x1xf32>
    %get3A_497 = arith.constant 1 : index
    %get3A_498 = arith.constant 0 : index
    %get3A_499 = vector.load %arg4[%get3A_497, %get3A_498] : memref<3x15xf32, #tpu.memory_space<vmem>>, vector<1x15xf32>
    %mul3A_500 = vector.broadcast %slice3A_496 : vector<32x1xf32> to vector<32x15xf32>
    %mul3A_501 = vector.broadcast %get3A_499 : vector<1x15xf32> to vector<32x15xf32>
    %mul3A_502 = arith.mulf %mul3A_500, %mul3A_501 : vector<32x15xf32>
    %add3A_503 = arith.addf %mul3A_495, %mul3A_502 : vector<32x15xf32>
    %slice3A_504 = vector.extract_strided_slice %sub3A_484 {offsets = [0, 2], sizes = [32, 1], strides = [1, 1]} : vector<32x3xf32> to vector<32x1xf32>
    %get3A_505 = arith.constant 2 : index
    %get3A_506 = arith.constant 0 : index
    %get3A_507 = vector.load %arg4[%get3A_505, %get3A_506] : memref<3x15xf32, #tpu.memory_space<vmem>>, vector<1x15xf32>
    %mul3A_508 = vector.broadcast %slice3A_504 : vector<32x1xf32> to vector<32x15xf32>
    %mul3A_509 = vector.broadcast %get3A_507 : vector<1x15xf32> to vector<32x15xf32>
    %mul3A_510 = arith.mulf %mul3A_508, %mul3A_509 : vector<32x15xf32>
    %add3A_511 = arith.addf %add3A_503, %mul3A_510 : vector<32x15xf32>
    %mul3A_512 = arith.constant 2.000000e+00 : f32
    %mul3A_513 = vector.broadcast %mul3A_512 : f32 to vector<32x15xf32>
    %mul3A_514 = arith.mulf %mul3A_513, %add3A_511 : vector<32x15xf32>
    %sub3A_515 = vector.broadcast %broadcast_in_dim3A_488 : vector<32x1xf32> to vector<32x15xf32>
    %sub3A_516 = arith.subf %sub3A_515, %mul3A_514 : vector<32x15xf32>
    %get3A_517 = arith.constant 0 : index
    %get3A_518 = arith.constant 0 : index
    %get3A_519 = vector.load %arg5[%get3A_517, %get3A_518] : memref<1x15xf32, #tpu.memory_space<vmem>>, vector<1x15xf32>
    %add3A_520 = vector.broadcast %get3A_519 : vector<1x15xf32> to vector<32x15xf32>
    %add3A_521 = arith.addf %sub3A_516, %add3A_520 : vector<32x15xf32>
    %max3A_522 = arith.constant 0.000000e+00 : f32
    %max3A_523 = vector.broadcast %max3A_522 : f32 to vector<32x15xf32>
    %max3A_524 = arith.maximumf %add3A_521, %max3A_523 : vector<32x15xf32>
    %add3A_525 = arith.constant 9.99999996E-13 : f32
    %add3A_526 = vector.broadcast %add3A_525 : f32 to vector<32x15xf32>
    %add3A_527 = arith.addf %max3A_524, %add3A_526 : vector<32x15xf32>
    %sqrt3A_528 = math.sqrt %add3A_527 : vector<32x15xf32>
    %mul3A_529 = arith.constant 1.000000e+01 : f32
    %mul3A_530 = vector.broadcast %mul3A_529 : f32 to vector<32x15xf32>
    %mul3A_531 = arith.mulf %sqrt3A_528, %mul3A_530 : vector<32x15xf32>
    %sub3A_532 = arith.constant 1.000000e+00 : f32
    %sub3A_533 = vector.broadcast %sub3A_532 : f32 to vector<32x15xf32>
    %sub3A_534 = arith.subf %sub3A_533, %mul3A_531 : vector<32x15xf32>
    %max3A_535 = arith.constant 0.000000e+00 : f32
    %max3A_536 = vector.broadcast %max3A_535 : f32 to vector<32x15xf32>
    %max3A_537 = arith.maximumf %max3A_536, %sub3A_534 : vector<32x15xf32>
    %get3A_538 = arith.constant 0 : index
    %get3A_539 = arith.constant 0 : index
    %get3A_540 = vector.load %arg6[%get3A_538, %get3A_539] : memref<15x1920xf32, #tpu.memory_space<vmem>>, vector<15x1920xf32>
    %dot_general3A_541 = arith.constant dense<0.000000e+00> : vector<32x1920xf32>
    %dot_general3A_542 = tpu.matmul %max3A_537, %get3A_540, %dot_general3A_541 {dimension_numbers = #tpu.dot_dimension_numbers<[1], [0], [0], [1], [0, 0, 1, 1], [], []>, transpose_lhs_hint = false} : vector<32x15xf32>, vector<15x1920xf32>, vector<32x1920xf32> -> vector<32x1920xf32>
    %concatenate3A_543 = tpu.concatenate %slice3A_482, %slice3A_482, %slice3A_482, %slice3A_482, %slice3A_482, %slice3A_482, %slice3A_482, %slice3A_482, %slice3A_482, %slice3A_482, %slice3A_482, %slice3A_482, %slice3A_482, %slice3A_482, %slice3A_482 in 1 : vector<32x128xf32>, vector<32x128xf32>, vector<32x128xf32>, vector<32x128xf32>, vector<32x128xf32>, vector<32x128xf32>, vector<32x128xf32>, vector<32x128xf32>, vector<32x128xf32>, vector<32x128xf32>, vector<32x128xf32>, vector<32x128xf32>, vector<32x128xf32>, vector<32x128xf32>, vector<32x128xf32> -> vector<32x1920xf32>
    %mul3A_544 = arith.mulf %dot_general3A_542, %concatenate3A_543 : vector<32x1920xf32>
    %add3A_545 = arith.addf %add3A_476, %mul3A_544 : vector<32x1920xf32>
    %get3A_546 = arith.constant 8 : index
    %get3A_547 = arith.constant 0 : index
    %get3A_548 = arith.constant 0 : index
    %get3A_549 = vector.load %arg1[%get3A_546, %get3A_547, %get3A_548] : memref<32x32x256xf32, #tpu.memory_space<vmem>>, vector<1x32x256xf32>
    %get3A_550 = vector.shape_cast %get3A_549 : vector<1x32x256xf32> to vector<32x256xf32>
    %slice3A_551 = vector.extract_strided_slice %get3A_550 {offsets = [0, 0], sizes = [32, 128], strides = [1, 1]} : vector<32x256xf32> to vector<32x128xf32>
    %slice3A_552 = vector.extract_strided_slice %get3A_550 {offsets = [0, 128], sizes = [32, 3], strides = [1, 1]} : vector<32x256xf32> to vector<32x3xf32>
    %sub3A_553 = arith.subf %slice3A_552, %get3A_1 : vector<32x3xf32>
    %mul3A_554 = arith.mulf %sub3A_553, %sub3A_553 : vector<32x3xf32>
    %reduce_sum3A_555 = arith.constant dense<0.000000e+00> : vector<32xf32>
    %reduce_sum3A_556 = vector.multi_reduction <add>, %mul3A_554, %reduce_sum3A_555 [1] : vector<32x3xf32> to vector<32xf32>
    %broadcast_in_dim3A_557 = vector.shape_cast %reduce_sum3A_556 : vector<32xf32> to vector<32x1xf32>
    %slice3A_558 = vector.extract_strided_slice %sub3A_553 {offsets = [0, 0], sizes = [32, 1], strides = [1, 1]} : vector<32x3xf32> to vector<32x1xf32>
    %get3A_559 = arith.constant 0 : index
    %get3A_560 = arith.constant 0 : index
    %get3A_561 = vector.load %arg4[%get3A_559, %get3A_560] : memref<3x15xf32, #tpu.memory_space<vmem>>, vector<1x15xf32>
    %mul3A_562 = vector.broadcast %slice3A_558 : vector<32x1xf32> to vector<32x15xf32>
    %mul3A_563 = vector.broadcast %get3A_561 : vector<1x15xf32> to vector<32x15xf32>
    %mul3A_564 = arith.mulf %mul3A_562, %mul3A_563 : vector<32x15xf32>
    %slice3A_565 = vector.extract_strided_slice %sub3A_553 {offsets = [0, 1], sizes = [32, 1], strides = [1, 1]} : vector<32x3xf32> to vector<32x1xf32>
    %get3A_566 = arith.constant 1 : index
    %get3A_567 = arith.constant 0 : index
    %get3A_568 = vector.load %arg4[%get3A_566, %get3A_567] : memref<3x15xf32, #tpu.memory_space<vmem>>, vector<1x15xf32>
    %mul3A_569 = vector.broadcast %slice3A_565 : vector<32x1xf32> to vector<32x15xf32>
    %mul3A_570 = vector.broadcast %get3A_568 : vector<1x15xf32> to vector<32x15xf32>
    %mul3A_571 = arith.mulf %mul3A_569, %mul3A_570 : vector<32x15xf32>
    %add3A_572 = arith.addf %mul3A_564, %mul3A_571 : vector<32x15xf32>
    %slice3A_573 = vector.extract_strided_slice %sub3A_553 {offsets = [0, 2], sizes = [32, 1], strides = [1, 1]} : vector<32x3xf32> to vector<32x1xf32>
    %get3A_574 = arith.constant 2 : index
    %get3A_575 = arith.constant 0 : index
    %get3A_576 = vector.load %arg4[%get3A_574, %get3A_575] : memref<3x15xf32, #tpu.memory_space<vmem>>, vector<1x15xf32>
    %mul3A_577 = vector.broadcast %slice3A_573 : vector<32x1xf32> to vector<32x15xf32>
    %mul3A_578 = vector.broadcast %get3A_576 : vector<1x15xf32> to vector<32x15xf32>
    %mul3A_579 = arith.mulf %mul3A_577, %mul3A_578 : vector<32x15xf32>
    %add3A_580 = arith.addf %add3A_572, %mul3A_579 : vector<32x15xf32>
    %mul3A_581 = arith.constant 2.000000e+00 : f32
    %mul3A_582 = vector.broadcast %mul3A_581 : f32 to vector<32x15xf32>
    %mul3A_583 = arith.mulf %mul3A_582, %add3A_580 : vector<32x15xf32>
    %sub3A_584 = vector.broadcast %broadcast_in_dim3A_557 : vector<32x1xf32> to vector<32x15xf32>
    %sub3A_585 = arith.subf %sub3A_584, %mul3A_583 : vector<32x15xf32>
    %get3A_586 = arith.constant 0 : index
    %get3A_587 = arith.constant 0 : index
    %get3A_588 = vector.load %arg5[%get3A_586, %get3A_587] : memref<1x15xf32, #tpu.memory_space<vmem>>, vector<1x15xf32>
    %add3A_589 = vector.broadcast %get3A_588 : vector<1x15xf32> to vector<32x15xf32>
    %add3A_590 = arith.addf %sub3A_585, %add3A_589 : vector<32x15xf32>
    %max3A_591 = arith.constant 0.000000e+00 : f32
    %max3A_592 = vector.broadcast %max3A_591 : f32 to vector<32x15xf32>
    %max3A_593 = arith.maximumf %add3A_590, %max3A_592 : vector<32x15xf32>
    %add3A_594 = arith.constant 9.99999996E-13 : f32
    %add3A_595 = vector.broadcast %add3A_594 : f32 to vector<32x15xf32>
    %add3A_596 = arith.addf %max3A_593, %add3A_595 : vector<32x15xf32>
    %sqrt3A_597 = math.sqrt %add3A_596 : vector<32x15xf32>
    %mul3A_598 = arith.constant 1.000000e+01 : f32
    %mul3A_599 = vector.broadcast %mul3A_598 : f32 to vector<32x15xf32>
    %mul3A_600 = arith.mulf %sqrt3A_597, %mul3A_599 : vector<32x15xf32>
    %sub3A_601 = arith.constant 1.000000e+00 : f32
    %sub3A_602 = vector.broadcast %sub3A_601 : f32 to vector<32x15xf32>
    %sub3A_603 = arith.subf %sub3A_602, %mul3A_600 : vector<32x15xf32>
    %max3A_604 = arith.constant 0.000000e+00 : f32
    %max3A_605 = vector.broadcast %max3A_604 : f32 to vector<32x15xf32>
    %max3A_606 = arith.maximumf %max3A_605, %sub3A_603 : vector<32x15xf32>
    %get3A_607 = arith.constant 0 : index
    %get3A_608 = arith.constant 0 : index
    %get3A_609 = vector.load %arg6[%get3A_607, %get3A_608] : memref<15x1920xf32, #tpu.memory_space<vmem>>, vector<15x1920xf32>
    %dot_general3A_610 = arith.constant dense<0.000000e+00> : vector<32x1920xf32>
    %dot_general3A_611 = tpu.matmul %max3A_606, %get3A_609, %dot_general3A_610 {dimension_numbers = #tpu.dot_dimension_numbers<[1], [0], [0], [1], [0, 0, 1, 1], [], []>, transpose_lhs_hint = false} : vector<32x15xf32>, vector<15x1920xf32>, vector<32x1920xf32> -> vector<32x1920xf32>
    %concatenate3A_612 = tpu.concatenate %slice3A_551, %slice3A_551, %slice3A_551, %slice3A_551, %slice3A_551, %slice3A_551, %slice3A_551, %slice3A_551, %slice3A_551, %slice3A_551, %slice3A_551, %slice3A_551, %slice3A_551, %slice3A_551, %slice3A_551 in 1 : vector<32x128xf32>, vector<32x128xf32>, vector<32x128xf32>, vector<32x128xf32>, vector<32x128xf32>, vector<32x128xf32>, vector<32x128xf32>, vector<32x128xf32>, vector<32x128xf32>, vector<32x128xf32>, vector<32x128xf32>, vector<32x128xf32>, vector<32x128xf32>, vector<32x128xf32>, vector<32x128xf32> -> vector<32x1920xf32>
    %mul3A_613 = arith.mulf %dot_general3A_611, %concatenate3A_612 : vector<32x1920xf32>
    %add3A_614 = arith.addf %add3A_545, %mul3A_613 : vector<32x1920xf32>
    %get3A_615 = arith.constant 9 : index
    %get3A_616 = arith.constant 0 : index
    %get3A_617 = arith.constant 0 : index
    %get3A_618 = vector.load %arg1[%get3A_615, %get3A_616, %get3A_617] : memref<32x32x256xf32, #tpu.memory_space<vmem>>, vector<1x32x256xf32>
    %get3A_619 = vector.shape_cast %get3A_618 : vector<1x32x256xf32> to vector<32x256xf32>
    %slice3A_620 = vector.extract_strided_slice %get3A_619 {offsets = [0, 0], sizes = [32, 128], strides = [1, 1]} : vector<32x256xf32> to vector<32x128xf32>
    %slice3A_621 = vector.extract_strided_slice %get3A_619 {offsets = [0, 128], sizes = [32, 3], strides = [1, 1]} : vector<32x256xf32> to vector<32x3xf32>
    %sub3A_622 = arith.subf %slice3A_621, %get3A_1 : vector<32x3xf32>
    %mul3A_623 = arith.mulf %sub3A_622, %sub3A_622 : vector<32x3xf32>
    %reduce_sum3A_624 = arith.constant dense<0.000000e+00> : vector<32xf32>
    %reduce_sum3A_625 = vector.multi_reduction <add>, %mul3A_623, %reduce_sum3A_624 [1] : vector<32x3xf32> to vector<32xf32>
    %broadcast_in_dim3A_626 = vector.shape_cast %reduce_sum3A_625 : vector<32xf32> to vector<32x1xf32>
    %slice3A_627 = vector.extract_strided_slice %sub3A_622 {offsets = [0, 0], sizes = [32, 1], strides = [1, 1]} : vector<32x3xf32> to vector<32x1xf32>
    %get3A_628 = arith.constant 0 : index
    %get3A_629 = arith.constant 0 : index
    %get3A_630 = vector.load %arg4[%get3A_628, %get3A_629] : memref<3x15xf32, #tpu.memory_space<vmem>>, vector<1x15xf32>
    %mul3A_631 = vector.broadcast %slice3A_627 : vector<32x1xf32> to vector<32x15xf32>
    %mul3A_632 = vector.broadcast %get3A_630 : vector<1x15xf32> to vector<32x15xf32>
    %mul3A_633 = arith.mulf %mul3A_631, %mul3A_632 : vector<32x15xf32>
    %slice3A_634 = vector.extract_strided_slice %sub3A_622 {offsets = [0, 1], sizes = [32, 1], strides = [1, 1]} : vector<32x3xf32> to vector<32x1xf32>
    %get3A_635 = arith.constant 1 : index
    %get3A_636 = arith.constant 0 : index
    %get3A_637 = vector.load %arg4[%get3A_635, %get3A_636] : memref<3x15xf32, #tpu.memory_space<vmem>>, vector<1x15xf32>
    %mul3A_638 = vector.broadcast %slice3A_634 : vector<32x1xf32> to vector<32x15xf32>
    %mul3A_639 = vector.broadcast %get3A_637 : vector<1x15xf32> to vector<32x15xf32>
    %mul3A_640 = arith.mulf %mul3A_638, %mul3A_639 : vector<32x15xf32>
    %add3A_641 = arith.addf %mul3A_633, %mul3A_640 : vector<32x15xf32>
    %slice3A_642 = vector.extract_strided_slice %sub3A_622 {offsets = [0, 2], sizes = [32, 1], strides = [1, 1]} : vector<32x3xf32> to vector<32x1xf32>
    %get3A_643 = arith.constant 2 : index
    %get3A_644 = arith.constant 0 : index
    %get3A_645 = vector.load %arg4[%get3A_643, %get3A_644] : memref<3x15xf32, #tpu.memory_space<vmem>>, vector<1x15xf32>
    %mul3A_646 = vector.broadcast %slice3A_642 : vector<32x1xf32> to vector<32x15xf32>
    %mul3A_647 = vector.broadcast %get3A_645 : vector<1x15xf32> to vector<32x15xf32>
    %mul3A_648 = arith.mulf %mul3A_646, %mul3A_647 : vector<32x15xf32>
    %add3A_649 = arith.addf %add3A_641, %mul3A_648 : vector<32x15xf32>
    %mul3A_650 = arith.constant 2.000000e+00 : f32
    %mul3A_651 = vector.broadcast %mul3A_650 : f32 to vector<32x15xf32>
    %mul3A_652 = arith.mulf %mul3A_651, %add3A_649 : vector<32x15xf32>
    %sub3A_653 = vector.broadcast %broadcast_in_dim3A_626 : vector<32x1xf32> to vector<32x15xf32>
    %sub3A_654 = arith.subf %sub3A_653, %mul3A_652 : vector<32x15xf32>
    %get3A_655 = arith.constant 0 : index
    %get3A_656 = arith.constant 0 : index
    %get3A_657 = vector.load %arg5[%get3A_655, %get3A_656] : memref<1x15xf32, #tpu.memory_space<vmem>>, vector<1x15xf32>
    %add3A_658 = vector.broadcast %get3A_657 : vector<1x15xf32> to vector<32x15xf32>
    %add3A_659 = arith.addf %sub3A_654, %add3A_658 : vector<32x15xf32>
    %max3A_660 = arith.constant 0.000000e+00 : f32
    %max3A_661 = vector.broadcast %max3A_660 : f32 to vector<32x15xf32>
    %max3A_662 = arith.maximumf %add3A_659, %max3A_661 : vector<32x15xf32>
    %add3A_663 = arith.constant 9.99999996E-13 : f32
    %add3A_664 = vector.broadcast %add3A_663 : f32 to vector<32x15xf32>
    %add3A_665 = arith.addf %max3A_662, %add3A_664 : vector<32x15xf32>
    %sqrt3A_666 = math.sqrt %add3A_665 : vector<32x15xf32>
    %mul3A_667 = arith.constant 1.000000e+01 : f32
    %mul3A_668 = vector.broadcast %mul3A_667 : f32 to vector<32x15xf32>
    %mul3A_669 = arith.mulf %sqrt3A_666, %mul3A_668 : vector<32x15xf32>
    %sub3A_670 = arith.constant 1.000000e+00 : f32
    %sub3A_671 = vector.broadcast %sub3A_670 : f32 to vector<32x15xf32>
    %sub3A_672 = arith.subf %sub3A_671, %mul3A_669 : vector<32x15xf32>
    %max3A_673 = arith.constant 0.000000e+00 : f32
    %max3A_674 = vector.broadcast %max3A_673 : f32 to vector<32x15xf32>
    %max3A_675 = arith.maximumf %max3A_674, %sub3A_672 : vector<32x15xf32>
    %get3A_676 = arith.constant 0 : index
    %get3A_677 = arith.constant 0 : index
    %get3A_678 = vector.load %arg6[%get3A_676, %get3A_677] : memref<15x1920xf32, #tpu.memory_space<vmem>>, vector<15x1920xf32>
    %dot_general3A_679 = arith.constant dense<0.000000e+00> : vector<32x1920xf32>
    %dot_general3A_680 = tpu.matmul %max3A_675, %get3A_678, %dot_general3A_679 {dimension_numbers = #tpu.dot_dimension_numbers<[1], [0], [0], [1], [0, 0, 1, 1], [], []>, transpose_lhs_hint = false} : vector<32x15xf32>, vector<15x1920xf32>, vector<32x1920xf32> -> vector<32x1920xf32>
    %concatenate3A_681 = tpu.concatenate %slice3A_620, %slice3A_620, %slice3A_620, %slice3A_620, %slice3A_620, %slice3A_620, %slice3A_620, %slice3A_620, %slice3A_620, %slice3A_620, %slice3A_620, %slice3A_620, %slice3A_620, %slice3A_620, %slice3A_620 in 1 : vector<32x128xf32>, vector<32x128xf32>, vector<32x128xf32>, vector<32x128xf32>, vector<32x128xf32>, vector<32x128xf32>, vector<32x128xf32>, vector<32x128xf32>, vector<32x128xf32>, vector<32x128xf32>, vector<32x128xf32>, vector<32x128xf32>, vector<32x128xf32>, vector<32x128xf32>, vector<32x128xf32> -> vector<32x1920xf32>
    %mul3A_682 = arith.mulf %dot_general3A_680, %concatenate3A_681 : vector<32x1920xf32>
    %add3A_683 = arith.addf %add3A_614, %mul3A_682 : vector<32x1920xf32>
    %get3A_684 = arith.constant 10 : index
    %get3A_685 = arith.constant 0 : index
    %get3A_686 = arith.constant 0 : index
    %get3A_687 = vector.load %arg1[%get3A_684, %get3A_685, %get3A_686] : memref<32x32x256xf32, #tpu.memory_space<vmem>>, vector<1x32x256xf32>
    %get3A_688 = vector.shape_cast %get3A_687 : vector<1x32x256xf32> to vector<32x256xf32>
    %slice3A_689 = vector.extract_strided_slice %get3A_688 {offsets = [0, 0], sizes = [32, 128], strides = [1, 1]} : vector<32x256xf32> to vector<32x128xf32>
    %slice3A_690 = vector.extract_strided_slice %get3A_688 {offsets = [0, 128], sizes = [32, 3], strides = [1, 1]} : vector<32x256xf32> to vector<32x3xf32>
    %sub3A_691 = arith.subf %slice3A_690, %get3A_1 : vector<32x3xf32>
    %mul3A_692 = arith.mulf %sub3A_691, %sub3A_691 : vector<32x3xf32>
    %reduce_sum3A_693 = arith.constant dense<0.000000e+00> : vector<32xf32>
    %reduce_sum3A_694 = vector.multi_reduction <add>, %mul3A_692, %reduce_sum3A_693 [1] : vector<32x3xf32> to vector<32xf32>
    %broadcast_in_dim3A_695 = vector.shape_cast %reduce_sum3A_694 : vector<32xf32> to vector<32x1xf32>
    %slice3A_696 = vector.extract_strided_slice %sub3A_691 {offsets = [0, 0], sizes = [32, 1], strides = [1, 1]} : vector<32x3xf32> to vector<32x1xf32>
    %get3A_697 = arith.constant 0 : index
    %get3A_698 = arith.constant 0 : index
    %get3A_699 = vector.load %arg4[%get3A_697, %get3A_698] : memref<3x15xf32, #tpu.memory_space<vmem>>, vector<1x15xf32>
    %mul3A_700 = vector.broadcast %slice3A_696 : vector<32x1xf32> to vector<32x15xf32>
    %mul3A_701 = vector.broadcast %get3A_699 : vector<1x15xf32> to vector<32x15xf32>
    %mul3A_702 = arith.mulf %mul3A_700, %mul3A_701 : vector<32x15xf32>
    %slice3A_703 = vector.extract_strided_slice %sub3A_691 {offsets = [0, 1], sizes = [32, 1], strides = [1, 1]} : vector<32x3xf32> to vector<32x1xf32>
    %get3A_704 = arith.constant 1 : index
    %get3A_705 = arith.constant 0 : index
    %get3A_706 = vector.load %arg4[%get3A_704, %get3A_705] : memref<3x15xf32, #tpu.memory_space<vmem>>, vector<1x15xf32>
    %mul3A_707 = vector.broadcast %slice3A_703 : vector<32x1xf32> to vector<32x15xf32>
    %mul3A_708 = vector.broadcast %get3A_706 : vector<1x15xf32> to vector<32x15xf32>
    %mul3A_709 = arith.mulf %mul3A_707, %mul3A_708 : vector<32x15xf32>
    %add3A_710 = arith.addf %mul3A_702, %mul3A_709 : vector<32x15xf32>
    %slice3A_711 = vector.extract_strided_slice %sub3A_691 {offsets = [0, 2], sizes = [32, 1], strides = [1, 1]} : vector<32x3xf32> to vector<32x1xf32>
    %get3A_712 = arith.constant 2 : index
    %get3A_713 = arith.constant 0 : index
    %get3A_714 = vector.load %arg4[%get3A_712, %get3A_713] : memref<3x15xf32, #tpu.memory_space<vmem>>, vector<1x15xf32>
    %mul3A_715 = vector.broadcast %slice3A_711 : vector<32x1xf32> to vector<32x15xf32>
    %mul3A_716 = vector.broadcast %get3A_714 : vector<1x15xf32> to vector<32x15xf32>
    %mul3A_717 = arith.mulf %mul3A_715, %mul3A_716 : vector<32x15xf32>
    %add3A_718 = arith.addf %add3A_710, %mul3A_717 : vector<32x15xf32>
    %mul3A_719 = arith.constant 2.000000e+00 : f32
    %mul3A_720 = vector.broadcast %mul3A_719 : f32 to vector<32x15xf32>
    %mul3A_721 = arith.mulf %mul3A_720, %add3A_718 : vector<32x15xf32>
    %sub3A_722 = vector.broadcast %broadcast_in_dim3A_695 : vector<32x1xf32> to vector<32x15xf32>
    %sub3A_723 = arith.subf %sub3A_722, %mul3A_721 : vector<32x15xf32>
    %get3A_724 = arith.constant 0 : index
    %get3A_725 = arith.constant 0 : index
    %get3A_726 = vector.load %arg5[%get3A_724, %get3A_725] : memref<1x15xf32, #tpu.memory_space<vmem>>, vector<1x15xf32>
    %add3A_727 = vector.broadcast %get3A_726 : vector<1x15xf32> to vector<32x15xf32>
    %add3A_728 = arith.addf %sub3A_723, %add3A_727 : vector<32x15xf32>
    %max3A_729 = arith.constant 0.000000e+00 : f32
    %max3A_730 = vector.broadcast %max3A_729 : f32 to vector<32x15xf32>
    %max3A_731 = arith.maximumf %add3A_728, %max3A_730 : vector<32x15xf32>
    %add3A_732 = arith.constant 9.99999996E-13 : f32
    %add3A_733 = vector.broadcast %add3A_732 : f32 to vector<32x15xf32>
    %add3A_734 = arith.addf %max3A_731, %add3A_733 : vector<32x15xf32>
    %sqrt3A_735 = math.sqrt %add3A_734 : vector<32x15xf32>
    %mul3A_736 = arith.constant 1.000000e+01 : f32
    %mul3A_737 = vector.broadcast %mul3A_736 : f32 to vector<32x15xf32>
    %mul3A_738 = arith.mulf %sqrt3A_735, %mul3A_737 : vector<32x15xf32>
    %sub3A_739 = arith.constant 1.000000e+00 : f32
    %sub3A_740 = vector.broadcast %sub3A_739 : f32 to vector<32x15xf32>
    %sub3A_741 = arith.subf %sub3A_740, %mul3A_738 : vector<32x15xf32>
    %max3A_742 = arith.constant 0.000000e+00 : f32
    %max3A_743 = vector.broadcast %max3A_742 : f32 to vector<32x15xf32>
    %max3A_744 = arith.maximumf %max3A_743, %sub3A_741 : vector<32x15xf32>
    %get3A_745 = arith.constant 0 : index
    %get3A_746 = arith.constant 0 : index
    %get3A_747 = vector.load %arg6[%get3A_745, %get3A_746] : memref<15x1920xf32, #tpu.memory_space<vmem>>, vector<15x1920xf32>
    %dot_general3A_748 = arith.constant dense<0.000000e+00> : vector<32x1920xf32>
    %dot_general3A_749 = tpu.matmul %max3A_744, %get3A_747, %dot_general3A_748 {dimension_numbers = #tpu.dot_dimension_numbers<[1], [0], [0], [1], [0, 0, 1, 1], [], []>, transpose_lhs_hint = false} : vector<32x15xf32>, vector<15x1920xf32>, vector<32x1920xf32> -> vector<32x1920xf32>
    %concatenate3A_750 = tpu.concatenate %slice3A_689, %slice3A_689, %slice3A_689, %slice3A_689, %slice3A_689, %slice3A_689, %slice3A_689, %slice3A_689, %slice3A_689, %slice3A_689, %slice3A_689, %slice3A_689, %slice3A_689, %slice3A_689, %slice3A_689 in 1 : vector<32x128xf32>, vector<32x128xf32>, vector<32x128xf32>, vector<32x128xf32>, vector<32x128xf32>, vector<32x128xf32>, vector<32x128xf32>, vector<32x128xf32>, vector<32x128xf32>, vector<32x128xf32>, vector<32x128xf32>, vector<32x128xf32>, vector<32x128xf32>, vector<32x128xf32>, vector<32x128xf32> -> vector<32x1920xf32>
    %mul3A_751 = arith.mulf %dot_general3A_749, %concatenate3A_750 : vector<32x1920xf32>
    %add3A_752 = arith.addf %add3A_683, %mul3A_751 : vector<32x1920xf32>
    %get3A_753 = arith.constant 11 : index
    %get3A_754 = arith.constant 0 : index
    %get3A_755 = arith.constant 0 : index
    %get3A_756 = vector.load %arg1[%get3A_753, %get3A_754, %get3A_755] : memref<32x32x256xf32, #tpu.memory_space<vmem>>, vector<1x32x256xf32>
    %get3A_757 = vector.shape_cast %get3A_756 : vector<1x32x256xf32> to vector<32x256xf32>
    %slice3A_758 = vector.extract_strided_slice %get3A_757 {offsets = [0, 0], sizes = [32, 128], strides = [1, 1]} : vector<32x256xf32> to vector<32x128xf32>
    %slice3A_759 = vector.extract_strided_slice %get3A_757 {offsets = [0, 128], sizes = [32, 3], strides = [1, 1]} : vector<32x256xf32> to vector<32x3xf32>
    %sub3A_760 = arith.subf %slice3A_759, %get3A_1 : vector<32x3xf32>
    %mul3A_761 = arith.mulf %sub3A_760, %sub3A_760 : vector<32x3xf32>
    %reduce_sum3A_762 = arith.constant dense<0.000000e+00> : vector<32xf32>
    %reduce_sum3A_763 = vector.multi_reduction <add>, %mul3A_761, %reduce_sum3A_762 [1] : vector<32x3xf32> to vector<32xf32>
    %broadcast_in_dim3A_764 = vector.shape_cast %reduce_sum3A_763 : vector<32xf32> to vector<32x1xf32>
    %slice3A_765 = vector.extract_strided_slice %sub3A_760 {offsets = [0, 0], sizes = [32, 1], strides = [1, 1]} : vector<32x3xf32> to vector<32x1xf32>
    %get3A_766 = arith.constant 0 : index
    %get3A_767 = arith.constant 0 : index
    %get3A_768 = vector.load %arg4[%get3A_766, %get3A_767] : memref<3x15xf32, #tpu.memory_space<vmem>>, vector<1x15xf32>
    %mul3A_769 = vector.broadcast %slice3A_765 : vector<32x1xf32> to vector<32x15xf32>
    %mul3A_770 = vector.broadcast %get3A_768 : vector<1x15xf32> to vector<32x15xf32>
    %mul3A_771 = arith.mulf %mul3A_769, %mul3A_770 : vector<32x15xf32>
    %slice3A_772 = vector.extract_strided_slice %sub3A_760 {offsets = [0, 1], sizes = [32, 1], strides = [1, 1]} : vector<32x3xf32> to vector<32x1xf32>
    %get3A_773 = arith.constant 1 : index
    %get3A_774 = arith.constant 0 : index
    %get3A_775 = vector.load %arg4[%get3A_773, %get3A_774] : memref<3x15xf32, #tpu.memory_space<vmem>>, vector<1x15xf32>
    %mul3A_776 = vector.broadcast %slice3A_772 : vector<32x1xf32> to vector<32x15xf32>
    %mul3A_777 = vector.broadcast %get3A_775 : vector<1x15xf32> to vector<32x15xf32>
    %mul3A_778 = arith.mulf %mul3A_776, %mul3A_777 : vector<32x15xf32>
    %add3A_779 = arith.addf %mul3A_771, %mul3A_778 : vector<32x15xf32>
    %slice3A_780 = vector.extract_strided_slice %sub3A_760 {offsets = [0, 2], sizes = [32, 1], strides = [1, 1]} : vector<32x3xf32> to vector<32x1xf32>
    %get3A_781 = arith.constant 2 : index
    %get3A_782 = arith.constant 0 : index
    %get3A_783 = vector.load %arg4[%get3A_781, %get3A_782] : memref<3x15xf32, #tpu.memory_space<vmem>>, vector<1x15xf32>
    %mul3A_784 = vector.broadcast %slice3A_780 : vector<32x1xf32> to vector<32x15xf32>
    %mul3A_785 = vector.broadcast %get3A_783 : vector<1x15xf32> to vector<32x15xf32>
    %mul3A_786 = arith.mulf %mul3A_784, %mul3A_785 : vector<32x15xf32>
    %add3A_787 = arith.addf %add3A_779, %mul3A_786 : vector<32x15xf32>
    %mul3A_788 = arith.constant 2.000000e+00 : f32
    %mul3A_789 = vector.broadcast %mul3A_788 : f32 to vector<32x15xf32>
    %mul3A_790 = arith.mulf %mul3A_789, %add3A_787 : vector<32x15xf32>
    %sub3A_791 = vector.broadcast %broadcast_in_dim3A_764 : vector<32x1xf32> to vector<32x15xf32>
    %sub3A_792 = arith.subf %sub3A_791, %mul3A_790 : vector<32x15xf32>
    %get3A_793 = arith.constant 0 : index
    %get3A_794 = arith.constant 0 : index
    %get3A_795 = vector.load %arg5[%get3A_793, %get3A_794] : memref<1x15xf32, #tpu.memory_space<vmem>>, vector<1x15xf32>
    %add3A_796 = vector.broadcast %get3A_795 : vector<1x15xf32> to vector<32x15xf32>
    %add3A_797 = arith.addf %sub3A_792, %add3A_796 : vector<32x15xf32>
    %max3A_798 = arith.constant 0.000000e+00 : f32
    %max3A_799 = vector.broadcast %max3A_798 : f32 to vector<32x15xf32>
    %max3A_800 = arith.maximumf %add3A_797, %max3A_799 : vector<32x15xf32>
    %add3A_801 = arith.constant 9.99999996E-13 : f32
    %add3A_802 = vector.broadcast %add3A_801 : f32 to vector<32x15xf32>
    %add3A_803 = arith.addf %max3A_800, %add3A_802 : vector<32x15xf32>
    %sqrt3A_804 = math.sqrt %add3A_803 : vector<32x15xf32>
    %mul3A_805 = arith.constant 1.000000e+01 : f32
    %mul3A_806 = vector.broadcast %mul3A_805 : f32 to vector<32x15xf32>
    %mul3A_807 = arith.mulf %sqrt3A_804, %mul3A_806 : vector<32x15xf32>
    %sub3A_808 = arith.constant 1.000000e+00 : f32
    %sub3A_809 = vector.broadcast %sub3A_808 : f32 to vector<32x15xf32>
    %sub3A_810 = arith.subf %sub3A_809, %mul3A_807 : vector<32x15xf32>
    %max3A_811 = arith.constant 0.000000e+00 : f32
    %max3A_812 = vector.broadcast %max3A_811 : f32 to vector<32x15xf32>
    %max3A_813 = arith.maximumf %max3A_812, %sub3A_810 : vector<32x15xf32>
    %get3A_814 = arith.constant 0 : index
    %get3A_815 = arith.constant 0 : index
    %get3A_816 = vector.load %arg6[%get3A_814, %get3A_815] : memref<15x1920xf32, #tpu.memory_space<vmem>>, vector<15x1920xf32>
    %dot_general3A_817 = arith.constant dense<0.000000e+00> : vector<32x1920xf32>
    %dot_general3A_818 = tpu.matmul %max3A_813, %get3A_816, %dot_general3A_817 {dimension_numbers = #tpu.dot_dimension_numbers<[1], [0], [0], [1], [0, 0, 1, 1], [], []>, transpose_lhs_hint = false} : vector<32x15xf32>, vector<15x1920xf32>, vector<32x1920xf32> -> vector<32x1920xf32>
    %concatenate3A_819 = tpu.concatenate %slice3A_758, %slice3A_758, %slice3A_758, %slice3A_758, %slice3A_758, %slice3A_758, %slice3A_758, %slice3A_758, %slice3A_758, %slice3A_758, %slice3A_758, %slice3A_758, %slice3A_758, %slice3A_758, %slice3A_758 in 1 : vector<32x128xf32>, vector<32x128xf32>, vector<32x128xf32>, vector<32x128xf32>, vector<32x128xf32>, vector<32x128xf32>, vector<32x128xf32>, vector<32x128xf32>, vector<32x128xf32>, vector<32x128xf32>, vector<32x128xf32>, vector<32x128xf32>, vector<32x128xf32>, vector<32x128xf32>, vector<32x128xf32> -> vector<32x1920xf32>
    %mul3A_820 = arith.mulf %dot_general3A_818, %concatenate3A_819 : vector<32x1920xf32>
    %add3A_821 = arith.addf %add3A_752, %mul3A_820 : vector<32x1920xf32>
    %get3A_822 = arith.constant 12 : index
    %get3A_823 = arith.constant 0 : index
    %get3A_824 = arith.constant 0 : index
    %get3A_825 = vector.load %arg1[%get3A_822, %get3A_823, %get3A_824] : memref<32x32x256xf32, #tpu.memory_space<vmem>>, vector<1x32x256xf32>
    %get3A_826 = vector.shape_cast %get3A_825 : vector<1x32x256xf32> to vector<32x256xf32>
    %slice3A_827 = vector.extract_strided_slice %get3A_826 {offsets = [0, 0], sizes = [32, 128], strides = [1, 1]} : vector<32x256xf32> to vector<32x128xf32>
    %slice3A_828 = vector.extract_strided_slice %get3A_826 {offsets = [0, 128], sizes = [32, 3], strides = [1, 1]} : vector<32x256xf32> to vector<32x3xf32>
    %sub3A_829 = arith.subf %slice3A_828, %get3A_1 : vector<32x3xf32>
    %mul3A_830 = arith.mulf %sub3A_829, %sub3A_829 : vector<32x3xf32>
    %reduce_sum3A_831 = arith.constant dense<0.000000e+00> : vector<32xf32>
    %reduce_sum3A_832 = vector.multi_reduction <add>, %mul3A_830, %reduce_sum3A_831 [1] : vector<32x3xf32> to vector<32xf32>
    %broadcast_in_dim3A_833 = vector.shape_cast %reduce_sum3A_832 : vector<32xf32> to vector<32x1xf32>
    %slice3A_834 = vector.extract_strided_slice %sub3A_829 {offsets = [0, 0], sizes = [32, 1], strides = [1, 1]} : vector<32x3xf32> to vector<32x1xf32>
    %get3A_835 = arith.constant 0 : index
    %get3A_836 = arith.constant 0 : index
    %get3A_837 = vector.load %arg4[%get3A_835, %get3A_836] : memref<3x15xf32, #tpu.memory_space<vmem>>, vector<1x15xf32>
    %mul3A_838 = vector.broadcast %slice3A_834 : vector<32x1xf32> to vector<32x15xf32>
    %mul3A_839 = vector.broadcast %get3A_837 : vector<1x15xf32> to vector<32x15xf32>
    %mul3A_840 = arith.mulf %mul3A_838, %mul3A_839 : vector<32x15xf32>
    %slice3A_841 = vector.extract_strided_slice %sub3A_829 {offsets = [0, 1], sizes = [32, 1], strides = [1, 1]} : vector<32x3xf32> to vector<32x1xf32>
    %get3A_842 = arith.constant 1 : index
    %get3A_843 = arith.constant 0 : index
    %get3A_844 = vector.load %arg4[%get3A_842, %get3A_843] : memref<3x15xf32, #tpu.memory_space<vmem>>, vector<1x15xf32>
    %mul3A_845 = vector.broadcast %slice3A_841 : vector<32x1xf32> to vector<32x15xf32>
    %mul3A_846 = vector.broadcast %get3A_844 : vector<1x15xf32> to vector<32x15xf32>
    %mul3A_847 = arith.mulf %mul3A_845, %mul3A_846 : vector<32x15xf32>
    %add3A_848 = arith.addf %mul3A_840, %mul3A_847 : vector<32x15xf32>
    %slice3A_849 = vector.extract_strided_slice %sub3A_829 {offsets = [0, 2], sizes = [32, 1], strides = [1, 1]} : vector<32x3xf32> to vector<32x1xf32>
    %get3A_850 = arith.constant 2 : index
    %get3A_851 = arith.constant 0 : index
    %get3A_852 = vector.load %arg4[%get3A_850, %get3A_851] : memref<3x15xf32, #tpu.memory_space<vmem>>, vector<1x15xf32>
    %mul3A_853 = vector.broadcast %slice3A_849 : vector<32x1xf32> to vector<32x15xf32>
    %mul3A_854 = vector.broadcast %get3A_852 : vector<1x15xf32> to vector<32x15xf32>
    %mul3A_855 = arith.mulf %mul3A_853, %mul3A_854 : vector<32x15xf32>
    %add3A_856 = arith.addf %add3A_848, %mul3A_855 : vector<32x15xf32>
    %mul3A_857 = arith.constant 2.000000e+00 : f32
    %mul3A_858 = vector.broadcast %mul3A_857 : f32 to vector<32x15xf32>
    %mul3A_859 = arith.mulf %mul3A_858, %add3A_856 : vector<32x15xf32>
    %sub3A_860 = vector.broadcast %broadcast_in_dim3A_833 : vector<32x1xf32> to vector<32x15xf32>
    %sub3A_861 = arith.subf %sub3A_860, %mul3A_859 : vector<32x15xf32>
    %get3A_862 = arith.constant 0 : index
    %get3A_863 = arith.constant 0 : index
    %get3A_864 = vector.load %arg5[%get3A_862, %get3A_863] : memref<1x15xf32, #tpu.memory_space<vmem>>, vector<1x15xf32>
    %add3A_865 = vector.broadcast %get3A_864 : vector<1x15xf32> to vector<32x15xf32>
    %add3A_866 = arith.addf %sub3A_861, %add3A_865 : vector<32x15xf32>
    %max3A_867 = arith.constant 0.000000e+00 : f32
    %max3A_868 = vector.broadcast %max3A_867 : f32 to vector<32x15xf32>
    %max3A_869 = arith.maximumf %add3A_866, %max3A_868 : vector<32x15xf32>
    %add3A_870 = arith.constant 9.99999996E-13 : f32
    %add3A_871 = vector.broadcast %add3A_870 : f32 to vector<32x15xf32>
    %add3A_872 = arith.addf %max3A_869, %add3A_871 : vector<32x15xf32>
    %sqrt3A_873 = math.sqrt %add3A_872 : vector<32x15xf32>
    %mul3A_874 = arith.constant 1.000000e+01 : f32
    %mul3A_875 = vector.broadcast %mul3A_874 : f32 to vector<32x15xf32>
    %mul3A_876 = arith.mulf %sqrt3A_873, %mul3A_875 : vector<32x15xf32>
    %sub3A_877 = arith.constant 1.000000e+00 : f32
    %sub3A_878 = vector.broadcast %sub3A_877 : f32 to vector<32x15xf32>
    %sub3A_879 = arith.subf %sub3A_878, %mul3A_876 : vector<32x15xf32>
    %max3A_880 = arith.constant 0.000000e+00 : f32
    %max3A_881 = vector.broadcast %max3A_880 : f32 to vector<32x15xf32>
    %max3A_882 = arith.maximumf %max3A_881, %sub3A_879 : vector<32x15xf32>
    %get3A_883 = arith.constant 0 : index
    %get3A_884 = arith.constant 0 : index
    %get3A_885 = vector.load %arg6[%get3A_883, %get3A_884] : memref<15x1920xf32, #tpu.memory_space<vmem>>, vector<15x1920xf32>
    %dot_general3A_886 = arith.constant dense<0.000000e+00> : vector<32x1920xf32>
    %dot_general3A_887 = tpu.matmul %max3A_882, %get3A_885, %dot_general3A_886 {dimension_numbers = #tpu.dot_dimension_numbers<[1], [0], [0], [1], [0, 0, 1, 1], [], []>, transpose_lhs_hint = false} : vector<32x15xf32>, vector<15x1920xf32>, vector<32x1920xf32> -> vector<32x1920xf32>
    %concatenate3A_888 = tpu.concatenate %slice3A_827, %slice3A_827, %slice3A_827, %slice3A_827, %slice3A_827, %slice3A_827, %slice3A_827, %slice3A_827, %slice3A_827, %slice3A_827, %slice3A_827, %slice3A_827, %slice3A_827, %slice3A_827, %slice3A_827 in 1 : vector<32x128xf32>, vector<32x128xf32>, vector<32x128xf32>, vector<32x128xf32>, vector<32x128xf32>, vector<32x128xf32>, vector<32x128xf32>, vector<32x128xf32>, vector<32x128xf32>, vector<32x128xf32>, vector<32x128xf32>, vector<32x128xf32>, vector<32x128xf32>, vector<32x128xf32>, vector<32x128xf32> -> vector<32x1920xf32>
    %mul3A_889 = arith.mulf %dot_general3A_887, %concatenate3A_888 : vector<32x1920xf32>
    %add3A_890 = arith.addf %add3A_821, %mul3A_889 : vector<32x1920xf32>
    %get3A_891 = arith.constant 13 : index
    %get3A_892 = arith.constant 0 : index
    %get3A_893 = arith.constant 0 : index
    %get3A_894 = vector.load %arg1[%get3A_891, %get3A_892, %get3A_893] : memref<32x32x256xf32, #tpu.memory_space<vmem>>, vector<1x32x256xf32>
    %get3A_895 = vector.shape_cast %get3A_894 : vector<1x32x256xf32> to vector<32x256xf32>
    %slice3A_896 = vector.extract_strided_slice %get3A_895 {offsets = [0, 0], sizes = [32, 128], strides = [1, 1]} : vector<32x256xf32> to vector<32x128xf32>
    %slice3A_897 = vector.extract_strided_slice %get3A_895 {offsets = [0, 128], sizes = [32, 3], strides = [1, 1]} : vector<32x256xf32> to vector<32x3xf32>
    %sub3A_898 = arith.subf %slice3A_897, %get3A_1 : vector<32x3xf32>
    %mul3A_899 = arith.mulf %sub3A_898, %sub3A_898 : vector<32x3xf32>
    %reduce_sum3A_900 = arith.constant dense<0.000000e+00> : vector<32xf32>
    %reduce_sum3A_901 = vector.multi_reduction <add>, %mul3A_899, %reduce_sum3A_900 [1] : vector<32x3xf32> to vector<32xf32>
    %broadcast_in_dim3A_902 = vector.shape_cast %reduce_sum3A_901 : vector<32xf32> to vector<32x1xf32>
    %slice3A_903 = vector.extract_strided_slice %sub3A_898 {offsets = [0, 0], sizes = [32, 1], strides = [1, 1]} : vector<32x3xf32> to vector<32x1xf32>
    %get3A_904 = arith.constant 0 : index
    %get3A_905 = arith.constant 0 : index
    %get3A_906 = vector.load %arg4[%get3A_904, %get3A_905] : memref<3x15xf32, #tpu.memory_space<vmem>>, vector<1x15xf32>
    %mul3A_907 = vector.broadcast %slice3A_903 : vector<32x1xf32> to vector<32x15xf32>
    %mul3A_908 = vector.broadcast %get3A_906 : vector<1x15xf32> to vector<32x15xf32>
    %mul3A_909 = arith.mulf %mul3A_907, %mul3A_908 : vector<32x15xf32>
    %slice3A_910 = vector.extract_strided_slice %sub3A_898 {offsets = [0, 1], sizes = [32, 1], strides = [1, 1]} : vector<32x3xf32> to vector<32x1xf32>
    %get3A_911 = arith.constant 1 : index
    %get3A_912 = arith.constant 0 : index
    %get3A_913 = vector.load %arg4[%get3A_911, %get3A_912] : memref<3x15xf32, #tpu.memory_space<vmem>>, vector<1x15xf32>
    %mul3A_914 = vector.broadcast %slice3A_910 : vector<32x1xf32> to vector<32x15xf32>
    %mul3A_915 = vector.broadcast %get3A_913 : vector<1x15xf32> to vector<32x15xf32>
    %mul3A_916 = arith.mulf %mul3A_914, %mul3A_915 : vector<32x15xf32>
    %add3A_917 = arith.addf %mul3A_909, %mul3A_916 : vector<32x15xf32>
    %slice3A_918 = vector.extract_strided_slice %sub3A_898 {offsets = [0, 2], sizes = [32, 1], strides = [1, 1]} : vector<32x3xf32> to vector<32x1xf32>
    %get3A_919 = arith.constant 2 : index
    %get3A_920 = arith.constant 0 : index
    %get3A_921 = vector.load %arg4[%get3A_919, %get3A_920] : memref<3x15xf32, #tpu.memory_space<vmem>>, vector<1x15xf32>
    %mul3A_922 = vector.broadcast %slice3A_918 : vector<32x1xf32> to vector<32x15xf32>
    %mul3A_923 = vector.broadcast %get3A_921 : vector<1x15xf32> to vector<32x15xf32>
    %mul3A_924 = arith.mulf %mul3A_922, %mul3A_923 : vector<32x15xf32>
    %add3A_925 = arith.addf %add3A_917, %mul3A_924 : vector<32x15xf32>
    %mul3A_926 = arith.constant 2.000000e+00 : f32
    %mul3A_927 = vector.broadcast %mul3A_926 : f32 to vector<32x15xf32>
    %mul3A_928 = arith.mulf %mul3A_927, %add3A_925 : vector<32x15xf32>
    %sub3A_929 = vector.broadcast %broadcast_in_dim3A_902 : vector<32x1xf32> to vector<32x15xf32>
    %sub3A_930 = arith.subf %sub3A_929, %mul3A_928 : vector<32x15xf32>
    %get3A_931 = arith.constant 0 : index
    %get3A_932 = arith.constant 0 : index
    %get3A_933 = vector.load %arg5[%get3A_931, %get3A_932] : memref<1x15xf32, #tpu.memory_space<vmem>>, vector<1x15xf32>
    %add3A_934 = vector.broadcast %get3A_933 : vector<1x15xf32> to vector<32x15xf32>
    %add3A_935 = arith.addf %sub3A_930, %add3A_934 : vector<32x15xf32>
    %max3A_936 = arith.constant 0.000000e+00 : f32
    %max3A_937 = vector.broadcast %max3A_936 : f32 to vector<32x15xf32>
    %max3A_938 = arith.maximumf %add3A_935, %max3A_937 : vector<32x15xf32>
    %add3A_939 = arith.constant 9.99999996E-13 : f32
    %add3A_940 = vector.broadcast %add3A_939 : f32 to vector<32x15xf32>
    %add3A_941 = arith.addf %max3A_938, %add3A_940 : vector<32x15xf32>
    %sqrt3A_942 = math.sqrt %add3A_941 : vector<32x15xf32>
    %mul3A_943 = arith.constant 1.000000e+01 : f32
    %mul3A_944 = vector.broadcast %mul3A_943 : f32 to vector<32x15xf32>
    %mul3A_945 = arith.mulf %sqrt3A_942, %mul3A_944 : vector<32x15xf32>
    %sub3A_946 = arith.constant 1.000000e+00 : f32
    %sub3A_947 = vector.broadcast %sub3A_946 : f32 to vector<32x15xf32>
    %sub3A_948 = arith.subf %sub3A_947, %mul3A_945 : vector<32x15xf32>
    %max3A_949 = arith.constant 0.000000e+00 : f32
    %max3A_950 = vector.broadcast %max3A_949 : f32 to vector<32x15xf32>
    %max3A_951 = arith.maximumf %max3A_950, %sub3A_948 : vector<32x15xf32>
    %get3A_952 = arith.constant 0 : index
    %get3A_953 = arith.constant 0 : index
    %get3A_954 = vector.load %arg6[%get3A_952, %get3A_953] : memref<15x1920xf32, #tpu.memory_space<vmem>>, vector<15x1920xf32>
    %dot_general3A_955 = arith.constant dense<0.000000e+00> : vector<32x1920xf32>
    %dot_general3A_956 = tpu.matmul %max3A_951, %get3A_954, %dot_general3A_955 {dimension_numbers = #tpu.dot_dimension_numbers<[1], [0], [0], [1], [0, 0, 1, 1], [], []>, transpose_lhs_hint = false} : vector<32x15xf32>, vector<15x1920xf32>, vector<32x1920xf32> -> vector<32x1920xf32>
    %concatenate3A_957 = tpu.concatenate %slice3A_896, %slice3A_896, %slice3A_896, %slice3A_896, %slice3A_896, %slice3A_896, %slice3A_896, %slice3A_896, %slice3A_896, %slice3A_896, %slice3A_896, %slice3A_896, %slice3A_896, %slice3A_896, %slice3A_896 in 1 : vector<32x128xf32>, vector<32x128xf32>, vector<32x128xf32>, vector<32x128xf32>, vector<32x128xf32>, vector<32x128xf32>, vector<32x128xf32>, vector<32x128xf32>, vector<32x128xf32>, vector<32x128xf32>, vector<32x128xf32>, vector<32x128xf32>, vector<32x128xf32>, vector<32x128xf32>, vector<32x128xf32> -> vector<32x1920xf32>
    %mul3A_958 = arith.mulf %dot_general3A_956, %concatenate3A_957 : vector<32x1920xf32>
    %add3A_959 = arith.addf %add3A_890, %mul3A_958 : vector<32x1920xf32>
    %get3A_960 = arith.constant 14 : index
    %get3A_961 = arith.constant 0 : index
    %get3A_962 = arith.constant 0 : index
    %get3A_963 = vector.load %arg1[%get3A_960, %get3A_961, %get3A_962] : memref<32x32x256xf32, #tpu.memory_space<vmem>>, vector<1x32x256xf32>
    %get3A_964 = vector.shape_cast %get3A_963 : vector<1x32x256xf32> to vector<32x256xf32>
    %slice3A_965 = vector.extract_strided_slice %get3A_964 {offsets = [0, 0], sizes = [32, 128], strides = [1, 1]} : vector<32x256xf32> to vector<32x128xf32>
    %slice3A_966 = vector.extract_strided_slice %get3A_964 {offsets = [0, 128], sizes = [32, 3], strides = [1, 1]} : vector<32x256xf32> to vector<32x3xf32>
    %sub3A_967 = arith.subf %slice3A_966, %get3A_1 : vector<32x3xf32>
    %mul3A_968 = arith.mulf %sub3A_967, %sub3A_967 : vector<32x3xf32>
    %reduce_sum3A_969 = arith.constant dense<0.000000e+00> : vector<32xf32>
    %reduce_sum3A_970 = vector.multi_reduction <add>, %mul3A_968, %reduce_sum3A_969 [1] : vector<32x3xf32> to vector<32xf32>
    %broadcast_in_dim3A_971 = vector.shape_cast %reduce_sum3A_970 : vector<32xf32> to vector<32x1xf32>
    %slice3A_972 = vector.extract_strided_slice %sub3A_967 {offsets = [0, 0], sizes = [32, 1], strides = [1, 1]} : vector<32x3xf32> to vector<32x1xf32>
    %get3A_973 = arith.constant 0 : index
    %get3A_974 = arith.constant 0 : index
    %get3A_975 = vector.load %arg4[%get3A_973, %get3A_974] : memref<3x15xf32, #tpu.memory_space<vmem>>, vector<1x15xf32>
    %mul3A_976 = vector.broadcast %slice3A_972 : vector<32x1xf32> to vector<32x15xf32>
    %mul3A_977 = vector.broadcast %get3A_975 : vector<1x15xf32> to vector<32x15xf32>
    %mul3A_978 = arith.mulf %mul3A_976, %mul3A_977 : vector<32x15xf32>
    %slice3A_979 = vector.extract_strided_slice %sub3A_967 {offsets = [0, 1], sizes = [32, 1], strides = [1, 1]} : vector<32x3xf32> to vector<32x1xf32>
    %get3A_980 = arith.constant 1 : index
    %get3A_981 = arith.constant 0 : index
    %get3A_982 = vector.load %arg4[%get3A_980, %get3A_981] : memref<3x15xf32, #tpu.memory_space<vmem>>, vector<1x15xf32>
    %mul3A_983 = vector.broadcast %slice3A_979 : vector<32x1xf32> to vector<32x15xf32>
    %mul3A_984 = vector.broadcast %get3A_982 : vector<1x15xf32> to vector<32x15xf32>
    %mul3A_985 = arith.mulf %mul3A_983, %mul3A_984 : vector<32x15xf32>
    %add3A_986 = arith.addf %mul3A_978, %mul3A_985 : vector<32x15xf32>
    %slice3A_987 = vector.extract_strided_slice %sub3A_967 {offsets = [0, 2], sizes = [32, 1], strides = [1, 1]} : vector<32x3xf32> to vector<32x1xf32>
    %get3A_988 = arith.constant 2 : index
    %get3A_989 = arith.constant 0 : index
    %get3A_990 = vector.load %arg4[%get3A_988, %get3A_989] : memref<3x15xf32, #tpu.memory_space<vmem>>, vector<1x15xf32>
    %mul3A_991 = vector.broadcast %slice3A_987 : vector<32x1xf32> to vector<32x15xf32>
    %mul3A_992 = vector.broadcast %get3A_990 : vector<1x15xf32> to vector<32x15xf32>
    %mul3A_993 = arith.mulf %mul3A_991, %mul3A_992 : vector<32x15xf32>
    %add3A_994 = arith.addf %add3A_986, %mul3A_993 : vector<32x15xf32>
    %mul3A_995 = arith.constant 2.000000e+00 : f32
    %mul3A_996 = vector.broadcast %mul3A_995 : f32 to vector<32x15xf32>
    %mul3A_997 = arith.mulf %mul3A_996, %add3A_994 : vector<32x15xf32>
    %sub3A_998 = vector.broadcast %broadcast_in_dim3A_971 : vector<32x1xf32> to vector<32x15xf32>
    %sub3A_999 = arith.subf %sub3A_998, %mul3A_997 : vector<32x15xf32>
    %get3A_1000 = arith.constant 0 : index
    %get3A_1001 = arith.constant 0 : index
    %get3A_1002 = vector.load %arg5[%get3A_1000, %get3A_1001] : memref<1x15xf32, #tpu.memory_space<vmem>>, vector<1x15xf32>
    %add3A_1003 = vector.broadcast %get3A_1002 : vector<1x15xf32> to vector<32x15xf32>
    %add3A_1004 = arith.addf %sub3A_999, %add3A_1003 : vector<32x15xf32>
    %max3A_1005 = arith.constant 0.000000e+00 : f32
    %max3A_1006 = vector.broadcast %max3A_1005 : f32 to vector<32x15xf32>
    %max3A_1007 = arith.maximumf %add3A_1004, %max3A_1006 : vector<32x15xf32>
    %add3A_1008 = arith.constant 9.99999996E-13 : f32
    %add3A_1009 = vector.broadcast %add3A_1008 : f32 to vector<32x15xf32>
    %add3A_1010 = arith.addf %max3A_1007, %add3A_1009 : vector<32x15xf32>
    %sqrt3A_1011 = math.sqrt %add3A_1010 : vector<32x15xf32>
    %mul3A_1012 = arith.constant 1.000000e+01 : f32
    %mul3A_1013 = vector.broadcast %mul3A_1012 : f32 to vector<32x15xf32>
    %mul3A_1014 = arith.mulf %sqrt3A_1011, %mul3A_1013 : vector<32x15xf32>
    %sub3A_1015 = arith.constant 1.000000e+00 : f32
    %sub3A_1016 = vector.broadcast %sub3A_1015 : f32 to vector<32x15xf32>
    %sub3A_1017 = arith.subf %sub3A_1016, %mul3A_1014 : vector<32x15xf32>
    %max3A_1018 = arith.constant 0.000000e+00 : f32
    %max3A_1019 = vector.broadcast %max3A_1018 : f32 to vector<32x15xf32>
    %max3A_1020 = arith.maximumf %max3A_1019, %sub3A_1017 : vector<32x15xf32>
    %get3A_1021 = arith.constant 0 : index
    %get3A_1022 = arith.constant 0 : index
    %get3A_1023 = vector.load %arg6[%get3A_1021, %get3A_1022] : memref<15x1920xf32, #tpu.memory_space<vmem>>, vector<15x1920xf32>
    %dot_general3A_1024 = arith.constant dense<0.000000e+00> : vector<32x1920xf32>
    %dot_general3A_1025 = tpu.matmul %max3A_1020, %get3A_1023, %dot_general3A_1024 {dimension_numbers = #tpu.dot_dimension_numbers<[1], [0], [0], [1], [0, 0, 1, 1], [], []>, transpose_lhs_hint = false} : vector<32x15xf32>, vector<15x1920xf32>, vector<32x1920xf32> -> vector<32x1920xf32>
    %concatenate3A_1026 = tpu.concatenate %slice3A_965, %slice3A_965, %slice3A_965, %slice3A_965, %slice3A_965, %slice3A_965, %slice3A_965, %slice3A_965, %slice3A_965, %slice3A_965, %slice3A_965, %slice3A_965, %slice3A_965, %slice3A_965, %slice3A_965 in 1 : vector<32x128xf32>, vector<32x128xf32>, vector<32x128xf32>, vector<32x128xf32>, vector<32x128xf32>, vector<32x128xf32>, vector<32x128xf32>, vector<32x128xf32>, vector<32x128xf32>, vector<32x128xf32>, vector<32x128xf32>, vector<32x128xf32>, vector<32x128xf32>, vector<32x128xf32>, vector<32x128xf32> -> vector<32x1920xf32>
    %mul3A_1027 = arith.mulf %dot_general3A_1025, %concatenate3A_1026 : vector<32x1920xf32>
    %add3A_1028 = arith.addf %add3A_959, %mul3A_1027 : vector<32x1920xf32>
    %get3A_1029 = arith.constant 15 : index
    %get3A_1030 = arith.constant 0 : index
    %get3A_1031 = arith.constant 0 : index
    %get3A_1032 = vector.load %arg1[%get3A_1029, %get3A_1030, %get3A_1031] : memref<32x32x256xf32, #tpu.memory_space<vmem>>, vector<1x32x256xf32>
    %get3A_1033 = vector.shape_cast %get3A_1032 : vector<1x32x256xf32> to vector<32x256xf32>
    %slice3A_1034 = vector.extract_strided_slice %get3A_1033 {offsets = [0, 0], sizes = [32, 128], strides = [1, 1]} : vector<32x256xf32> to vector<32x128xf32>
    %slice3A_1035 = vector.extract_strided_slice %get3A_1033 {offsets = [0, 128], sizes = [32, 3], strides = [1, 1]} : vector<32x256xf32> to vector<32x3xf32>
    %sub3A_1036 = arith.subf %slice3A_1035, %get3A_1 : vector<32x3xf32>
    %mul3A_1037 = arith.mulf %sub3A_1036, %sub3A_1036 : vector<32x3xf32>
    %reduce_sum3A_1038 = arith.constant dense<0.000000e+00> : vector<32xf32>
    %reduce_sum3A_1039 = vector.multi_reduction <add>, %mul3A_1037, %reduce_sum3A_1038 [1] : vector<32x3xf32> to vector<32xf32>
    %broadcast_in_dim3A_1040 = vector.shape_cast %reduce_sum3A_1039 : vector<32xf32> to vector<32x1xf32>
    %slice3A_1041 = vector.extract_strided_slice %sub3A_1036 {offsets = [0, 0], sizes = [32, 1], strides = [1, 1]} : vector<32x3xf32> to vector<32x1xf32>
    %get3A_1042 = arith.constant 0 : index
    %get3A_1043 = arith.constant 0 : index
    %get3A_1044 = vector.load %arg4[%get3A_1042, %get3A_1043] : memref<3x15xf32, #tpu.memory_space<vmem>>, vector<1x15xf32>
    %mul3A_1045 = vector.broadcast %slice3A_1041 : vector<32x1xf32> to vector<32x15xf32>
    %mul3A_1046 = vector.broadcast %get3A_1044 : vector<1x15xf32> to vector<32x15xf32>
    %mul3A_1047 = arith.mulf %mul3A_1045, %mul3A_1046 : vector<32x15xf32>
    %slice3A_1048 = vector.extract_strided_slice %sub3A_1036 {offsets = [0, 1], sizes = [32, 1], strides = [1, 1]} : vector<32x3xf32> to vector<32x1xf32>
    %get3A_1049 = arith.constant 1 : index
    %get3A_1050 = arith.constant 0 : index
    %get3A_1051 = vector.load %arg4[%get3A_1049, %get3A_1050] : memref<3x15xf32, #tpu.memory_space<vmem>>, vector<1x15xf32>
    %mul3A_1052 = vector.broadcast %slice3A_1048 : vector<32x1xf32> to vector<32x15xf32>
    %mul3A_1053 = vector.broadcast %get3A_1051 : vector<1x15xf32> to vector<32x15xf32>
    %mul3A_1054 = arith.mulf %mul3A_1052, %mul3A_1053 : vector<32x15xf32>
    %add3A_1055 = arith.addf %mul3A_1047, %mul3A_1054 : vector<32x15xf32>
    %slice3A_1056 = vector.extract_strided_slice %sub3A_1036 {offsets = [0, 2], sizes = [32, 1], strides = [1, 1]} : vector<32x3xf32> to vector<32x1xf32>
    %get3A_1057 = arith.constant 2 : index
    %get3A_1058 = arith.constant 0 : index
    %get3A_1059 = vector.load %arg4[%get3A_1057, %get3A_1058] : memref<3x15xf32, #tpu.memory_space<vmem>>, vector<1x15xf32>
    %mul3A_1060 = vector.broadcast %slice3A_1056 : vector<32x1xf32> to vector<32x15xf32>
    %mul3A_1061 = vector.broadcast %get3A_1059 : vector<1x15xf32> to vector<32x15xf32>
    %mul3A_1062 = arith.mulf %mul3A_1060, %mul3A_1061 : vector<32x15xf32>
    %add3A_1063 = arith.addf %add3A_1055, %mul3A_1062 : vector<32x15xf32>
    %mul3A_1064 = arith.constant 2.000000e+00 : f32
    %mul3A_1065 = vector.broadcast %mul3A_1064 : f32 to vector<32x15xf32>
    %mul3A_1066 = arith.mulf %mul3A_1065, %add3A_1063 : vector<32x15xf32>
    %sub3A_1067 = vector.broadcast %broadcast_in_dim3A_1040 : vector<32x1xf32> to vector<32x15xf32>
    %sub3A_1068 = arith.subf %sub3A_1067, %mul3A_1066 : vector<32x15xf32>
    %get3A_1069 = arith.constant 0 : index
    %get3A_1070 = arith.constant 0 : index
    %get3A_1071 = vector.load %arg5[%get3A_1069, %get3A_1070] : memref<1x15xf32, #tpu.memory_space<vmem>>, vector<1x15xf32>
    %add3A_1072 = vector.broadcast %get3A_1071 : vector<1x15xf32> to vector<32x15xf32>
    %add3A_1073 = arith.addf %sub3A_1068, %add3A_1072 : vector<32x15xf32>
    %max3A_1074 = arith.constant 0.000000e+00 : f32
    %max3A_1075 = vector.broadcast %max3A_1074 : f32 to vector<32x15xf32>
    %max3A_1076 = arith.maximumf %add3A_1073, %max3A_1075 : vector<32x15xf32>
    %add3A_1077 = arith.constant 9.99999996E-13 : f32
    %add3A_1078 = vector.broadcast %add3A_1077 : f32 to vector<32x15xf32>
    %add3A_1079 = arith.addf %max3A_1076, %add3A_1078 : vector<32x15xf32>
    %sqrt3A_1080 = math.sqrt %add3A_1079 : vector<32x15xf32>
    %mul3A_1081 = arith.constant 1.000000e+01 : f32
    %mul3A_1082 = vector.broadcast %mul3A_1081 : f32 to vector<32x15xf32>
    %mul3A_1083 = arith.mulf %sqrt3A_1080, %mul3A_1082 : vector<32x15xf32>
    %sub3A_1084 = arith.constant 1.000000e+00 : f32
    %sub3A_1085 = vector.broadcast %sub3A_1084 : f32 to vector<32x15xf32>
    %sub3A_1086 = arith.subf %sub3A_1085, %mul3A_1083 : vector<32x15xf32>
    %max3A_1087 = arith.constant 0.000000e+00 : f32
    %max3A_1088 = vector.broadcast %max3A_1087 : f32 to vector<32x15xf32>
    %max3A_1089 = arith.maximumf %max3A_1088, %sub3A_1086 : vector<32x15xf32>
    %get3A_1090 = arith.constant 0 : index
    %get3A_1091 = arith.constant 0 : index
    %get3A_1092 = vector.load %arg6[%get3A_1090, %get3A_1091] : memref<15x1920xf32, #tpu.memory_space<vmem>>, vector<15x1920xf32>
    %dot_general3A_1093 = arith.constant dense<0.000000e+00> : vector<32x1920xf32>
    %dot_general3A_1094 = tpu.matmul %max3A_1089, %get3A_1092, %dot_general3A_1093 {dimension_numbers = #tpu.dot_dimension_numbers<[1], [0], [0], [1], [0, 0, 1, 1], [], []>, transpose_lhs_hint = false} : vector<32x15xf32>, vector<15x1920xf32>, vector<32x1920xf32> -> vector<32x1920xf32>
    %concatenate3A_1095 = tpu.concatenate %slice3A_1034, %slice3A_1034, %slice3A_1034, %slice3A_1034, %slice3A_1034, %slice3A_1034, %slice3A_1034, %slice3A_1034, %slice3A_1034, %slice3A_1034, %slice3A_1034, %slice3A_1034, %slice3A_1034, %slice3A_1034, %slice3A_1034 in 1 : vector<32x128xf32>, vector<32x128xf32>, vector<32x128xf32>, vector<32x128xf32>, vector<32x128xf32>, vector<32x128xf32>, vector<32x128xf32>, vector<32x128xf32>, vector<32x128xf32>, vector<32x128xf32>, vector<32x128xf32>, vector<32x128xf32>, vector<32x128xf32>, vector<32x128xf32>, vector<32x128xf32> -> vector<32x1920xf32>
    %mul3A_1096 = arith.mulf %dot_general3A_1094, %concatenate3A_1095 : vector<32x1920xf32>
    %add3A_1097 = arith.addf %add3A_1028, %mul3A_1096 : vector<32x1920xf32>
    %get3A_1098 = arith.constant 16 : index
    %get3A_1099 = arith.constant 0 : index
    %get3A_1100 = arith.constant 0 : index
    %get3A_1101 = vector.load %arg1[%get3A_1098, %get3A_1099, %get3A_1100] : memref<32x32x256xf32, #tpu.memory_space<vmem>>, vector<1x32x256xf32>
    %get3A_1102 = vector.shape_cast %get3A_1101 : vector<1x32x256xf32> to vector<32x256xf32>
    %slice3A_1103 = vector.extract_strided_slice %get3A_1102 {offsets = [0, 0], sizes = [32, 128], strides = [1, 1]} : vector<32x256xf32> to vector<32x128xf32>
    %slice3A_1104 = vector.extract_strided_slice %get3A_1102 {offsets = [0, 128], sizes = [32, 3], strides = [1, 1]} : vector<32x256xf32> to vector<32x3xf32>
    %sub3A_1105 = arith.subf %slice3A_1104, %get3A_1 : vector<32x3xf32>
    %mul3A_1106 = arith.mulf %sub3A_1105, %sub3A_1105 : vector<32x3xf32>
    %reduce_sum3A_1107 = arith.constant dense<0.000000e+00> : vector<32xf32>
    %reduce_sum3A_1108 = vector.multi_reduction <add>, %mul3A_1106, %reduce_sum3A_1107 [1] : vector<32x3xf32> to vector<32xf32>
    %broadcast_in_dim3A_1109 = vector.shape_cast %reduce_sum3A_1108 : vector<32xf32> to vector<32x1xf32>
    %slice3A_1110 = vector.extract_strided_slice %sub3A_1105 {offsets = [0, 0], sizes = [32, 1], strides = [1, 1]} : vector<32x3xf32> to vector<32x1xf32>
    %get3A_1111 = arith.constant 0 : index
    %get3A_1112 = arith.constant 0 : index
    %get3A_1113 = vector.load %arg4[%get3A_1111, %get3A_1112] : memref<3x15xf32, #tpu.memory_space<vmem>>, vector<1x15xf32>
    %mul3A_1114 = vector.broadcast %slice3A_1110 : vector<32x1xf32> to vector<32x15xf32>
    %mul3A_1115 = vector.broadcast %get3A_1113 : vector<1x15xf32> to vector<32x15xf32>
    %mul3A_1116 = arith.mulf %mul3A_1114, %mul3A_1115 : vector<32x15xf32>
    %slice3A_1117 = vector.extract_strided_slice %sub3A_1105 {offsets = [0, 1], sizes = [32, 1], strides = [1, 1]} : vector<32x3xf32> to vector<32x1xf32>
    %get3A_1118 = arith.constant 1 : index
    %get3A_1119 = arith.constant 0 : index
    %get3A_1120 = vector.load %arg4[%get3A_1118, %get3A_1119] : memref<3x15xf32, #tpu.memory_space<vmem>>, vector<1x15xf32>
    %mul3A_1121 = vector.broadcast %slice3A_1117 : vector<32x1xf32> to vector<32x15xf32>
    %mul3A_1122 = vector.broadcast %get3A_1120 : vector<1x15xf32> to vector<32x15xf32>
    %mul3A_1123 = arith.mulf %mul3A_1121, %mul3A_1122 : vector<32x15xf32>
    %add3A_1124 = arith.addf %mul3A_1116, %mul3A_1123 : vector<32x15xf32>
    %slice3A_1125 = vector.extract_strided_slice %sub3A_1105 {offsets = [0, 2], sizes = [32, 1], strides = [1, 1]} : vector<32x3xf32> to vector<32x1xf32>
    %get3A_1126 = arith.constant 2 : index
    %get3A_1127 = arith.constant 0 : index
    %get3A_1128 = vector.load %arg4[%get3A_1126, %get3A_1127] : memref<3x15xf32, #tpu.memory_space<vmem>>, vector<1x15xf32>
    %mul3A_1129 = vector.broadcast %slice3A_1125 : vector<32x1xf32> to vector<32x15xf32>
    %mul3A_1130 = vector.broadcast %get3A_1128 : vector<1x15xf32> to vector<32x15xf32>
    %mul3A_1131 = arith.mulf %mul3A_1129, %mul3A_1130 : vector<32x15xf32>
    %add3A_1132 = arith.addf %add3A_1124, %mul3A_1131 : vector<32x15xf32>
    %mul3A_1133 = arith.constant 2.000000e+00 : f32
    %mul3A_1134 = vector.broadcast %mul3A_1133 : f32 to vector<32x15xf32>
    %mul3A_1135 = arith.mulf %mul3A_1134, %add3A_1132 : vector<32x15xf32>
    %sub3A_1136 = vector.broadcast %broadcast_in_dim3A_1109 : vector<32x1xf32> to vector<32x15xf32>
    %sub3A_1137 = arith.subf %sub3A_1136, %mul3A_1135 : vector<32x15xf32>
    %get3A_1138 = arith.constant 0 : index
    %get3A_1139 = arith.constant 0 : index
    %get3A_1140 = vector.load %arg5[%get3A_1138, %get3A_1139] : memref<1x15xf32, #tpu.memory_space<vmem>>, vector<1x15xf32>
    %add3A_1141 = vector.broadcast %get3A_1140 : vector<1x15xf32> to vector<32x15xf32>
    %add3A_1142 = arith.addf %sub3A_1137, %add3A_1141 : vector<32x15xf32>
    %max3A_1143 = arith.constant 0.000000e+00 : f32
    %max3A_1144 = vector.broadcast %max3A_1143 : f32 to vector<32x15xf32>
    %max3A_1145 = arith.maximumf %add3A_1142, %max3A_1144 : vector<32x15xf32>
    %add3A_1146 = arith.constant 9.99999996E-13 : f32
    %add3A_1147 = vector.broadcast %add3A_1146 : f32 to vector<32x15xf32>
    %add3A_1148 = arith.addf %max3A_1145, %add3A_1147 : vector<32x15xf32>
    %sqrt3A_1149 = math.sqrt %add3A_1148 : vector<32x15xf32>
    %mul3A_1150 = arith.constant 1.000000e+01 : f32
    %mul3A_1151 = vector.broadcast %mul3A_1150 : f32 to vector<32x15xf32>
    %mul3A_1152 = arith.mulf %sqrt3A_1149, %mul3A_1151 : vector<32x15xf32>
    %sub3A_1153 = arith.constant 1.000000e+00 : f32
    %sub3A_1154 = vector.broadcast %sub3A_1153 : f32 to vector<32x15xf32>
    %sub3A_1155 = arith.subf %sub3A_1154, %mul3A_1152 : vector<32x15xf32>
    %max3A_1156 = arith.constant 0.000000e+00 : f32
    %max3A_1157 = vector.broadcast %max3A_1156 : f32 to vector<32x15xf32>
    %max3A_1158 = arith.maximumf %max3A_1157, %sub3A_1155 : vector<32x15xf32>
    %get3A_1159 = arith.constant 0 : index
    %get3A_1160 = arith.constant 0 : index
    %get3A_1161 = vector.load %arg6[%get3A_1159, %get3A_1160] : memref<15x1920xf32, #tpu.memory_space<vmem>>, vector<15x1920xf32>
    %dot_general3A_1162 = arith.constant dense<0.000000e+00> : vector<32x1920xf32>
    %dot_general3A_1163 = tpu.matmul %max3A_1158, %get3A_1161, %dot_general3A_1162 {dimension_numbers = #tpu.dot_dimension_numbers<[1], [0], [0], [1], [0, 0, 1, 1], [], []>, transpose_lhs_hint = false} : vector<32x15xf32>, vector<15x1920xf32>, vector<32x1920xf32> -> vector<32x1920xf32>
    %concatenate3A_1164 = tpu.concatenate %slice3A_1103, %slice3A_1103, %slice3A_1103, %slice3A_1103, %slice3A_1103, %slice3A_1103, %slice3A_1103, %slice3A_1103, %slice3A_1103, %slice3A_1103, %slice3A_1103, %slice3A_1103, %slice3A_1103, %slice3A_1103, %slice3A_1103 in 1 : vector<32x128xf32>, vector<32x128xf32>, vector<32x128xf32>, vector<32x128xf32>, vector<32x128xf32>, vector<32x128xf32>, vector<32x128xf32>, vector<32x128xf32>, vector<32x128xf32>, vector<32x128xf32>, vector<32x128xf32>, vector<32x128xf32>, vector<32x128xf32>, vector<32x128xf32>, vector<32x128xf32> -> vector<32x1920xf32>
    %mul3A_1165 = arith.mulf %dot_general3A_1163, %concatenate3A_1164 : vector<32x1920xf32>
    %add3A_1166 = arith.addf %add3A_1097, %mul3A_1165 : vector<32x1920xf32>
    %get3A_1167 = arith.constant 17 : index
    %get3A_1168 = arith.constant 0 : index
    %get3A_1169 = arith.constant 0 : index
    %get3A_1170 = vector.load %arg1[%get3A_1167, %get3A_1168, %get3A_1169] : memref<32x32x256xf32, #tpu.memory_space<vmem>>, vector<1x32x256xf32>
    %get3A_1171 = vector.shape_cast %get3A_1170 : vector<1x32x256xf32> to vector<32x256xf32>
    %slice3A_1172 = vector.extract_strided_slice %get3A_1171 {offsets = [0, 0], sizes = [32, 128], strides = [1, 1]} : vector<32x256xf32> to vector<32x128xf32>
    %slice3A_1173 = vector.extract_strided_slice %get3A_1171 {offsets = [0, 128], sizes = [32, 3], strides = [1, 1]} : vector<32x256xf32> to vector<32x3xf32>
    %sub3A_1174 = arith.subf %slice3A_1173, %get3A_1 : vector<32x3xf32>
    %mul3A_1175 = arith.mulf %sub3A_1174, %sub3A_1174 : vector<32x3xf32>
    %reduce_sum3A_1176 = arith.constant dense<0.000000e+00> : vector<32xf32>
    %reduce_sum3A_1177 = vector.multi_reduction <add>, %mul3A_1175, %reduce_sum3A_1176 [1] : vector<32x3xf32> to vector<32xf32>
    %broadcast_in_dim3A_1178 = vector.shape_cast %reduce_sum3A_1177 : vector<32xf32> to vector<32x1xf32>
    %slice3A_1179 = vector.extract_strided_slice %sub3A_1174 {offsets = [0, 0], sizes = [32, 1], strides = [1, 1]} : vector<32x3xf32> to vector<32x1xf32>
    %get3A_1180 = arith.constant 0 : index
    %get3A_1181 = arith.constant 0 : index
    %get3A_1182 = vector.load %arg4[%get3A_1180, %get3A_1181] : memref<3x15xf32, #tpu.memory_space<vmem>>, vector<1x15xf32>
    %mul3A_1183 = vector.broadcast %slice3A_1179 : vector<32x1xf32> to vector<32x15xf32>
    %mul3A_1184 = vector.broadcast %get3A_1182 : vector<1x15xf32> to vector<32x15xf32>
    %mul3A_1185 = arith.mulf %mul3A_1183, %mul3A_1184 : vector<32x15xf32>
    %slice3A_1186 = vector.extract_strided_slice %sub3A_1174 {offsets = [0, 1], sizes = [32, 1], strides = [1, 1]} : vector<32x3xf32> to vector<32x1xf32>
    %get3A_1187 = arith.constant 1 : index
    %get3A_1188 = arith.constant 0 : index
    %get3A_1189 = vector.load %arg4[%get3A_1187, %get3A_1188] : memref<3x15xf32, #tpu.memory_space<vmem>>, vector<1x15xf32>
    %mul3A_1190 = vector.broadcast %slice3A_1186 : vector<32x1xf32> to vector<32x15xf32>
    %mul3A_1191 = vector.broadcast %get3A_1189 : vector<1x15xf32> to vector<32x15xf32>
    %mul3A_1192 = arith.mulf %mul3A_1190, %mul3A_1191 : vector<32x15xf32>
    %add3A_1193 = arith.addf %mul3A_1185, %mul3A_1192 : vector<32x15xf32>
    %slice3A_1194 = vector.extract_strided_slice %sub3A_1174 {offsets = [0, 2], sizes = [32, 1], strides = [1, 1]} : vector<32x3xf32> to vector<32x1xf32>
    %get3A_1195 = arith.constant 2 : index
    %get3A_1196 = arith.constant 0 : index
    %get3A_1197 = vector.load %arg4[%get3A_1195, %get3A_1196] : memref<3x15xf32, #tpu.memory_space<vmem>>, vector<1x15xf32>
    %mul3A_1198 = vector.broadcast %slice3A_1194 : vector<32x1xf32> to vector<32x15xf32>
    %mul3A_1199 = vector.broadcast %get3A_1197 : vector<1x15xf32> to vector<32x15xf32>
    %mul3A_1200 = arith.mulf %mul3A_1198, %mul3A_1199 : vector<32x15xf32>
    %add3A_1201 = arith.addf %add3A_1193, %mul3A_1200 : vector<32x15xf32>
    %mul3A_1202 = arith.constant 2.000000e+00 : f32
    %mul3A_1203 = vector.broadcast %mul3A_1202 : f32 to vector<32x15xf32>
    %mul3A_1204 = arith.mulf %mul3A_1203, %add3A_1201 : vector<32x15xf32>
    %sub3A_1205 = vector.broadcast %broadcast_in_dim3A_1178 : vector<32x1xf32> to vector<32x15xf32>
    %sub3A_1206 = arith.subf %sub3A_1205, %mul3A_1204 : vector<32x15xf32>
    %get3A_1207 = arith.constant 0 : index
    %get3A_1208 = arith.constant 0 : index
    %get3A_1209 = vector.load %arg5[%get3A_1207, %get3A_1208] : memref<1x15xf32, #tpu.memory_space<vmem>>, vector<1x15xf32>
    %add3A_1210 = vector.broadcast %get3A_1209 : vector<1x15xf32> to vector<32x15xf32>
    %add3A_1211 = arith.addf %sub3A_1206, %add3A_1210 : vector<32x15xf32>
    %max3A_1212 = arith.constant 0.000000e+00 : f32
    %max3A_1213 = vector.broadcast %max3A_1212 : f32 to vector<32x15xf32>
    %max3A_1214 = arith.maximumf %add3A_1211, %max3A_1213 : vector<32x15xf32>
    %add3A_1215 = arith.constant 9.99999996E-13 : f32
    %add3A_1216 = vector.broadcast %add3A_1215 : f32 to vector<32x15xf32>
    %add3A_1217 = arith.addf %max3A_1214, %add3A_1216 : vector<32x15xf32>
    %sqrt3A_1218 = math.sqrt %add3A_1217 : vector<32x15xf32>
    %mul3A_1219 = arith.constant 1.000000e+01 : f32
    %mul3A_1220 = vector.broadcast %mul3A_1219 : f32 to vector<32x15xf32>
    %mul3A_1221 = arith.mulf %sqrt3A_1218, %mul3A_1220 : vector<32x15xf32>
    %sub3A_1222 = arith.constant 1.000000e+00 : f32
    %sub3A_1223 = vector.broadcast %sub3A_1222 : f32 to vector<32x15xf32>
    %sub3A_1224 = arith.subf %sub3A_1223, %mul3A_1221 : vector<32x15xf32>
    %max3A_1225 = arith.constant 0.000000e+00 : f32
    %max3A_1226 = vector.broadcast %max3A_1225 : f32 to vector<32x15xf32>
    %max3A_1227 = arith.maximumf %max3A_1226, %sub3A_1224 : vector<32x15xf32>
    %get3A_1228 = arith.constant 0 : index
    %get3A_1229 = arith.constant 0 : index
    %get3A_1230 = vector.load %arg6[%get3A_1228, %get3A_1229] : memref<15x1920xf32, #tpu.memory_space<vmem>>, vector<15x1920xf32>
    %dot_general3A_1231 = arith.constant dense<0.000000e+00> : vector<32x1920xf32>
    %dot_general3A_1232 = tpu.matmul %max3A_1227, %get3A_1230, %dot_general3A_1231 {dimension_numbers = #tpu.dot_dimension_numbers<[1], [0], [0], [1], [0, 0, 1, 1], [], []>, transpose_lhs_hint = false} : vector<32x15xf32>, vector<15x1920xf32>, vector<32x1920xf32> -> vector<32x1920xf32>
    %concatenate3A_1233 = tpu.concatenate %slice3A_1172, %slice3A_1172, %slice3A_1172, %slice3A_1172, %slice3A_1172, %slice3A_1172, %slice3A_1172, %slice3A_1172, %slice3A_1172, %slice3A_1172, %slice3A_1172, %slice3A_1172, %slice3A_1172, %slice3A_1172, %slice3A_1172 in 1 : vector<32x128xf32>, vector<32x128xf32>, vector<32x128xf32>, vector<32x128xf32>, vector<32x128xf32>, vector<32x128xf32>, vector<32x128xf32>, vector<32x128xf32>, vector<32x128xf32>, vector<32x128xf32>, vector<32x128xf32>, vector<32x128xf32>, vector<32x128xf32>, vector<32x128xf32>, vector<32x128xf32> -> vector<32x1920xf32>
    %mul3A_1234 = arith.mulf %dot_general3A_1232, %concatenate3A_1233 : vector<32x1920xf32>
    %add3A_1235 = arith.addf %add3A_1166, %mul3A_1234 : vector<32x1920xf32>
    %get3A_1236 = arith.constant 18 : index
    %get3A_1237 = arith.constant 0 : index
    %get3A_1238 = arith.constant 0 : index
    %get3A_1239 = vector.load %arg1[%get3A_1236, %get3A_1237, %get3A_1238] : memref<32x32x256xf32, #tpu.memory_space<vmem>>, vector<1x32x256xf32>
    %get3A_1240 = vector.shape_cast %get3A_1239 : vector<1x32x256xf32> to vector<32x256xf32>
    %slice3A_1241 = vector.extract_strided_slice %get3A_1240 {offsets = [0, 0], sizes = [32, 128], strides = [1, 1]} : vector<32x256xf32> to vector<32x128xf32>
    %slice3A_1242 = vector.extract_strided_slice %get3A_1240 {offsets = [0, 128], sizes = [32, 3], strides = [1, 1]} : vector<32x256xf32> to vector<32x3xf32>
    %sub3A_1243 = arith.subf %slice3A_1242, %get3A_1 : vector<32x3xf32>
    %mul3A_1244 = arith.mulf %sub3A_1243, %sub3A_1243 : vector<32x3xf32>
    %reduce_sum3A_1245 = arith.constant dense<0.000000e+00> : vector<32xf32>
    %reduce_sum3A_1246 = vector.multi_reduction <add>, %mul3A_1244, %reduce_sum3A_1245 [1] : vector<32x3xf32> to vector<32xf32>
    %broadcast_in_dim3A_1247 = vector.shape_cast %reduce_sum3A_1246 : vector<32xf32> to vector<32x1xf32>
    %slice3A_1248 = vector.extract_strided_slice %sub3A_1243 {offsets = [0, 0], sizes = [32, 1], strides = [1, 1]} : vector<32x3xf32> to vector<32x1xf32>
    %get3A_1249 = arith.constant 0 : index
    %get3A_1250 = arith.constant 0 : index
    %get3A_1251 = vector.load %arg4[%get3A_1249, %get3A_1250] : memref<3x15xf32, #tpu.memory_space<vmem>>, vector<1x15xf32>
    %mul3A_1252 = vector.broadcast %slice3A_1248 : vector<32x1xf32> to vector<32x15xf32>
    %mul3A_1253 = vector.broadcast %get3A_1251 : vector<1x15xf32> to vector<32x15xf32>
    %mul3A_1254 = arith.mulf %mul3A_1252, %mul3A_1253 : vector<32x15xf32>
    %slice3A_1255 = vector.extract_strided_slice %sub3A_1243 {offsets = [0, 1], sizes = [32, 1], strides = [1, 1]} : vector<32x3xf32> to vector<32x1xf32>
    %get3A_1256 = arith.constant 1 : index
    %get3A_1257 = arith.constant 0 : index
    %get3A_1258 = vector.load %arg4[%get3A_1256, %get3A_1257] : memref<3x15xf32, #tpu.memory_space<vmem>>, vector<1x15xf32>
    %mul3A_1259 = vector.broadcast %slice3A_1255 : vector<32x1xf32> to vector<32x15xf32>
    %mul3A_1260 = vector.broadcast %get3A_1258 : vector<1x15xf32> to vector<32x15xf32>
    %mul3A_1261 = arith.mulf %mul3A_1259, %mul3A_1260 : vector<32x15xf32>
    %add3A_1262 = arith.addf %mul3A_1254, %mul3A_1261 : vector<32x15xf32>
    %slice3A_1263 = vector.extract_strided_slice %sub3A_1243 {offsets = [0, 2], sizes = [32, 1], strides = [1, 1]} : vector<32x3xf32> to vector<32x1xf32>
    %get3A_1264 = arith.constant 2 : index
    %get3A_1265 = arith.constant 0 : index
    %get3A_1266 = vector.load %arg4[%get3A_1264, %get3A_1265] : memref<3x15xf32, #tpu.memory_space<vmem>>, vector<1x15xf32>
    %mul3A_1267 = vector.broadcast %slice3A_1263 : vector<32x1xf32> to vector<32x15xf32>
    %mul3A_1268 = vector.broadcast %get3A_1266 : vector<1x15xf32> to vector<32x15xf32>
    %mul3A_1269 = arith.mulf %mul3A_1267, %mul3A_1268 : vector<32x15xf32>
    %add3A_1270 = arith.addf %add3A_1262, %mul3A_1269 : vector<32x15xf32>
    %mul3A_1271 = arith.constant 2.000000e+00 : f32
    %mul3A_1272 = vector.broadcast %mul3A_1271 : f32 to vector<32x15xf32>
    %mul3A_1273 = arith.mulf %mul3A_1272, %add3A_1270 : vector<32x15xf32>
    %sub3A_1274 = vector.broadcast %broadcast_in_dim3A_1247 : vector<32x1xf32> to vector<32x15xf32>
    %sub3A_1275 = arith.subf %sub3A_1274, %mul3A_1273 : vector<32x15xf32>
    %get3A_1276 = arith.constant 0 : index
    %get3A_1277 = arith.constant 0 : index
    %get3A_1278 = vector.load %arg5[%get3A_1276, %get3A_1277] : memref<1x15xf32, #tpu.memory_space<vmem>>, vector<1x15xf32>
    %add3A_1279 = vector.broadcast %get3A_1278 : vector<1x15xf32> to vector<32x15xf32>
    %add3A_1280 = arith.addf %sub3A_1275, %add3A_1279 : vector<32x15xf32>
    %max3A_1281 = arith.constant 0.000000e+00 : f32
    %max3A_1282 = vector.broadcast %max3A_1281 : f32 to vector<32x15xf32>
    %max3A_1283 = arith.maximumf %add3A_1280, %max3A_1282 : vector<32x15xf32>
    %add3A_1284 = arith.constant 9.99999996E-13 : f32
    %add3A_1285 = vector.broadcast %add3A_1284 : f32 to vector<32x15xf32>
    %add3A_1286 = arith.addf %max3A_1283, %add3A_1285 : vector<32x15xf32>
    %sqrt3A_1287 = math.sqrt %add3A_1286 : vector<32x15xf32>
    %mul3A_1288 = arith.constant 1.000000e+01 : f32
    %mul3A_1289 = vector.broadcast %mul3A_1288 : f32 to vector<32x15xf32>
    %mul3A_1290 = arith.mulf %sqrt3A_1287, %mul3A_1289 : vector<32x15xf32>
    %sub3A_1291 = arith.constant 1.000000e+00 : f32
    %sub3A_1292 = vector.broadcast %sub3A_1291 : f32 to vector<32x15xf32>
    %sub3A_1293 = arith.subf %sub3A_1292, %mul3A_1290 : vector<32x15xf32>
    %max3A_1294 = arith.constant 0.000000e+00 : f32
    %max3A_1295 = vector.broadcast %max3A_1294 : f32 to vector<32x15xf32>
    %max3A_1296 = arith.maximumf %max3A_1295, %sub3A_1293 : vector<32x15xf32>
    %get3A_1297 = arith.constant 0 : index
    %get3A_1298 = arith.constant 0 : index
    %get3A_1299 = vector.load %arg6[%get3A_1297, %get3A_1298] : memref<15x1920xf32, #tpu.memory_space<vmem>>, vector<15x1920xf32>
    %dot_general3A_1300 = arith.constant dense<0.000000e+00> : vector<32x1920xf32>
    %dot_general3A_1301 = tpu.matmul %max3A_1296, %get3A_1299, %dot_general3A_1300 {dimension_numbers = #tpu.dot_dimension_numbers<[1], [0], [0], [1], [0, 0, 1, 1], [], []>, transpose_lhs_hint = false} : vector<32x15xf32>, vector<15x1920xf32>, vector<32x1920xf32> -> vector<32x1920xf32>
    %concatenate3A_1302 = tpu.concatenate %slice3A_1241, %slice3A_1241, %slice3A_1241, %slice3A_1241, %slice3A_1241, %slice3A_1241, %slice3A_1241, %slice3A_1241, %slice3A_1241, %slice3A_1241, %slice3A_1241, %slice3A_1241, %slice3A_1241, %slice3A_1241, %slice3A_1241 in 1 : vector<32x128xf32>, vector<32x128xf32>, vector<32x128xf32>, vector<32x128xf32>, vector<32x128xf32>, vector<32x128xf32>, vector<32x128xf32>, vector<32x128xf32>, vector<32x128xf32>, vector<32x128xf32>, vector<32x128xf32>, vector<32x128xf32>, vector<32x128xf32>, vector<32x128xf32>, vector<32x128xf32> -> vector<32x1920xf32>
    %mul3A_1303 = arith.mulf %dot_general3A_1301, %concatenate3A_1302 : vector<32x1920xf32>
    %add3A_1304 = arith.addf %add3A_1235, %mul3A_1303 : vector<32x1920xf32>
    %get3A_1305 = arith.constant 19 : index
    %get3A_1306 = arith.constant 0 : index
    %get3A_1307 = arith.constant 0 : index
    %get3A_1308 = vector.load %arg1[%get3A_1305, %get3A_1306, %get3A_1307] : memref<32x32x256xf32, #tpu.memory_space<vmem>>, vector<1x32x256xf32>
    %get3A_1309 = vector.shape_cast %get3A_1308 : vector<1x32x256xf32> to vector<32x256xf32>
    %slice3A_1310 = vector.extract_strided_slice %get3A_1309 {offsets = [0, 0], sizes = [32, 128], strides = [1, 1]} : vector<32x256xf32> to vector<32x128xf32>
    %slice3A_1311 = vector.extract_strided_slice %get3A_1309 {offsets = [0, 128], sizes = [32, 3], strides = [1, 1]} : vector<32x256xf32> to vector<32x3xf32>
    %sub3A_1312 = arith.subf %slice3A_1311, %get3A_1 : vector<32x3xf32>
    %mul3A_1313 = arith.mulf %sub3A_1312, %sub3A_1312 : vector<32x3xf32>
    %reduce_sum3A_1314 = arith.constant dense<0.000000e+00> : vector<32xf32>
    %reduce_sum3A_1315 = vector.multi_reduction <add>, %mul3A_1313, %reduce_sum3A_1314 [1] : vector<32x3xf32> to vector<32xf32>
    %broadcast_in_dim3A_1316 = vector.shape_cast %reduce_sum3A_1315 : vector<32xf32> to vector<32x1xf32>
    %slice3A_1317 = vector.extract_strided_slice %sub3A_1312 {offsets = [0, 0], sizes = [32, 1], strides = [1, 1]} : vector<32x3xf32> to vector<32x1xf32>
    %get3A_1318 = arith.constant 0 : index
    %get3A_1319 = arith.constant 0 : index
    %get3A_1320 = vector.load %arg4[%get3A_1318, %get3A_1319] : memref<3x15xf32, #tpu.memory_space<vmem>>, vector<1x15xf32>
    %mul3A_1321 = vector.broadcast %slice3A_1317 : vector<32x1xf32> to vector<32x15xf32>
    %mul3A_1322 = vector.broadcast %get3A_1320 : vector<1x15xf32> to vector<32x15xf32>
    %mul3A_1323 = arith.mulf %mul3A_1321, %mul3A_1322 : vector<32x15xf32>
    %slice3A_1324 = vector.extract_strided_slice %sub3A_1312 {offsets = [0, 1], sizes = [32, 1], strides = [1, 1]} : vector<32x3xf32> to vector<32x1xf32>
    %get3A_1325 = arith.constant 1 : index
    %get3A_1326 = arith.constant 0 : index
    %get3A_1327 = vector.load %arg4[%get3A_1325, %get3A_1326] : memref<3x15xf32, #tpu.memory_space<vmem>>, vector<1x15xf32>
    %mul3A_1328 = vector.broadcast %slice3A_1324 : vector<32x1xf32> to vector<32x15xf32>
    %mul3A_1329 = vector.broadcast %get3A_1327 : vector<1x15xf32> to vector<32x15xf32>
    %mul3A_1330 = arith.mulf %mul3A_1328, %mul3A_1329 : vector<32x15xf32>
    %add3A_1331 = arith.addf %mul3A_1323, %mul3A_1330 : vector<32x15xf32>
    %slice3A_1332 = vector.extract_strided_slice %sub3A_1312 {offsets = [0, 2], sizes = [32, 1], strides = [1, 1]} : vector<32x3xf32> to vector<32x1xf32>
    %get3A_1333 = arith.constant 2 : index
    %get3A_1334 = arith.constant 0 : index
    %get3A_1335 = vector.load %arg4[%get3A_1333, %get3A_1334] : memref<3x15xf32, #tpu.memory_space<vmem>>, vector<1x15xf32>
    %mul3A_1336 = vector.broadcast %slice3A_1332 : vector<32x1xf32> to vector<32x15xf32>
    %mul3A_1337 = vector.broadcast %get3A_1335 : vector<1x15xf32> to vector<32x15xf32>
    %mul3A_1338 = arith.mulf %mul3A_1336, %mul3A_1337 : vector<32x15xf32>
    %add3A_1339 = arith.addf %add3A_1331, %mul3A_1338 : vector<32x15xf32>
    %mul3A_1340 = arith.constant 2.000000e+00 : f32
    %mul3A_1341 = vector.broadcast %mul3A_1340 : f32 to vector<32x15xf32>
    %mul3A_1342 = arith.mulf %mul3A_1341, %add3A_1339 : vector<32x15xf32>
    %sub3A_1343 = vector.broadcast %broadcast_in_dim3A_1316 : vector<32x1xf32> to vector<32x15xf32>
    %sub3A_1344 = arith.subf %sub3A_1343, %mul3A_1342 : vector<32x15xf32>
    %get3A_1345 = arith.constant 0 : index
    %get3A_1346 = arith.constant 0 : index
    %get3A_1347 = vector.load %arg5[%get3A_1345, %get3A_1346] : memref<1x15xf32, #tpu.memory_space<vmem>>, vector<1x15xf32>
    %add3A_1348 = vector.broadcast %get3A_1347 : vector<1x15xf32> to vector<32x15xf32>
    %add3A_1349 = arith.addf %sub3A_1344, %add3A_1348 : vector<32x15xf32>
    %max3A_1350 = arith.constant 0.000000e+00 : f32
    %max3A_1351 = vector.broadcast %max3A_1350 : f32 to vector<32x15xf32>
    %max3A_1352 = arith.maximumf %add3A_1349, %max3A_1351 : vector<32x15xf32>
    %add3A_1353 = arith.constant 9.99999996E-13 : f32
    %add3A_1354 = vector.broadcast %add3A_1353 : f32 to vector<32x15xf32>
    %add3A_1355 = arith.addf %max3A_1352, %add3A_1354 : vector<32x15xf32>
    %sqrt3A_1356 = math.sqrt %add3A_1355 : vector<32x15xf32>
    %mul3A_1357 = arith.constant 1.000000e+01 : f32
    %mul3A_1358 = vector.broadcast %mul3A_1357 : f32 to vector<32x15xf32>
    %mul3A_1359 = arith.mulf %sqrt3A_1356, %mul3A_1358 : vector<32x15xf32>
    %sub3A_1360 = arith.constant 1.000000e+00 : f32
    %sub3A_1361 = vector.broadcast %sub3A_1360 : f32 to vector<32x15xf32>
    %sub3A_1362 = arith.subf %sub3A_1361, %mul3A_1359 : vector<32x15xf32>
    %max3A_1363 = arith.constant 0.000000e+00 : f32
    %max3A_1364 = vector.broadcast %max3A_1363 : f32 to vector<32x15xf32>
    %max3A_1365 = arith.maximumf %max3A_1364, %sub3A_1362 : vector<32x15xf32>
    %get3A_1366 = arith.constant 0 : index
    %get3A_1367 = arith.constant 0 : index
    %get3A_1368 = vector.load %arg6[%get3A_1366, %get3A_1367] : memref<15x1920xf32, #tpu.memory_space<vmem>>, vector<15x1920xf32>
    %dot_general3A_1369 = arith.constant dense<0.000000e+00> : vector<32x1920xf32>
    %dot_general3A_1370 = tpu.matmul %max3A_1365, %get3A_1368, %dot_general3A_1369 {dimension_numbers = #tpu.dot_dimension_numbers<[1], [0], [0], [1], [0, 0, 1, 1], [], []>, transpose_lhs_hint = false} : vector<32x15xf32>, vector<15x1920xf32>, vector<32x1920xf32> -> vector<32x1920xf32>
    %concatenate3A_1371 = tpu.concatenate %slice3A_1310, %slice3A_1310, %slice3A_1310, %slice3A_1310, %slice3A_1310, %slice3A_1310, %slice3A_1310, %slice3A_1310, %slice3A_1310, %slice3A_1310, %slice3A_1310, %slice3A_1310, %slice3A_1310, %slice3A_1310, %slice3A_1310 in 1 : vector<32x128xf32>, vector<32x128xf32>, vector<32x128xf32>, vector<32x128xf32>, vector<32x128xf32>, vector<32x128xf32>, vector<32x128xf32>, vector<32x128xf32>, vector<32x128xf32>, vector<32x128xf32>, vector<32x128xf32>, vector<32x128xf32>, vector<32x128xf32>, vector<32x128xf32>, vector<32x128xf32> -> vector<32x1920xf32>
    %mul3A_1372 = arith.mulf %dot_general3A_1370, %concatenate3A_1371 : vector<32x1920xf32>
    %add3A_1373 = arith.addf %add3A_1304, %mul3A_1372 : vector<32x1920xf32>
    %get3A_1374 = arith.constant 20 : index
    %get3A_1375 = arith.constant 0 : index
    %get3A_1376 = arith.constant 0 : index
    %get3A_1377 = vector.load %arg1[%get3A_1374, %get3A_1375, %get3A_1376] : memref<32x32x256xf32, #tpu.memory_space<vmem>>, vector<1x32x256xf32>
    %get3A_1378 = vector.shape_cast %get3A_1377 : vector<1x32x256xf32> to vector<32x256xf32>
    %slice3A_1379 = vector.extract_strided_slice %get3A_1378 {offsets = [0, 0], sizes = [32, 128], strides = [1, 1]} : vector<32x256xf32> to vector<32x128xf32>
    %slice3A_1380 = vector.extract_strided_slice %get3A_1378 {offsets = [0, 128], sizes = [32, 3], strides = [1, 1]} : vector<32x256xf32> to vector<32x3xf32>
    %sub3A_1381 = arith.subf %slice3A_1380, %get3A_1 : vector<32x3xf32>
    %mul3A_1382 = arith.mulf %sub3A_1381, %sub3A_1381 : vector<32x3xf32>
    %reduce_sum3A_1383 = arith.constant dense<0.000000e+00> : vector<32xf32>
    %reduce_sum3A_1384 = vector.multi_reduction <add>, %mul3A_1382, %reduce_sum3A_1383 [1] : vector<32x3xf32> to vector<32xf32>
    %broadcast_in_dim3A_1385 = vector.shape_cast %reduce_sum3A_1384 : vector<32xf32> to vector<32x1xf32>
    %slice3A_1386 = vector.extract_strided_slice %sub3A_1381 {offsets = [0, 0], sizes = [32, 1], strides = [1, 1]} : vector<32x3xf32> to vector<32x1xf32>
    %get3A_1387 = arith.constant 0 : index
    %get3A_1388 = arith.constant 0 : index
    %get3A_1389 = vector.load %arg4[%get3A_1387, %get3A_1388] : memref<3x15xf32, #tpu.memory_space<vmem>>, vector<1x15xf32>
    %mul3A_1390 = vector.broadcast %slice3A_1386 : vector<32x1xf32> to vector<32x15xf32>
    %mul3A_1391 = vector.broadcast %get3A_1389 : vector<1x15xf32> to vector<32x15xf32>
    %mul3A_1392 = arith.mulf %mul3A_1390, %mul3A_1391 : vector<32x15xf32>
    %slice3A_1393 = vector.extract_strided_slice %sub3A_1381 {offsets = [0, 1], sizes = [32, 1], strides = [1, 1]} : vector<32x3xf32> to vector<32x1xf32>
    %get3A_1394 = arith.constant 1 : index
    %get3A_1395 = arith.constant 0 : index
    %get3A_1396 = vector.load %arg4[%get3A_1394, %get3A_1395] : memref<3x15xf32, #tpu.memory_space<vmem>>, vector<1x15xf32>
    %mul3A_1397 = vector.broadcast %slice3A_1393 : vector<32x1xf32> to vector<32x15xf32>
    %mul3A_1398 = vector.broadcast %get3A_1396 : vector<1x15xf32> to vector<32x15xf32>
    %mul3A_1399 = arith.mulf %mul3A_1397, %mul3A_1398 : vector<32x15xf32>
    %add3A_1400 = arith.addf %mul3A_1392, %mul3A_1399 : vector<32x15xf32>
    %slice3A_1401 = vector.extract_strided_slice %sub3A_1381 {offsets = [0, 2], sizes = [32, 1], strides = [1, 1]} : vector<32x3xf32> to vector<32x1xf32>
    %get3A_1402 = arith.constant 2 : index
    %get3A_1403 = arith.constant 0 : index
    %get3A_1404 = vector.load %arg4[%get3A_1402, %get3A_1403] : memref<3x15xf32, #tpu.memory_space<vmem>>, vector<1x15xf32>
    %mul3A_1405 = vector.broadcast %slice3A_1401 : vector<32x1xf32> to vector<32x15xf32>
    %mul3A_1406 = vector.broadcast %get3A_1404 : vector<1x15xf32> to vector<32x15xf32>
    %mul3A_1407 = arith.mulf %mul3A_1405, %mul3A_1406 : vector<32x15xf32>
    %add3A_1408 = arith.addf %add3A_1400, %mul3A_1407 : vector<32x15xf32>
    %mul3A_1409 = arith.constant 2.000000e+00 : f32
    %mul3A_1410 = vector.broadcast %mul3A_1409 : f32 to vector<32x15xf32>
    %mul3A_1411 = arith.mulf %mul3A_1410, %add3A_1408 : vector<32x15xf32>
    %sub3A_1412 = vector.broadcast %broadcast_in_dim3A_1385 : vector<32x1xf32> to vector<32x15xf32>
    %sub3A_1413 = arith.subf %sub3A_1412, %mul3A_1411 : vector<32x15xf32>
    %get3A_1414 = arith.constant 0 : index
    %get3A_1415 = arith.constant 0 : index
    %get3A_1416 = vector.load %arg5[%get3A_1414, %get3A_1415] : memref<1x15xf32, #tpu.memory_space<vmem>>, vector<1x15xf32>
    %add3A_1417 = vector.broadcast %get3A_1416 : vector<1x15xf32> to vector<32x15xf32>
    %add3A_1418 = arith.addf %sub3A_1413, %add3A_1417 : vector<32x15xf32>
    %max3A_1419 = arith.constant 0.000000e+00 : f32
    %max3A_1420 = vector.broadcast %max3A_1419 : f32 to vector<32x15xf32>
    %max3A_1421 = arith.maximumf %add3A_1418, %max3A_1420 : vector<32x15xf32>
    %add3A_1422 = arith.constant 9.99999996E-13 : f32
    %add3A_1423 = vector.broadcast %add3A_1422 : f32 to vector<32x15xf32>
    %add3A_1424 = arith.addf %max3A_1421, %add3A_1423 : vector<32x15xf32>
    %sqrt3A_1425 = math.sqrt %add3A_1424 : vector<32x15xf32>
    %mul3A_1426 = arith.constant 1.000000e+01 : f32
    %mul3A_1427 = vector.broadcast %mul3A_1426 : f32 to vector<32x15xf32>
    %mul3A_1428 = arith.mulf %sqrt3A_1425, %mul3A_1427 : vector<32x15xf32>
    %sub3A_1429 = arith.constant 1.000000e+00 : f32
    %sub3A_1430 = vector.broadcast %sub3A_1429 : f32 to vector<32x15xf32>
    %sub3A_1431 = arith.subf %sub3A_1430, %mul3A_1428 : vector<32x15xf32>
    %max3A_1432 = arith.constant 0.000000e+00 : f32
    %max3A_1433 = vector.broadcast %max3A_1432 : f32 to vector<32x15xf32>
    %max3A_1434 = arith.maximumf %max3A_1433, %sub3A_1431 : vector<32x15xf32>
    %get3A_1435 = arith.constant 0 : index
    %get3A_1436 = arith.constant 0 : index
    %get3A_1437 = vector.load %arg6[%get3A_1435, %get3A_1436] : memref<15x1920xf32, #tpu.memory_space<vmem>>, vector<15x1920xf32>
    %dot_general3A_1438 = arith.constant dense<0.000000e+00> : vector<32x1920xf32>
    %dot_general3A_1439 = tpu.matmul %max3A_1434, %get3A_1437, %dot_general3A_1438 {dimension_numbers = #tpu.dot_dimension_numbers<[1], [0], [0], [1], [0, 0, 1, 1], [], []>, transpose_lhs_hint = false} : vector<32x15xf32>, vector<15x1920xf32>, vector<32x1920xf32> -> vector<32x1920xf32>
    %concatenate3A_1440 = tpu.concatenate %slice3A_1379, %slice3A_1379, %slice3A_1379, %slice3A_1379, %slice3A_1379, %slice3A_1379, %slice3A_1379, %slice3A_1379, %slice3A_1379, %slice3A_1379, %slice3A_1379, %slice3A_1379, %slice3A_1379, %slice3A_1379, %slice3A_1379 in 1 : vector<32x128xf32>, vector<32x128xf32>, vector<32x128xf32>, vector<32x128xf32>, vector<32x128xf32>, vector<32x128xf32>, vector<32x128xf32>, vector<32x128xf32>, vector<32x128xf32>, vector<32x128xf32>, vector<32x128xf32>, vector<32x128xf32>, vector<32x128xf32>, vector<32x128xf32>, vector<32x128xf32> -> vector<32x1920xf32>
    %mul3A_1441 = arith.mulf %dot_general3A_1439, %concatenate3A_1440 : vector<32x1920xf32>
    %add3A_1442 = arith.addf %add3A_1373, %mul3A_1441 : vector<32x1920xf32>
    %get3A_1443 = arith.constant 21 : index
    %get3A_1444 = arith.constant 0 : index
    %get3A_1445 = arith.constant 0 : index
    %get3A_1446 = vector.load %arg1[%get3A_1443, %get3A_1444, %get3A_1445] : memref<32x32x256xf32, #tpu.memory_space<vmem>>, vector<1x32x256xf32>
    %get3A_1447 = vector.shape_cast %get3A_1446 : vector<1x32x256xf32> to vector<32x256xf32>
    %slice3A_1448 = vector.extract_strided_slice %get3A_1447 {offsets = [0, 0], sizes = [32, 128], strides = [1, 1]} : vector<32x256xf32> to vector<32x128xf32>
    %slice3A_1449 = vector.extract_strided_slice %get3A_1447 {offsets = [0, 128], sizes = [32, 3], strides = [1, 1]} : vector<32x256xf32> to vector<32x3xf32>
    %sub3A_1450 = arith.subf %slice3A_1449, %get3A_1 : vector<32x3xf32>
    %mul3A_1451 = arith.mulf %sub3A_1450, %sub3A_1450 : vector<32x3xf32>
    %reduce_sum3A_1452 = arith.constant dense<0.000000e+00> : vector<32xf32>
    %reduce_sum3A_1453 = vector.multi_reduction <add>, %mul3A_1451, %reduce_sum3A_1452 [1] : vector<32x3xf32> to vector<32xf32>
    %broadcast_in_dim3A_1454 = vector.shape_cast %reduce_sum3A_1453 : vector<32xf32> to vector<32x1xf32>
    %slice3A_1455 = vector.extract_strided_slice %sub3A_1450 {offsets = [0, 0], sizes = [32, 1], strides = [1, 1]} : vector<32x3xf32> to vector<32x1xf32>
    %get3A_1456 = arith.constant 0 : index
    %get3A_1457 = arith.constant 0 : index
    %get3A_1458 = vector.load %arg4[%get3A_1456, %get3A_1457] : memref<3x15xf32, #tpu.memory_space<vmem>>, vector<1x15xf32>
    %mul3A_1459 = vector.broadcast %slice3A_1455 : vector<32x1xf32> to vector<32x15xf32>
    %mul3A_1460 = vector.broadcast %get3A_1458 : vector<1x15xf32> to vector<32x15xf32>
    %mul3A_1461 = arith.mulf %mul3A_1459, %mul3A_1460 : vector<32x15xf32>
    %slice3A_1462 = vector.extract_strided_slice %sub3A_1450 {offsets = [0, 1], sizes = [32, 1], strides = [1, 1]} : vector<32x3xf32> to vector<32x1xf32>
    %get3A_1463 = arith.constant 1 : index
    %get3A_1464 = arith.constant 0 : index
    %get3A_1465 = vector.load %arg4[%get3A_1463, %get3A_1464] : memref<3x15xf32, #tpu.memory_space<vmem>>, vector<1x15xf32>
    %mul3A_1466 = vector.broadcast %slice3A_1462 : vector<32x1xf32> to vector<32x15xf32>
    %mul3A_1467 = vector.broadcast %get3A_1465 : vector<1x15xf32> to vector<32x15xf32>
    %mul3A_1468 = arith.mulf %mul3A_1466, %mul3A_1467 : vector<32x15xf32>
    %add3A_1469 = arith.addf %mul3A_1461, %mul3A_1468 : vector<32x15xf32>
    %slice3A_1470 = vector.extract_strided_slice %sub3A_1450 {offsets = [0, 2], sizes = [32, 1], strides = [1, 1]} : vector<32x3xf32> to vector<32x1xf32>
    %get3A_1471 = arith.constant 2 : index
    %get3A_1472 = arith.constant 0 : index
    %get3A_1473 = vector.load %arg4[%get3A_1471, %get3A_1472] : memref<3x15xf32, #tpu.memory_space<vmem>>, vector<1x15xf32>
    %mul3A_1474 = vector.broadcast %slice3A_1470 : vector<32x1xf32> to vector<32x15xf32>
    %mul3A_1475 = vector.broadcast %get3A_1473 : vector<1x15xf32> to vector<32x15xf32>
    %mul3A_1476 = arith.mulf %mul3A_1474, %mul3A_1475 : vector<32x15xf32>
    %add3A_1477 = arith.addf %add3A_1469, %mul3A_1476 : vector<32x15xf32>
    %mul3A_1478 = arith.constant 2.000000e+00 : f32
    %mul3A_1479 = vector.broadcast %mul3A_1478 : f32 to vector<32x15xf32>
    %mul3A_1480 = arith.mulf %mul3A_1479, %add3A_1477 : vector<32x15xf32>
    %sub3A_1481 = vector.broadcast %broadcast_in_dim3A_1454 : vector<32x1xf32> to vector<32x15xf32>
    %sub3A_1482 = arith.subf %sub3A_1481, %mul3A_1480 : vector<32x15xf32>
    %get3A_1483 = arith.constant 0 : index
    %get3A_1484 = arith.constant 0 : index
    %get3A_1485 = vector.load %arg5[%get3A_1483, %get3A_1484] : memref<1x15xf32, #tpu.memory_space<vmem>>, vector<1x15xf32>
    %add3A_1486 = vector.broadcast %get3A_1485 : vector<1x15xf32> to vector<32x15xf32>
    %add3A_1487 = arith.addf %sub3A_1482, %add3A_1486 : vector<32x15xf32>
    %max3A_1488 = arith.constant 0.000000e+00 : f32
    %max3A_1489 = vector.broadcast %max3A_1488 : f32 to vector<32x15xf32>
    %max3A_1490 = arith.maximumf %add3A_1487, %max3A_1489 : vector<32x15xf32>
    %add3A_1491 = arith.constant 9.99999996E-13 : f32
    %add3A_1492 = vector.broadcast %add3A_1491 : f32 to vector<32x15xf32>
    %add3A_1493 = arith.addf %max3A_1490, %add3A_1492 : vector<32x15xf32>
    %sqrt3A_1494 = math.sqrt %add3A_1493 : vector<32x15xf32>
    %mul3A_1495 = arith.constant 1.000000e+01 : f32
    %mul3A_1496 = vector.broadcast %mul3A_1495 : f32 to vector<32x15xf32>
    %mul3A_1497 = arith.mulf %sqrt3A_1494, %mul3A_1496 : vector<32x15xf32>
    %sub3A_1498 = arith.constant 1.000000e+00 : f32
    %sub3A_1499 = vector.broadcast %sub3A_1498 : f32 to vector<32x15xf32>
    %sub3A_1500 = arith.subf %sub3A_1499, %mul3A_1497 : vector<32x15xf32>
    %max3A_1501 = arith.constant 0.000000e+00 : f32
    %max3A_1502 = vector.broadcast %max3A_1501 : f32 to vector<32x15xf32>
    %max3A_1503 = arith.maximumf %max3A_1502, %sub3A_1500 : vector<32x15xf32>
    %get3A_1504 = arith.constant 0 : index
    %get3A_1505 = arith.constant 0 : index
    %get3A_1506 = vector.load %arg6[%get3A_1504, %get3A_1505] : memref<15x1920xf32, #tpu.memory_space<vmem>>, vector<15x1920xf32>
    %dot_general3A_1507 = arith.constant dense<0.000000e+00> : vector<32x1920xf32>
    %dot_general3A_1508 = tpu.matmul %max3A_1503, %get3A_1506, %dot_general3A_1507 {dimension_numbers = #tpu.dot_dimension_numbers<[1], [0], [0], [1], [0, 0, 1, 1], [], []>, transpose_lhs_hint = false} : vector<32x15xf32>, vector<15x1920xf32>, vector<32x1920xf32> -> vector<32x1920xf32>
    %concatenate3A_1509 = tpu.concatenate %slice3A_1448, %slice3A_1448, %slice3A_1448, %slice3A_1448, %slice3A_1448, %slice3A_1448, %slice3A_1448, %slice3A_1448, %slice3A_1448, %slice3A_1448, %slice3A_1448, %slice3A_1448, %slice3A_1448, %slice3A_1448, %slice3A_1448 in 1 : vector<32x128xf32>, vector<32x128xf32>, vector<32x128xf32>, vector<32x128xf32>, vector<32x128xf32>, vector<32x128xf32>, vector<32x128xf32>, vector<32x128xf32>, vector<32x128xf32>, vector<32x128xf32>, vector<32x128xf32>, vector<32x128xf32>, vector<32x128xf32>, vector<32x128xf32>, vector<32x128xf32> -> vector<32x1920xf32>
    %mul3A_1510 = arith.mulf %dot_general3A_1508, %concatenate3A_1509 : vector<32x1920xf32>
    %add3A_1511 = arith.addf %add3A_1442, %mul3A_1510 : vector<32x1920xf32>
    %get3A_1512 = arith.constant 22 : index
    %get3A_1513 = arith.constant 0 : index
    %get3A_1514 = arith.constant 0 : index
    %get3A_1515 = vector.load %arg1[%get3A_1512, %get3A_1513, %get3A_1514] : memref<32x32x256xf32, #tpu.memory_space<vmem>>, vector<1x32x256xf32>
    %get3A_1516 = vector.shape_cast %get3A_1515 : vector<1x32x256xf32> to vector<32x256xf32>
    %slice3A_1517 = vector.extract_strided_slice %get3A_1516 {offsets = [0, 0], sizes = [32, 128], strides = [1, 1]} : vector<32x256xf32> to vector<32x128xf32>
    %slice3A_1518 = vector.extract_strided_slice %get3A_1516 {offsets = [0, 128], sizes = [32, 3], strides = [1, 1]} : vector<32x256xf32> to vector<32x3xf32>
    %sub3A_1519 = arith.subf %slice3A_1518, %get3A_1 : vector<32x3xf32>
    %mul3A_1520 = arith.mulf %sub3A_1519, %sub3A_1519 : vector<32x3xf32>
    %reduce_sum3A_1521 = arith.constant dense<0.000000e+00> : vector<32xf32>
    %reduce_sum3A_1522 = vector.multi_reduction <add>, %mul3A_1520, %reduce_sum3A_1521 [1] : vector<32x3xf32> to vector<32xf32>
    %broadcast_in_dim3A_1523 = vector.shape_cast %reduce_sum3A_1522 : vector<32xf32> to vector<32x1xf32>
    %slice3A_1524 = vector.extract_strided_slice %sub3A_1519 {offsets = [0, 0], sizes = [32, 1], strides = [1, 1]} : vector<32x3xf32> to vector<32x1xf32>
    %get3A_1525 = arith.constant 0 : index
    %get3A_1526 = arith.constant 0 : index
    %get3A_1527 = vector.load %arg4[%get3A_1525, %get3A_1526] : memref<3x15xf32, #tpu.memory_space<vmem>>, vector<1x15xf32>
    %mul3A_1528 = vector.broadcast %slice3A_1524 : vector<32x1xf32> to vector<32x15xf32>
    %mul3A_1529 = vector.broadcast %get3A_1527 : vector<1x15xf32> to vector<32x15xf32>
    %mul3A_1530 = arith.mulf %mul3A_1528, %mul3A_1529 : vector<32x15xf32>
    %slice3A_1531 = vector.extract_strided_slice %sub3A_1519 {offsets = [0, 1], sizes = [32, 1], strides = [1, 1]} : vector<32x3xf32> to vector<32x1xf32>
    %get3A_1532 = arith.constant 1 : index
    %get3A_1533 = arith.constant 0 : index
    %get3A_1534 = vector.load %arg4[%get3A_1532, %get3A_1533] : memref<3x15xf32, #tpu.memory_space<vmem>>, vector<1x15xf32>
    %mul3A_1535 = vector.broadcast %slice3A_1531 : vector<32x1xf32> to vector<32x15xf32>
    %mul3A_1536 = vector.broadcast %get3A_1534 : vector<1x15xf32> to vector<32x15xf32>
    %mul3A_1537 = arith.mulf %mul3A_1535, %mul3A_1536 : vector<32x15xf32>
    %add3A_1538 = arith.addf %mul3A_1530, %mul3A_1537 : vector<32x15xf32>
    %slice3A_1539 = vector.extract_strided_slice %sub3A_1519 {offsets = [0, 2], sizes = [32, 1], strides = [1, 1]} : vector<32x3xf32> to vector<32x1xf32>
    %get3A_1540 = arith.constant 2 : index
    %get3A_1541 = arith.constant 0 : index
    %get3A_1542 = vector.load %arg4[%get3A_1540, %get3A_1541] : memref<3x15xf32, #tpu.memory_space<vmem>>, vector<1x15xf32>
    %mul3A_1543 = vector.broadcast %slice3A_1539 : vector<32x1xf32> to vector<32x15xf32>
    %mul3A_1544 = vector.broadcast %get3A_1542 : vector<1x15xf32> to vector<32x15xf32>
    %mul3A_1545 = arith.mulf %mul3A_1543, %mul3A_1544 : vector<32x15xf32>
    %add3A_1546 = arith.addf %add3A_1538, %mul3A_1545 : vector<32x15xf32>
    %mul3A_1547 = arith.constant 2.000000e+00 : f32
    %mul3A_1548 = vector.broadcast %mul3A_1547 : f32 to vector<32x15xf32>
    %mul3A_1549 = arith.mulf %mul3A_1548, %add3A_1546 : vector<32x15xf32>
    %sub3A_1550 = vector.broadcast %broadcast_in_dim3A_1523 : vector<32x1xf32> to vector<32x15xf32>
    %sub3A_1551 = arith.subf %sub3A_1550, %mul3A_1549 : vector<32x15xf32>
    %get3A_1552 = arith.constant 0 : index
    %get3A_1553 = arith.constant 0 : index
    %get3A_1554 = vector.load %arg5[%get3A_1552, %get3A_1553] : memref<1x15xf32, #tpu.memory_space<vmem>>, vector<1x15xf32>
    %add3A_1555 = vector.broadcast %get3A_1554 : vector<1x15xf32> to vector<32x15xf32>
    %add3A_1556 = arith.addf %sub3A_1551, %add3A_1555 : vector<32x15xf32>
    %max3A_1557 = arith.constant 0.000000e+00 : f32
    %max3A_1558 = vector.broadcast %max3A_1557 : f32 to vector<32x15xf32>
    %max3A_1559 = arith.maximumf %add3A_1556, %max3A_1558 : vector<32x15xf32>
    %add3A_1560 = arith.constant 9.99999996E-13 : f32
    %add3A_1561 = vector.broadcast %add3A_1560 : f32 to vector<32x15xf32>
    %add3A_1562 = arith.addf %max3A_1559, %add3A_1561 : vector<32x15xf32>
    %sqrt3A_1563 = math.sqrt %add3A_1562 : vector<32x15xf32>
    %mul3A_1564 = arith.constant 1.000000e+01 : f32
    %mul3A_1565 = vector.broadcast %mul3A_1564 : f32 to vector<32x15xf32>
    %mul3A_1566 = arith.mulf %sqrt3A_1563, %mul3A_1565 : vector<32x15xf32>
    %sub3A_1567 = arith.constant 1.000000e+00 : f32
    %sub3A_1568 = vector.broadcast %sub3A_1567 : f32 to vector<32x15xf32>
    %sub3A_1569 = arith.subf %sub3A_1568, %mul3A_1566 : vector<32x15xf32>
    %max3A_1570 = arith.constant 0.000000e+00 : f32
    %max3A_1571 = vector.broadcast %max3A_1570 : f32 to vector<32x15xf32>
    %max3A_1572 = arith.maximumf %max3A_1571, %sub3A_1569 : vector<32x15xf32>
    %get3A_1573 = arith.constant 0 : index
    %get3A_1574 = arith.constant 0 : index
    %get3A_1575 = vector.load %arg6[%get3A_1573, %get3A_1574] : memref<15x1920xf32, #tpu.memory_space<vmem>>, vector<15x1920xf32>
    %dot_general3A_1576 = arith.constant dense<0.000000e+00> : vector<32x1920xf32>
    %dot_general3A_1577 = tpu.matmul %max3A_1572, %get3A_1575, %dot_general3A_1576 {dimension_numbers = #tpu.dot_dimension_numbers<[1], [0], [0], [1], [0, 0, 1, 1], [], []>, transpose_lhs_hint = false} : vector<32x15xf32>, vector<15x1920xf32>, vector<32x1920xf32> -> vector<32x1920xf32>
    %concatenate3A_1578 = tpu.concatenate %slice3A_1517, %slice3A_1517, %slice3A_1517, %slice3A_1517, %slice3A_1517, %slice3A_1517, %slice3A_1517, %slice3A_1517, %slice3A_1517, %slice3A_1517, %slice3A_1517, %slice3A_1517, %slice3A_1517, %slice3A_1517, %slice3A_1517 in 1 : vector<32x128xf32>, vector<32x128xf32>, vector<32x128xf32>, vector<32x128xf32>, vector<32x128xf32>, vector<32x128xf32>, vector<32x128xf32>, vector<32x128xf32>, vector<32x128xf32>, vector<32x128xf32>, vector<32x128xf32>, vector<32x128xf32>, vector<32x128xf32>, vector<32x128xf32>, vector<32x128xf32> -> vector<32x1920xf32>
    %mul3A_1579 = arith.mulf %dot_general3A_1577, %concatenate3A_1578 : vector<32x1920xf32>
    %add3A_1580 = arith.addf %add3A_1511, %mul3A_1579 : vector<32x1920xf32>
    %get3A_1581 = arith.constant 23 : index
    %get3A_1582 = arith.constant 0 : index
    %get3A_1583 = arith.constant 0 : index
    %get3A_1584 = vector.load %arg1[%get3A_1581, %get3A_1582, %get3A_1583] : memref<32x32x256xf32, #tpu.memory_space<vmem>>, vector<1x32x256xf32>
    %get3A_1585 = vector.shape_cast %get3A_1584 : vector<1x32x256xf32> to vector<32x256xf32>
    %slice3A_1586 = vector.extract_strided_slice %get3A_1585 {offsets = [0, 0], sizes = [32, 128], strides = [1, 1]} : vector<32x256xf32> to vector<32x128xf32>
    %slice3A_1587 = vector.extract_strided_slice %get3A_1585 {offsets = [0, 128], sizes = [32, 3], strides = [1, 1]} : vector<32x256xf32> to vector<32x3xf32>
    %sub3A_1588 = arith.subf %slice3A_1587, %get3A_1 : vector<32x3xf32>
    %mul3A_1589 = arith.mulf %sub3A_1588, %sub3A_1588 : vector<32x3xf32>
    %reduce_sum3A_1590 = arith.constant dense<0.000000e+00> : vector<32xf32>
    %reduce_sum3A_1591 = vector.multi_reduction <add>, %mul3A_1589, %reduce_sum3A_1590 [1] : vector<32x3xf32> to vector<32xf32>
    %broadcast_in_dim3A_1592 = vector.shape_cast %reduce_sum3A_1591 : vector<32xf32> to vector<32x1xf32>
    %slice3A_1593 = vector.extract_strided_slice %sub3A_1588 {offsets = [0, 0], sizes = [32, 1], strides = [1, 1]} : vector<32x3xf32> to vector<32x1xf32>
    %get3A_1594 = arith.constant 0 : index
    %get3A_1595 = arith.constant 0 : index
    %get3A_1596 = vector.load %arg4[%get3A_1594, %get3A_1595] : memref<3x15xf32, #tpu.memory_space<vmem>>, vector<1x15xf32>
    %mul3A_1597 = vector.broadcast %slice3A_1593 : vector<32x1xf32> to vector<32x15xf32>
    %mul3A_1598 = vector.broadcast %get3A_1596 : vector<1x15xf32> to vector<32x15xf32>
    %mul3A_1599 = arith.mulf %mul3A_1597, %mul3A_1598 : vector<32x15xf32>
    %slice3A_1600 = vector.extract_strided_slice %sub3A_1588 {offsets = [0, 1], sizes = [32, 1], strides = [1, 1]} : vector<32x3xf32> to vector<32x1xf32>
    %get3A_1601 = arith.constant 1 : index
    %get3A_1602 = arith.constant 0 : index
    %get3A_1603 = vector.load %arg4[%get3A_1601, %get3A_1602] : memref<3x15xf32, #tpu.memory_space<vmem>>, vector<1x15xf32>
    %mul3A_1604 = vector.broadcast %slice3A_1600 : vector<32x1xf32> to vector<32x15xf32>
    %mul3A_1605 = vector.broadcast %get3A_1603 : vector<1x15xf32> to vector<32x15xf32>
    %mul3A_1606 = arith.mulf %mul3A_1604, %mul3A_1605 : vector<32x15xf32>
    %add3A_1607 = arith.addf %mul3A_1599, %mul3A_1606 : vector<32x15xf32>
    %slice3A_1608 = vector.extract_strided_slice %sub3A_1588 {offsets = [0, 2], sizes = [32, 1], strides = [1, 1]} : vector<32x3xf32> to vector<32x1xf32>
    %get3A_1609 = arith.constant 2 : index
    %get3A_1610 = arith.constant 0 : index
    %get3A_1611 = vector.load %arg4[%get3A_1609, %get3A_1610] : memref<3x15xf32, #tpu.memory_space<vmem>>, vector<1x15xf32>
    %mul3A_1612 = vector.broadcast %slice3A_1608 : vector<32x1xf32> to vector<32x15xf32>
    %mul3A_1613 = vector.broadcast %get3A_1611 : vector<1x15xf32> to vector<32x15xf32>
    %mul3A_1614 = arith.mulf %mul3A_1612, %mul3A_1613 : vector<32x15xf32>
    %add3A_1615 = arith.addf %add3A_1607, %mul3A_1614 : vector<32x15xf32>
    %mul3A_1616 = arith.constant 2.000000e+00 : f32
    %mul3A_1617 = vector.broadcast %mul3A_1616 : f32 to vector<32x15xf32>
    %mul3A_1618 = arith.mulf %mul3A_1617, %add3A_1615 : vector<32x15xf32>
    %sub3A_1619 = vector.broadcast %broadcast_in_dim3A_1592 : vector<32x1xf32> to vector<32x15xf32>
    %sub3A_1620 = arith.subf %sub3A_1619, %mul3A_1618 : vector<32x15xf32>
    %get3A_1621 = arith.constant 0 : index
    %get3A_1622 = arith.constant 0 : index
    %get3A_1623 = vector.load %arg5[%get3A_1621, %get3A_1622] : memref<1x15xf32, #tpu.memory_space<vmem>>, vector<1x15xf32>
    %add3A_1624 = vector.broadcast %get3A_1623 : vector<1x15xf32> to vector<32x15xf32>
    %add3A_1625 = arith.addf %sub3A_1620, %add3A_1624 : vector<32x15xf32>
    %max3A_1626 = arith.constant 0.000000e+00 : f32
    %max3A_1627 = vector.broadcast %max3A_1626 : f32 to vector<32x15xf32>
    %max3A_1628 = arith.maximumf %add3A_1625, %max3A_1627 : vector<32x15xf32>
    %add3A_1629 = arith.constant 9.99999996E-13 : f32
    %add3A_1630 = vector.broadcast %add3A_1629 : f32 to vector<32x15xf32>
    %add3A_1631 = arith.addf %max3A_1628, %add3A_1630 : vector<32x15xf32>
    %sqrt3A_1632 = math.sqrt %add3A_1631 : vector<32x15xf32>
    %mul3A_1633 = arith.constant 1.000000e+01 : f32
    %mul3A_1634 = vector.broadcast %mul3A_1633 : f32 to vector<32x15xf32>
    %mul3A_1635 = arith.mulf %sqrt3A_1632, %mul3A_1634 : vector<32x15xf32>
    %sub3A_1636 = arith.constant 1.000000e+00 : f32
    %sub3A_1637 = vector.broadcast %sub3A_1636 : f32 to vector<32x15xf32>
    %sub3A_1638 = arith.subf %sub3A_1637, %mul3A_1635 : vector<32x15xf32>
    %max3A_1639 = arith.constant 0.000000e+00 : f32
    %max3A_1640 = vector.broadcast %max3A_1639 : f32 to vector<32x15xf32>
    %max3A_1641 = arith.maximumf %max3A_1640, %sub3A_1638 : vector<32x15xf32>
    %get3A_1642 = arith.constant 0 : index
    %get3A_1643 = arith.constant 0 : index
    %get3A_1644 = vector.load %arg6[%get3A_1642, %get3A_1643] : memref<15x1920xf32, #tpu.memory_space<vmem>>, vector<15x1920xf32>
    %dot_general3A_1645 = arith.constant dense<0.000000e+00> : vector<32x1920xf32>
    %dot_general3A_1646 = tpu.matmul %max3A_1641, %get3A_1644, %dot_general3A_1645 {dimension_numbers = #tpu.dot_dimension_numbers<[1], [0], [0], [1], [0, 0, 1, 1], [], []>, transpose_lhs_hint = false} : vector<32x15xf32>, vector<15x1920xf32>, vector<32x1920xf32> -> vector<32x1920xf32>
    %concatenate3A_1647 = tpu.concatenate %slice3A_1586, %slice3A_1586, %slice3A_1586, %slice3A_1586, %slice3A_1586, %slice3A_1586, %slice3A_1586, %slice3A_1586, %slice3A_1586, %slice3A_1586, %slice3A_1586, %slice3A_1586, %slice3A_1586, %slice3A_1586, %slice3A_1586 in 1 : vector<32x128xf32>, vector<32x128xf32>, vector<32x128xf32>, vector<32x128xf32>, vector<32x128xf32>, vector<32x128xf32>, vector<32x128xf32>, vector<32x128xf32>, vector<32x128xf32>, vector<32x128xf32>, vector<32x128xf32>, vector<32x128xf32>, vector<32x128xf32>, vector<32x128xf32>, vector<32x128xf32> -> vector<32x1920xf32>
    %mul3A_1648 = arith.mulf %dot_general3A_1646, %concatenate3A_1647 : vector<32x1920xf32>
    %add3A_1649 = arith.addf %add3A_1580, %mul3A_1648 : vector<32x1920xf32>
    %get3A_1650 = arith.constant 24 : index
    %get3A_1651 = arith.constant 0 : index
    %get3A_1652 = arith.constant 0 : index
    %get3A_1653 = vector.load %arg1[%get3A_1650, %get3A_1651, %get3A_1652] : memref<32x32x256xf32, #tpu.memory_space<vmem>>, vector<1x32x256xf32>
    %get3A_1654 = vector.shape_cast %get3A_1653 : vector<1x32x256xf32> to vector<32x256xf32>
    %slice3A_1655 = vector.extract_strided_slice %get3A_1654 {offsets = [0, 0], sizes = [32, 128], strides = [1, 1]} : vector<32x256xf32> to vector<32x128xf32>
    %slice3A_1656 = vector.extract_strided_slice %get3A_1654 {offsets = [0, 128], sizes = [32, 3], strides = [1, 1]} : vector<32x256xf32> to vector<32x3xf32>
    %sub3A_1657 = arith.subf %slice3A_1656, %get3A_1 : vector<32x3xf32>
    %mul3A_1658 = arith.mulf %sub3A_1657, %sub3A_1657 : vector<32x3xf32>
    %reduce_sum3A_1659 = arith.constant dense<0.000000e+00> : vector<32xf32>
    %reduce_sum3A_1660 = vector.multi_reduction <add>, %mul3A_1658, %reduce_sum3A_1659 [1] : vector<32x3xf32> to vector<32xf32>
    %broadcast_in_dim3A_1661 = vector.shape_cast %reduce_sum3A_1660 : vector<32xf32> to vector<32x1xf32>
    %slice3A_1662 = vector.extract_strided_slice %sub3A_1657 {offsets = [0, 0], sizes = [32, 1], strides = [1, 1]} : vector<32x3xf32> to vector<32x1xf32>
    %get3A_1663 = arith.constant 0 : index
    %get3A_1664 = arith.constant 0 : index
    %get3A_1665 = vector.load %arg4[%get3A_1663, %get3A_1664] : memref<3x15xf32, #tpu.memory_space<vmem>>, vector<1x15xf32>
    %mul3A_1666 = vector.broadcast %slice3A_1662 : vector<32x1xf32> to vector<32x15xf32>
    %mul3A_1667 = vector.broadcast %get3A_1665 : vector<1x15xf32> to vector<32x15xf32>
    %mul3A_1668 = arith.mulf %mul3A_1666, %mul3A_1667 : vector<32x15xf32>
    %slice3A_1669 = vector.extract_strided_slice %sub3A_1657 {offsets = [0, 1], sizes = [32, 1], strides = [1, 1]} : vector<32x3xf32> to vector<32x1xf32>
    %get3A_1670 = arith.constant 1 : index
    %get3A_1671 = arith.constant 0 : index
    %get3A_1672 = vector.load %arg4[%get3A_1670, %get3A_1671] : memref<3x15xf32, #tpu.memory_space<vmem>>, vector<1x15xf32>
    %mul3A_1673 = vector.broadcast %slice3A_1669 : vector<32x1xf32> to vector<32x15xf32>
    %mul3A_1674 = vector.broadcast %get3A_1672 : vector<1x15xf32> to vector<32x15xf32>
    %mul3A_1675 = arith.mulf %mul3A_1673, %mul3A_1674 : vector<32x15xf32>
    %add3A_1676 = arith.addf %mul3A_1668, %mul3A_1675 : vector<32x15xf32>
    %slice3A_1677 = vector.extract_strided_slice %sub3A_1657 {offsets = [0, 2], sizes = [32, 1], strides = [1, 1]} : vector<32x3xf32> to vector<32x1xf32>
    %get3A_1678 = arith.constant 2 : index
    %get3A_1679 = arith.constant 0 : index
    %get3A_1680 = vector.load %arg4[%get3A_1678, %get3A_1679] : memref<3x15xf32, #tpu.memory_space<vmem>>, vector<1x15xf32>
    %mul3A_1681 = vector.broadcast %slice3A_1677 : vector<32x1xf32> to vector<32x15xf32>
    %mul3A_1682 = vector.broadcast %get3A_1680 : vector<1x15xf32> to vector<32x15xf32>
    %mul3A_1683 = arith.mulf %mul3A_1681, %mul3A_1682 : vector<32x15xf32>
    %add3A_1684 = arith.addf %add3A_1676, %mul3A_1683 : vector<32x15xf32>
    %mul3A_1685 = arith.constant 2.000000e+00 : f32
    %mul3A_1686 = vector.broadcast %mul3A_1685 : f32 to vector<32x15xf32>
    %mul3A_1687 = arith.mulf %mul3A_1686, %add3A_1684 : vector<32x15xf32>
    %sub3A_1688 = vector.broadcast %broadcast_in_dim3A_1661 : vector<32x1xf32> to vector<32x15xf32>
    %sub3A_1689 = arith.subf %sub3A_1688, %mul3A_1687 : vector<32x15xf32>
    %get3A_1690 = arith.constant 0 : index
    %get3A_1691 = arith.constant 0 : index
    %get3A_1692 = vector.load %arg5[%get3A_1690, %get3A_1691] : memref<1x15xf32, #tpu.memory_space<vmem>>, vector<1x15xf32>
    %add3A_1693 = vector.broadcast %get3A_1692 : vector<1x15xf32> to vector<32x15xf32>
    %add3A_1694 = arith.addf %sub3A_1689, %add3A_1693 : vector<32x15xf32>
    %max3A_1695 = arith.constant 0.000000e+00 : f32
    %max3A_1696 = vector.broadcast %max3A_1695 : f32 to vector<32x15xf32>
    %max3A_1697 = arith.maximumf %add3A_1694, %max3A_1696 : vector<32x15xf32>
    %add3A_1698 = arith.constant 9.99999996E-13 : f32
    %add3A_1699 = vector.broadcast %add3A_1698 : f32 to vector<32x15xf32>
    %add3A_1700 = arith.addf %max3A_1697, %add3A_1699 : vector<32x15xf32>
    %sqrt3A_1701 = math.sqrt %add3A_1700 : vector<32x15xf32>
    %mul3A_1702 = arith.constant 1.000000e+01 : f32
    %mul3A_1703 = vector.broadcast %mul3A_1702 : f32 to vector<32x15xf32>
    %mul3A_1704 = arith.mulf %sqrt3A_1701, %mul3A_1703 : vector<32x15xf32>
    %sub3A_1705 = arith.constant 1.000000e+00 : f32
    %sub3A_1706 = vector.broadcast %sub3A_1705 : f32 to vector<32x15xf32>
    %sub3A_1707 = arith.subf %sub3A_1706, %mul3A_1704 : vector<32x15xf32>
    %max3A_1708 = arith.constant 0.000000e+00 : f32
    %max3A_1709 = vector.broadcast %max3A_1708 : f32 to vector<32x15xf32>
    %max3A_1710 = arith.maximumf %max3A_1709, %sub3A_1707 : vector<32x15xf32>
    %get3A_1711 = arith.constant 0 : index
    %get3A_1712 = arith.constant 0 : index
    %get3A_1713 = vector.load %arg6[%get3A_1711, %get3A_1712] : memref<15x1920xf32, #tpu.memory_space<vmem>>, vector<15x1920xf32>
    %dot_general3A_1714 = arith.constant dense<0.000000e+00> : vector<32x1920xf32>
    %dot_general3A_1715 = tpu.matmul %max3A_1710, %get3A_1713, %dot_general3A_1714 {dimension_numbers = #tpu.dot_dimension_numbers<[1], [0], [0], [1], [0, 0, 1, 1], [], []>, transpose_lhs_hint = false} : vector<32x15xf32>, vector<15x1920xf32>, vector<32x1920xf32> -> vector<32x1920xf32>
    %concatenate3A_1716 = tpu.concatenate %slice3A_1655, %slice3A_1655, %slice3A_1655, %slice3A_1655, %slice3A_1655, %slice3A_1655, %slice3A_1655, %slice3A_1655, %slice3A_1655, %slice3A_1655, %slice3A_1655, %slice3A_1655, %slice3A_1655, %slice3A_1655, %slice3A_1655 in 1 : vector<32x128xf32>, vector<32x128xf32>, vector<32x128xf32>, vector<32x128xf32>, vector<32x128xf32>, vector<32x128xf32>, vector<32x128xf32>, vector<32x128xf32>, vector<32x128xf32>, vector<32x128xf32>, vector<32x128xf32>, vector<32x128xf32>, vector<32x128xf32>, vector<32x128xf32>, vector<32x128xf32> -> vector<32x1920xf32>
    %mul3A_1717 = arith.mulf %dot_general3A_1715, %concatenate3A_1716 : vector<32x1920xf32>
    %add3A_1718 = arith.addf %add3A_1649, %mul3A_1717 : vector<32x1920xf32>
    %get3A_1719 = arith.constant 25 : index
    %get3A_1720 = arith.constant 0 : index
    %get3A_1721 = arith.constant 0 : index
    %get3A_1722 = vector.load %arg1[%get3A_1719, %get3A_1720, %get3A_1721] : memref<32x32x256xf32, #tpu.memory_space<vmem>>, vector<1x32x256xf32>
    %get3A_1723 = vector.shape_cast %get3A_1722 : vector<1x32x256xf32> to vector<32x256xf32>
    %slice3A_1724 = vector.extract_strided_slice %get3A_1723 {offsets = [0, 0], sizes = [32, 128], strides = [1, 1]} : vector<32x256xf32> to vector<32x128xf32>
    %slice3A_1725 = vector.extract_strided_slice %get3A_1723 {offsets = [0, 128], sizes = [32, 3], strides = [1, 1]} : vector<32x256xf32> to vector<32x3xf32>
    %sub3A_1726 = arith.subf %slice3A_1725, %get3A_1 : vector<32x3xf32>
    %mul3A_1727 = arith.mulf %sub3A_1726, %sub3A_1726 : vector<32x3xf32>
    %reduce_sum3A_1728 = arith.constant dense<0.000000e+00> : vector<32xf32>
    %reduce_sum3A_1729 = vector.multi_reduction <add>, %mul3A_1727, %reduce_sum3A_1728 [1] : vector<32x3xf32> to vector<32xf32>
    %broadcast_in_dim3A_1730 = vector.shape_cast %reduce_sum3A_1729 : vector<32xf32> to vector<32x1xf32>
    %slice3A_1731 = vector.extract_strided_slice %sub3A_1726 {offsets = [0, 0], sizes = [32, 1], strides = [1, 1]} : vector<32x3xf32> to vector<32x1xf32>
    %get3A_1732 = arith.constant 0 : index
    %get3A_1733 = arith.constant 0 : index
    %get3A_1734 = vector.load %arg4[%get3A_1732, %get3A_1733] : memref<3x15xf32, #tpu.memory_space<vmem>>, vector<1x15xf32>
    %mul3A_1735 = vector.broadcast %slice3A_1731 : vector<32x1xf32> to vector<32x15xf32>
    %mul3A_1736 = vector.broadcast %get3A_1734 : vector<1x15xf32> to vector<32x15xf32>
    %mul3A_1737 = arith.mulf %mul3A_1735, %mul3A_1736 : vector<32x15xf32>
    %slice3A_1738 = vector.extract_strided_slice %sub3A_1726 {offsets = [0, 1], sizes = [32, 1], strides = [1, 1]} : vector<32x3xf32> to vector<32x1xf32>
    %get3A_1739 = arith.constant 1 : index
    %get3A_1740 = arith.constant 0 : index
    %get3A_1741 = vector.load %arg4[%get3A_1739, %get3A_1740] : memref<3x15xf32, #tpu.memory_space<vmem>>, vector<1x15xf32>
    %mul3A_1742 = vector.broadcast %slice3A_1738 : vector<32x1xf32> to vector<32x15xf32>
    %mul3A_1743 = vector.broadcast %get3A_1741 : vector<1x15xf32> to vector<32x15xf32>
    %mul3A_1744 = arith.mulf %mul3A_1742, %mul3A_1743 : vector<32x15xf32>
    %add3A_1745 = arith.addf %mul3A_1737, %mul3A_1744 : vector<32x15xf32>
    %slice3A_1746 = vector.extract_strided_slice %sub3A_1726 {offsets = [0, 2], sizes = [32, 1], strides = [1, 1]} : vector<32x3xf32> to vector<32x1xf32>
    %get3A_1747 = arith.constant 2 : index
    %get3A_1748 = arith.constant 0 : index
    %get3A_1749 = vector.load %arg4[%get3A_1747, %get3A_1748] : memref<3x15xf32, #tpu.memory_space<vmem>>, vector<1x15xf32>
    %mul3A_1750 = vector.broadcast %slice3A_1746 : vector<32x1xf32> to vector<32x15xf32>
    %mul3A_1751 = vector.broadcast %get3A_1749 : vector<1x15xf32> to vector<32x15xf32>
    %mul3A_1752 = arith.mulf %mul3A_1750, %mul3A_1751 : vector<32x15xf32>
    %add3A_1753 = arith.addf %add3A_1745, %mul3A_1752 : vector<32x15xf32>
    %mul3A_1754 = arith.constant 2.000000e+00 : f32
    %mul3A_1755 = vector.broadcast %mul3A_1754 : f32 to vector<32x15xf32>
    %mul3A_1756 = arith.mulf %mul3A_1755, %add3A_1753 : vector<32x15xf32>
    %sub3A_1757 = vector.broadcast %broadcast_in_dim3A_1730 : vector<32x1xf32> to vector<32x15xf32>
    %sub3A_1758 = arith.subf %sub3A_1757, %mul3A_1756 : vector<32x15xf32>
    %get3A_1759 = arith.constant 0 : index
    %get3A_1760 = arith.constant 0 : index
    %get3A_1761 = vector.load %arg5[%get3A_1759, %get3A_1760] : memref<1x15xf32, #tpu.memory_space<vmem>>, vector<1x15xf32>
    %add3A_1762 = vector.broadcast %get3A_1761 : vector<1x15xf32> to vector<32x15xf32>
    %add3A_1763 = arith.addf %sub3A_1758, %add3A_1762 : vector<32x15xf32>
    %max3A_1764 = arith.constant 0.000000e+00 : f32
    %max3A_1765 = vector.broadcast %max3A_1764 : f32 to vector<32x15xf32>
    %max3A_1766 = arith.maximumf %add3A_1763, %max3A_1765 : vector<32x15xf32>
    %add3A_1767 = arith.constant 9.99999996E-13 : f32
    %add3A_1768 = vector.broadcast %add3A_1767 : f32 to vector<32x15xf32>
    %add3A_1769 = arith.addf %max3A_1766, %add3A_1768 : vector<32x15xf32>
    %sqrt3A_1770 = math.sqrt %add3A_1769 : vector<32x15xf32>
    %mul3A_1771 = arith.constant 1.000000e+01 : f32
    %mul3A_1772 = vector.broadcast %mul3A_1771 : f32 to vector<32x15xf32>
    %mul3A_1773 = arith.mulf %sqrt3A_1770, %mul3A_1772 : vector<32x15xf32>
    %sub3A_1774 = arith.constant 1.000000e+00 : f32
    %sub3A_1775 = vector.broadcast %sub3A_1774 : f32 to vector<32x15xf32>
    %sub3A_1776 = arith.subf %sub3A_1775, %mul3A_1773 : vector<32x15xf32>
    %max3A_1777 = arith.constant 0.000000e+00 : f32
    %max3A_1778 = vector.broadcast %max3A_1777 : f32 to vector<32x15xf32>
    %max3A_1779 = arith.maximumf %max3A_1778, %sub3A_1776 : vector<32x15xf32>
    %get3A_1780 = arith.constant 0 : index
    %get3A_1781 = arith.constant 0 : index
    %get3A_1782 = vector.load %arg6[%get3A_1780, %get3A_1781] : memref<15x1920xf32, #tpu.memory_space<vmem>>, vector<15x1920xf32>
    %dot_general3A_1783 = arith.constant dense<0.000000e+00> : vector<32x1920xf32>
    %dot_general3A_1784 = tpu.matmul %max3A_1779, %get3A_1782, %dot_general3A_1783 {dimension_numbers = #tpu.dot_dimension_numbers<[1], [0], [0], [1], [0, 0, 1, 1], [], []>, transpose_lhs_hint = false} : vector<32x15xf32>, vector<15x1920xf32>, vector<32x1920xf32> -> vector<32x1920xf32>
    %concatenate3A_1785 = tpu.concatenate %slice3A_1724, %slice3A_1724, %slice3A_1724, %slice3A_1724, %slice3A_1724, %slice3A_1724, %slice3A_1724, %slice3A_1724, %slice3A_1724, %slice3A_1724, %slice3A_1724, %slice3A_1724, %slice3A_1724, %slice3A_1724, %slice3A_1724 in 1 : vector<32x128xf32>, vector<32x128xf32>, vector<32x128xf32>, vector<32x128xf32>, vector<32x128xf32>, vector<32x128xf32>, vector<32x128xf32>, vector<32x128xf32>, vector<32x128xf32>, vector<32x128xf32>, vector<32x128xf32>, vector<32x128xf32>, vector<32x128xf32>, vector<32x128xf32>, vector<32x128xf32> -> vector<32x1920xf32>
    %mul3A_1786 = arith.mulf %dot_general3A_1784, %concatenate3A_1785 : vector<32x1920xf32>
    %add3A_1787 = arith.addf %add3A_1718, %mul3A_1786 : vector<32x1920xf32>
    %get3A_1788 = arith.constant 26 : index
    %get3A_1789 = arith.constant 0 : index
    %get3A_1790 = arith.constant 0 : index
    %get3A_1791 = vector.load %arg1[%get3A_1788, %get3A_1789, %get3A_1790] : memref<32x32x256xf32, #tpu.memory_space<vmem>>, vector<1x32x256xf32>
    %get3A_1792 = vector.shape_cast %get3A_1791 : vector<1x32x256xf32> to vector<32x256xf32>
    %slice3A_1793 = vector.extract_strided_slice %get3A_1792 {offsets = [0, 0], sizes = [32, 128], strides = [1, 1]} : vector<32x256xf32> to vector<32x128xf32>
    %slice3A_1794 = vector.extract_strided_slice %get3A_1792 {offsets = [0, 128], sizes = [32, 3], strides = [1, 1]} : vector<32x256xf32> to vector<32x3xf32>
    %sub3A_1795 = arith.subf %slice3A_1794, %get3A_1 : vector<32x3xf32>
    %mul3A_1796 = arith.mulf %sub3A_1795, %sub3A_1795 : vector<32x3xf32>
    %reduce_sum3A_1797 = arith.constant dense<0.000000e+00> : vector<32xf32>
    %reduce_sum3A_1798 = vector.multi_reduction <add>, %mul3A_1796, %reduce_sum3A_1797 [1] : vector<32x3xf32> to vector<32xf32>
    %broadcast_in_dim3A_1799 = vector.shape_cast %reduce_sum3A_1798 : vector<32xf32> to vector<32x1xf32>
    %slice3A_1800 = vector.extract_strided_slice %sub3A_1795 {offsets = [0, 0], sizes = [32, 1], strides = [1, 1]} : vector<32x3xf32> to vector<32x1xf32>
    %get3A_1801 = arith.constant 0 : index
    %get3A_1802 = arith.constant 0 : index
    %get3A_1803 = vector.load %arg4[%get3A_1801, %get3A_1802] : memref<3x15xf32, #tpu.memory_space<vmem>>, vector<1x15xf32>
    %mul3A_1804 = vector.broadcast %slice3A_1800 : vector<32x1xf32> to vector<32x15xf32>
    %mul3A_1805 = vector.broadcast %get3A_1803 : vector<1x15xf32> to vector<32x15xf32>
    %mul3A_1806 = arith.mulf %mul3A_1804, %mul3A_1805 : vector<32x15xf32>
    %slice3A_1807 = vector.extract_strided_slice %sub3A_1795 {offsets = [0, 1], sizes = [32, 1], strides = [1, 1]} : vector<32x3xf32> to vector<32x1xf32>
    %get3A_1808 = arith.constant 1 : index
    %get3A_1809 = arith.constant 0 : index
    %get3A_1810 = vector.load %arg4[%get3A_1808, %get3A_1809] : memref<3x15xf32, #tpu.memory_space<vmem>>, vector<1x15xf32>
    %mul3A_1811 = vector.broadcast %slice3A_1807 : vector<32x1xf32> to vector<32x15xf32>
    %mul3A_1812 = vector.broadcast %get3A_1810 : vector<1x15xf32> to vector<32x15xf32>
    %mul3A_1813 = arith.mulf %mul3A_1811, %mul3A_1812 : vector<32x15xf32>
    %add3A_1814 = arith.addf %mul3A_1806, %mul3A_1813 : vector<32x15xf32>
    %slice3A_1815 = vector.extract_strided_slice %sub3A_1795 {offsets = [0, 2], sizes = [32, 1], strides = [1, 1]} : vector<32x3xf32> to vector<32x1xf32>
    %get3A_1816 = arith.constant 2 : index
    %get3A_1817 = arith.constant 0 : index
    %get3A_1818 = vector.load %arg4[%get3A_1816, %get3A_1817] : memref<3x15xf32, #tpu.memory_space<vmem>>, vector<1x15xf32>
    %mul3A_1819 = vector.broadcast %slice3A_1815 : vector<32x1xf32> to vector<32x15xf32>
    %mul3A_1820 = vector.broadcast %get3A_1818 : vector<1x15xf32> to vector<32x15xf32>
    %mul3A_1821 = arith.mulf %mul3A_1819, %mul3A_1820 : vector<32x15xf32>
    %add3A_1822 = arith.addf %add3A_1814, %mul3A_1821 : vector<32x15xf32>
    %mul3A_1823 = arith.constant 2.000000e+00 : f32
    %mul3A_1824 = vector.broadcast %mul3A_1823 : f32 to vector<32x15xf32>
    %mul3A_1825 = arith.mulf %mul3A_1824, %add3A_1822 : vector<32x15xf32>
    %sub3A_1826 = vector.broadcast %broadcast_in_dim3A_1799 : vector<32x1xf32> to vector<32x15xf32>
    %sub3A_1827 = arith.subf %sub3A_1826, %mul3A_1825 : vector<32x15xf32>
    %get3A_1828 = arith.constant 0 : index
    %get3A_1829 = arith.constant 0 : index
    %get3A_1830 = vector.load %arg5[%get3A_1828, %get3A_1829] : memref<1x15xf32, #tpu.memory_space<vmem>>, vector<1x15xf32>
    %add3A_1831 = vector.broadcast %get3A_1830 : vector<1x15xf32> to vector<32x15xf32>
    %add3A_1832 = arith.addf %sub3A_1827, %add3A_1831 : vector<32x15xf32>
    %max3A_1833 = arith.constant 0.000000e+00 : f32
    %max3A_1834 = vector.broadcast %max3A_1833 : f32 to vector<32x15xf32>
    %max3A_1835 = arith.maximumf %add3A_1832, %max3A_1834 : vector<32x15xf32>
    %add3A_1836 = arith.constant 9.99999996E-13 : f32
    %add3A_1837 = vector.broadcast %add3A_1836 : f32 to vector<32x15xf32>
    %add3A_1838 = arith.addf %max3A_1835, %add3A_1837 : vector<32x15xf32>
    %sqrt3A_1839 = math.sqrt %add3A_1838 : vector<32x15xf32>
    %mul3A_1840 = arith.constant 1.000000e+01 : f32
    %mul3A_1841 = vector.broadcast %mul3A_1840 : f32 to vector<32x15xf32>
    %mul3A_1842 = arith.mulf %sqrt3A_1839, %mul3A_1841 : vector<32x15xf32>
    %sub3A_1843 = arith.constant 1.000000e+00 : f32
    %sub3A_1844 = vector.broadcast %sub3A_1843 : f32 to vector<32x15xf32>
    %sub3A_1845 = arith.subf %sub3A_1844, %mul3A_1842 : vector<32x15xf32>
    %max3A_1846 = arith.constant 0.000000e+00 : f32
    %max3A_1847 = vector.broadcast %max3A_1846 : f32 to vector<32x15xf32>
    %max3A_1848 = arith.maximumf %max3A_1847, %sub3A_1845 : vector<32x15xf32>
    %get3A_1849 = arith.constant 0 : index
    %get3A_1850 = arith.constant 0 : index
    %get3A_1851 = vector.load %arg6[%get3A_1849, %get3A_1850] : memref<15x1920xf32, #tpu.memory_space<vmem>>, vector<15x1920xf32>
    %dot_general3A_1852 = arith.constant dense<0.000000e+00> : vector<32x1920xf32>
    %dot_general3A_1853 = tpu.matmul %max3A_1848, %get3A_1851, %dot_general3A_1852 {dimension_numbers = #tpu.dot_dimension_numbers<[1], [0], [0], [1], [0, 0, 1, 1], [], []>, transpose_lhs_hint = false} : vector<32x15xf32>, vector<15x1920xf32>, vector<32x1920xf32> -> vector<32x1920xf32>
    %concatenate3A_1854 = tpu.concatenate %slice3A_1793, %slice3A_1793, %slice3A_1793, %slice3A_1793, %slice3A_1793, %slice3A_1793, %slice3A_1793, %slice3A_1793, %slice3A_1793, %slice3A_1793, %slice3A_1793, %slice3A_1793, %slice3A_1793, %slice3A_1793, %slice3A_1793 in 1 : vector<32x128xf32>, vector<32x128xf32>, vector<32x128xf32>, vector<32x128xf32>, vector<32x128xf32>, vector<32x128xf32>, vector<32x128xf32>, vector<32x128xf32>, vector<32x128xf32>, vector<32x128xf32>, vector<32x128xf32>, vector<32x128xf32>, vector<32x128xf32>, vector<32x128xf32>, vector<32x128xf32> -> vector<32x1920xf32>
    %mul3A_1855 = arith.mulf %dot_general3A_1853, %concatenate3A_1854 : vector<32x1920xf32>
    %add3A_1856 = arith.addf %add3A_1787, %mul3A_1855 : vector<32x1920xf32>
    %get3A_1857 = arith.constant 27 : index
    %get3A_1858 = arith.constant 0 : index
    %get3A_1859 = arith.constant 0 : index
    %get3A_1860 = vector.load %arg1[%get3A_1857, %get3A_1858, %get3A_1859] : memref<32x32x256xf32, #tpu.memory_space<vmem>>, vector<1x32x256xf32>
    %get3A_1861 = vector.shape_cast %get3A_1860 : vector<1x32x256xf32> to vector<32x256xf32>
    %slice3A_1862 = vector.extract_strided_slice %get3A_1861 {offsets = [0, 0], sizes = [32, 128], strides = [1, 1]} : vector<32x256xf32> to vector<32x128xf32>
    %slice3A_1863 = vector.extract_strided_slice %get3A_1861 {offsets = [0, 128], sizes = [32, 3], strides = [1, 1]} : vector<32x256xf32> to vector<32x3xf32>
    %sub3A_1864 = arith.subf %slice3A_1863, %get3A_1 : vector<32x3xf32>
    %mul3A_1865 = arith.mulf %sub3A_1864, %sub3A_1864 : vector<32x3xf32>
    %reduce_sum3A_1866 = arith.constant dense<0.000000e+00> : vector<32xf32>
    %reduce_sum3A_1867 = vector.multi_reduction <add>, %mul3A_1865, %reduce_sum3A_1866 [1] : vector<32x3xf32> to vector<32xf32>
    %broadcast_in_dim3A_1868 = vector.shape_cast %reduce_sum3A_1867 : vector<32xf32> to vector<32x1xf32>
    %slice3A_1869 = vector.extract_strided_slice %sub3A_1864 {offsets = [0, 0], sizes = [32, 1], strides = [1, 1]} : vector<32x3xf32> to vector<32x1xf32>
    %get3A_1870 = arith.constant 0 : index
    %get3A_1871 = arith.constant 0 : index
    %get3A_1872 = vector.load %arg4[%get3A_1870, %get3A_1871] : memref<3x15xf32, #tpu.memory_space<vmem>>, vector<1x15xf32>
    %mul3A_1873 = vector.broadcast %slice3A_1869 : vector<32x1xf32> to vector<32x15xf32>
    %mul3A_1874 = vector.broadcast %get3A_1872 : vector<1x15xf32> to vector<32x15xf32>
    %mul3A_1875 = arith.mulf %mul3A_1873, %mul3A_1874 : vector<32x15xf32>
    %slice3A_1876 = vector.extract_strided_slice %sub3A_1864 {offsets = [0, 1], sizes = [32, 1], strides = [1, 1]} : vector<32x3xf32> to vector<32x1xf32>
    %get3A_1877 = arith.constant 1 : index
    %get3A_1878 = arith.constant 0 : index
    %get3A_1879 = vector.load %arg4[%get3A_1877, %get3A_1878] : memref<3x15xf32, #tpu.memory_space<vmem>>, vector<1x15xf32>
    %mul3A_1880 = vector.broadcast %slice3A_1876 : vector<32x1xf32> to vector<32x15xf32>
    %mul3A_1881 = vector.broadcast %get3A_1879 : vector<1x15xf32> to vector<32x15xf32>
    %mul3A_1882 = arith.mulf %mul3A_1880, %mul3A_1881 : vector<32x15xf32>
    %add3A_1883 = arith.addf %mul3A_1875, %mul3A_1882 : vector<32x15xf32>
    %slice3A_1884 = vector.extract_strided_slice %sub3A_1864 {offsets = [0, 2], sizes = [32, 1], strides = [1, 1]} : vector<32x3xf32> to vector<32x1xf32>
    %get3A_1885 = arith.constant 2 : index
    %get3A_1886 = arith.constant 0 : index
    %get3A_1887 = vector.load %arg4[%get3A_1885, %get3A_1886] : memref<3x15xf32, #tpu.memory_space<vmem>>, vector<1x15xf32>
    %mul3A_1888 = vector.broadcast %slice3A_1884 : vector<32x1xf32> to vector<32x15xf32>
    %mul3A_1889 = vector.broadcast %get3A_1887 : vector<1x15xf32> to vector<32x15xf32>
    %mul3A_1890 = arith.mulf %mul3A_1888, %mul3A_1889 : vector<32x15xf32>
    %add3A_1891 = arith.addf %add3A_1883, %mul3A_1890 : vector<32x15xf32>
    %mul3A_1892 = arith.constant 2.000000e+00 : f32
    %mul3A_1893 = vector.broadcast %mul3A_1892 : f32 to vector<32x15xf32>
    %mul3A_1894 = arith.mulf %mul3A_1893, %add3A_1891 : vector<32x15xf32>
    %sub3A_1895 = vector.broadcast %broadcast_in_dim3A_1868 : vector<32x1xf32> to vector<32x15xf32>
    %sub3A_1896 = arith.subf %sub3A_1895, %mul3A_1894 : vector<32x15xf32>
    %get3A_1897 = arith.constant 0 : index
    %get3A_1898 = arith.constant 0 : index
    %get3A_1899 = vector.load %arg5[%get3A_1897, %get3A_1898] : memref<1x15xf32, #tpu.memory_space<vmem>>, vector<1x15xf32>
    %add3A_1900 = vector.broadcast %get3A_1899 : vector<1x15xf32> to vector<32x15xf32>
    %add3A_1901 = arith.addf %sub3A_1896, %add3A_1900 : vector<32x15xf32>
    %max3A_1902 = arith.constant 0.000000e+00 : f32
    %max3A_1903 = vector.broadcast %max3A_1902 : f32 to vector<32x15xf32>
    %max3A_1904 = arith.maximumf %add3A_1901, %max3A_1903 : vector<32x15xf32>
    %add3A_1905 = arith.constant 9.99999996E-13 : f32
    %add3A_1906 = vector.broadcast %add3A_1905 : f32 to vector<32x15xf32>
    %add3A_1907 = arith.addf %max3A_1904, %add3A_1906 : vector<32x15xf32>
    %sqrt3A_1908 = math.sqrt %add3A_1907 : vector<32x15xf32>
    %mul3A_1909 = arith.constant 1.000000e+01 : f32
    %mul3A_1910 = vector.broadcast %mul3A_1909 : f32 to vector<32x15xf32>
    %mul3A_1911 = arith.mulf %sqrt3A_1908, %mul3A_1910 : vector<32x15xf32>
    %sub3A_1912 = arith.constant 1.000000e+00 : f32
    %sub3A_1913 = vector.broadcast %sub3A_1912 : f32 to vector<32x15xf32>
    %sub3A_1914 = arith.subf %sub3A_1913, %mul3A_1911 : vector<32x15xf32>
    %max3A_1915 = arith.constant 0.000000e+00 : f32
    %max3A_1916 = vector.broadcast %max3A_1915 : f32 to vector<32x15xf32>
    %max3A_1917 = arith.maximumf %max3A_1916, %sub3A_1914 : vector<32x15xf32>
    %get3A_1918 = arith.constant 0 : index
    %get3A_1919 = arith.constant 0 : index
    %get3A_1920 = vector.load %arg6[%get3A_1918, %get3A_1919] : memref<15x1920xf32, #tpu.memory_space<vmem>>, vector<15x1920xf32>
    %dot_general3A_1921 = arith.constant dense<0.000000e+00> : vector<32x1920xf32>
    %dot_general3A_1922 = tpu.matmul %max3A_1917, %get3A_1920, %dot_general3A_1921 {dimension_numbers = #tpu.dot_dimension_numbers<[1], [0], [0], [1], [0, 0, 1, 1], [], []>, transpose_lhs_hint = false} : vector<32x15xf32>, vector<15x1920xf32>, vector<32x1920xf32> -> vector<32x1920xf32>
    %concatenate3A_1923 = tpu.concatenate %slice3A_1862, %slice3A_1862, %slice3A_1862, %slice3A_1862, %slice3A_1862, %slice3A_1862, %slice3A_1862, %slice3A_1862, %slice3A_1862, %slice3A_1862, %slice3A_1862, %slice3A_1862, %slice3A_1862, %slice3A_1862, %slice3A_1862 in 1 : vector<32x128xf32>, vector<32x128xf32>, vector<32x128xf32>, vector<32x128xf32>, vector<32x128xf32>, vector<32x128xf32>, vector<32x128xf32>, vector<32x128xf32>, vector<32x128xf32>, vector<32x128xf32>, vector<32x128xf32>, vector<32x128xf32>, vector<32x128xf32>, vector<32x128xf32>, vector<32x128xf32> -> vector<32x1920xf32>
    %mul3A_1924 = arith.mulf %dot_general3A_1922, %concatenate3A_1923 : vector<32x1920xf32>
    %add3A_1925 = arith.addf %add3A_1856, %mul3A_1924 : vector<32x1920xf32>
    %get3A_1926 = arith.constant 28 : index
    %get3A_1927 = arith.constant 0 : index
    %get3A_1928 = arith.constant 0 : index
    %get3A_1929 = vector.load %arg1[%get3A_1926, %get3A_1927, %get3A_1928] : memref<32x32x256xf32, #tpu.memory_space<vmem>>, vector<1x32x256xf32>
    %get3A_1930 = vector.shape_cast %get3A_1929 : vector<1x32x256xf32> to vector<32x256xf32>
    %slice3A_1931 = vector.extract_strided_slice %get3A_1930 {offsets = [0, 0], sizes = [32, 128], strides = [1, 1]} : vector<32x256xf32> to vector<32x128xf32>
    %slice3A_1932 = vector.extract_strided_slice %get3A_1930 {offsets = [0, 128], sizes = [32, 3], strides = [1, 1]} : vector<32x256xf32> to vector<32x3xf32>
    %sub3A_1933 = arith.subf %slice3A_1932, %get3A_1 : vector<32x3xf32>
    %mul3A_1934 = arith.mulf %sub3A_1933, %sub3A_1933 : vector<32x3xf32>
    %reduce_sum3A_1935 = arith.constant dense<0.000000e+00> : vector<32xf32>
    %reduce_sum3A_1936 = vector.multi_reduction <add>, %mul3A_1934, %reduce_sum3A_1935 [1] : vector<32x3xf32> to vector<32xf32>
    %broadcast_in_dim3A_1937 = vector.shape_cast %reduce_sum3A_1936 : vector<32xf32> to vector<32x1xf32>
    %slice3A_1938 = vector.extract_strided_slice %sub3A_1933 {offsets = [0, 0], sizes = [32, 1], strides = [1, 1]} : vector<32x3xf32> to vector<32x1xf32>
    %get3A_1939 = arith.constant 0 : index
    %get3A_1940 = arith.constant 0 : index
    %get3A_1941 = vector.load %arg4[%get3A_1939, %get3A_1940] : memref<3x15xf32, #tpu.memory_space<vmem>>, vector<1x15xf32>
    %mul3A_1942 = vector.broadcast %slice3A_1938 : vector<32x1xf32> to vector<32x15xf32>
    %mul3A_1943 = vector.broadcast %get3A_1941 : vector<1x15xf32> to vector<32x15xf32>
    %mul3A_1944 = arith.mulf %mul3A_1942, %mul3A_1943 : vector<32x15xf32>
    %slice3A_1945 = vector.extract_strided_slice %sub3A_1933 {offsets = [0, 1], sizes = [32, 1], strides = [1, 1]} : vector<32x3xf32> to vector<32x1xf32>
    %get3A_1946 = arith.constant 1 : index
    %get3A_1947 = arith.constant 0 : index
    %get3A_1948 = vector.load %arg4[%get3A_1946, %get3A_1947] : memref<3x15xf32, #tpu.memory_space<vmem>>, vector<1x15xf32>
    %mul3A_1949 = vector.broadcast %slice3A_1945 : vector<32x1xf32> to vector<32x15xf32>
    %mul3A_1950 = vector.broadcast %get3A_1948 : vector<1x15xf32> to vector<32x15xf32>
    %mul3A_1951 = arith.mulf %mul3A_1949, %mul3A_1950 : vector<32x15xf32>
    %add3A_1952 = arith.addf %mul3A_1944, %mul3A_1951 : vector<32x15xf32>
    %slice3A_1953 = vector.extract_strided_slice %sub3A_1933 {offsets = [0, 2], sizes = [32, 1], strides = [1, 1]} : vector<32x3xf32> to vector<32x1xf32>
    %get3A_1954 = arith.constant 2 : index
    %get3A_1955 = arith.constant 0 : index
    %get3A_1956 = vector.load %arg4[%get3A_1954, %get3A_1955] : memref<3x15xf32, #tpu.memory_space<vmem>>, vector<1x15xf32>
    %mul3A_1957 = vector.broadcast %slice3A_1953 : vector<32x1xf32> to vector<32x15xf32>
    %mul3A_1958 = vector.broadcast %get3A_1956 : vector<1x15xf32> to vector<32x15xf32>
    %mul3A_1959 = arith.mulf %mul3A_1957, %mul3A_1958 : vector<32x15xf32>
    %add3A_1960 = arith.addf %add3A_1952, %mul3A_1959 : vector<32x15xf32>
    %mul3A_1961 = arith.constant 2.000000e+00 : f32
    %mul3A_1962 = vector.broadcast %mul3A_1961 : f32 to vector<32x15xf32>
    %mul3A_1963 = arith.mulf %mul3A_1962, %add3A_1960 : vector<32x15xf32>
    %sub3A_1964 = vector.broadcast %broadcast_in_dim3A_1937 : vector<32x1xf32> to vector<32x15xf32>
    %sub3A_1965 = arith.subf %sub3A_1964, %mul3A_1963 : vector<32x15xf32>
    %get3A_1966 = arith.constant 0 : index
    %get3A_1967 = arith.constant 0 : index
    %get3A_1968 = vector.load %arg5[%get3A_1966, %get3A_1967] : memref<1x15xf32, #tpu.memory_space<vmem>>, vector<1x15xf32>
    %add3A_1969 = vector.broadcast %get3A_1968 : vector<1x15xf32> to vector<32x15xf32>
    %add3A_1970 = arith.addf %sub3A_1965, %add3A_1969 : vector<32x15xf32>
    %max3A_1971 = arith.constant 0.000000e+00 : f32
    %max3A_1972 = vector.broadcast %max3A_1971 : f32 to vector<32x15xf32>
    %max3A_1973 = arith.maximumf %add3A_1970, %max3A_1972 : vector<32x15xf32>
    %add3A_1974 = arith.constant 9.99999996E-13 : f32
    %add3A_1975 = vector.broadcast %add3A_1974 : f32 to vector<32x15xf32>
    %add3A_1976 = arith.addf %max3A_1973, %add3A_1975 : vector<32x15xf32>
    %sqrt3A_1977 = math.sqrt %add3A_1976 : vector<32x15xf32>
    %mul3A_1978 = arith.constant 1.000000e+01 : f32
    %mul3A_1979 = vector.broadcast %mul3A_1978 : f32 to vector<32x15xf32>
    %mul3A_1980 = arith.mulf %sqrt3A_1977, %mul3A_1979 : vector<32x15xf32>
    %sub3A_1981 = arith.constant 1.000000e+00 : f32
    %sub3A_1982 = vector.broadcast %sub3A_1981 : f32 to vector<32x15xf32>
    %sub3A_1983 = arith.subf %sub3A_1982, %mul3A_1980 : vector<32x15xf32>
    %max3A_1984 = arith.constant 0.000000e+00 : f32
    %max3A_1985 = vector.broadcast %max3A_1984 : f32 to vector<32x15xf32>
    %max3A_1986 = arith.maximumf %max3A_1985, %sub3A_1983 : vector<32x15xf32>
    %get3A_1987 = arith.constant 0 : index
    %get3A_1988 = arith.constant 0 : index
    %get3A_1989 = vector.load %arg6[%get3A_1987, %get3A_1988] : memref<15x1920xf32, #tpu.memory_space<vmem>>, vector<15x1920xf32>
    %dot_general3A_1990 = arith.constant dense<0.000000e+00> : vector<32x1920xf32>
    %dot_general3A_1991 = tpu.matmul %max3A_1986, %get3A_1989, %dot_general3A_1990 {dimension_numbers = #tpu.dot_dimension_numbers<[1], [0], [0], [1], [0, 0, 1, 1], [], []>, transpose_lhs_hint = false} : vector<32x15xf32>, vector<15x1920xf32>, vector<32x1920xf32> -> vector<32x1920xf32>
    %concatenate3A_1992 = tpu.concatenate %slice3A_1931, %slice3A_1931, %slice3A_1931, %slice3A_1931, %slice3A_1931, %slice3A_1931, %slice3A_1931, %slice3A_1931, %slice3A_1931, %slice3A_1931, %slice3A_1931, %slice3A_1931, %slice3A_1931, %slice3A_1931, %slice3A_1931 in 1 : vector<32x128xf32>, vector<32x128xf32>, vector<32x128xf32>, vector<32x128xf32>, vector<32x128xf32>, vector<32x128xf32>, vector<32x128xf32>, vector<32x128xf32>, vector<32x128xf32>, vector<32x128xf32>, vector<32x128xf32>, vector<32x128xf32>, vector<32x128xf32>, vector<32x128xf32>, vector<32x128xf32> -> vector<32x1920xf32>
    %mul3A_1993 = arith.mulf %dot_general3A_1991, %concatenate3A_1992 : vector<32x1920xf32>
    %add3A_1994 = arith.addf %add3A_1925, %mul3A_1993 : vector<32x1920xf32>
    %get3A_1995 = arith.constant 29 : index
    %get3A_1996 = arith.constant 0 : index
    %get3A_1997 = arith.constant 0 : index
    %get3A_1998 = vector.load %arg1[%get3A_1995, %get3A_1996, %get3A_1997] : memref<32x32x256xf32, #tpu.memory_space<vmem>>, vector<1x32x256xf32>
    %get3A_1999 = vector.shape_cast %get3A_1998 : vector<1x32x256xf32> to vector<32x256xf32>
    %slice3A_2000 = vector.extract_strided_slice %get3A_1999 {offsets = [0, 0], sizes = [32, 128], strides = [1, 1]} : vector<32x256xf32> to vector<32x128xf32>
    %slice3A_2001 = vector.extract_strided_slice %get3A_1999 {offsets = [0, 128], sizes = [32, 3], strides = [1, 1]} : vector<32x256xf32> to vector<32x3xf32>
    %sub3A_2002 = arith.subf %slice3A_2001, %get3A_1 : vector<32x3xf32>
    %mul3A_2003 = arith.mulf %sub3A_2002, %sub3A_2002 : vector<32x3xf32>
    %reduce_sum3A_2004 = arith.constant dense<0.000000e+00> : vector<32xf32>
    %reduce_sum3A_2005 = vector.multi_reduction <add>, %mul3A_2003, %reduce_sum3A_2004 [1] : vector<32x3xf32> to vector<32xf32>
    %broadcast_in_dim3A_2006 = vector.shape_cast %reduce_sum3A_2005 : vector<32xf32> to vector<32x1xf32>
    %slice3A_2007 = vector.extract_strided_slice %sub3A_2002 {offsets = [0, 0], sizes = [32, 1], strides = [1, 1]} : vector<32x3xf32> to vector<32x1xf32>
    %get3A_2008 = arith.constant 0 : index
    %get3A_2009 = arith.constant 0 : index
    %get3A_2010 = vector.load %arg4[%get3A_2008, %get3A_2009] : memref<3x15xf32, #tpu.memory_space<vmem>>, vector<1x15xf32>
    %mul3A_2011 = vector.broadcast %slice3A_2007 : vector<32x1xf32> to vector<32x15xf32>
    %mul3A_2012 = vector.broadcast %get3A_2010 : vector<1x15xf32> to vector<32x15xf32>
    %mul3A_2013 = arith.mulf %mul3A_2011, %mul3A_2012 : vector<32x15xf32>
    %slice3A_2014 = vector.extract_strided_slice %sub3A_2002 {offsets = [0, 1], sizes = [32, 1], strides = [1, 1]} : vector<32x3xf32> to vector<32x1xf32>
    %get3A_2015 = arith.constant 1 : index
    %get3A_2016 = arith.constant 0 : index
    %get3A_2017 = vector.load %arg4[%get3A_2015, %get3A_2016] : memref<3x15xf32, #tpu.memory_space<vmem>>, vector<1x15xf32>
    %mul3A_2018 = vector.broadcast %slice3A_2014 : vector<32x1xf32> to vector<32x15xf32>
    %mul3A_2019 = vector.broadcast %get3A_2017 : vector<1x15xf32> to vector<32x15xf32>
    %mul3A_2020 = arith.mulf %mul3A_2018, %mul3A_2019 : vector<32x15xf32>
    %add3A_2021 = arith.addf %mul3A_2013, %mul3A_2020 : vector<32x15xf32>
    %slice3A_2022 = vector.extract_strided_slice %sub3A_2002 {offsets = [0, 2], sizes = [32, 1], strides = [1, 1]} : vector<32x3xf32> to vector<32x1xf32>
    %get3A_2023 = arith.constant 2 : index
    %get3A_2024 = arith.constant 0 : index
    %get3A_2025 = vector.load %arg4[%get3A_2023, %get3A_2024] : memref<3x15xf32, #tpu.memory_space<vmem>>, vector<1x15xf32>
    %mul3A_2026 = vector.broadcast %slice3A_2022 : vector<32x1xf32> to vector<32x15xf32>
    %mul3A_2027 = vector.broadcast %get3A_2025 : vector<1x15xf32> to vector<32x15xf32>
    %mul3A_2028 = arith.mulf %mul3A_2026, %mul3A_2027 : vector<32x15xf32>
    %add3A_2029 = arith.addf %add3A_2021, %mul3A_2028 : vector<32x15xf32>
    %mul3A_2030 = arith.constant 2.000000e+00 : f32
    %mul3A_2031 = vector.broadcast %mul3A_2030 : f32 to vector<32x15xf32>
    %mul3A_2032 = arith.mulf %mul3A_2031, %add3A_2029 : vector<32x15xf32>
    %sub3A_2033 = vector.broadcast %broadcast_in_dim3A_2006 : vector<32x1xf32> to vector<32x15xf32>
    %sub3A_2034 = arith.subf %sub3A_2033, %mul3A_2032 : vector<32x15xf32>
    %get3A_2035 = arith.constant 0 : index
    %get3A_2036 = arith.constant 0 : index
    %get3A_2037 = vector.load %arg5[%get3A_2035, %get3A_2036] : memref<1x15xf32, #tpu.memory_space<vmem>>, vector<1x15xf32>
    %add3A_2038 = vector.broadcast %get3A_2037 : vector<1x15xf32> to vector<32x15xf32>
    %add3A_2039 = arith.addf %sub3A_2034, %add3A_2038 : vector<32x15xf32>
    %max3A_2040 = arith.constant 0.000000e+00 : f32
    %max3A_2041 = vector.broadcast %max3A_2040 : f32 to vector<32x15xf32>
    %max3A_2042 = arith.maximumf %add3A_2039, %max3A_2041 : vector<32x15xf32>
    %add3A_2043 = arith.constant 9.99999996E-13 : f32
    %add3A_2044 = vector.broadcast %add3A_2043 : f32 to vector<32x15xf32>
    %add3A_2045 = arith.addf %max3A_2042, %add3A_2044 : vector<32x15xf32>
    %sqrt3A_2046 = math.sqrt %add3A_2045 : vector<32x15xf32>
    %mul3A_2047 = arith.constant 1.000000e+01 : f32
    %mul3A_2048 = vector.broadcast %mul3A_2047 : f32 to vector<32x15xf32>
    %mul3A_2049 = arith.mulf %sqrt3A_2046, %mul3A_2048 : vector<32x15xf32>
    %sub3A_2050 = arith.constant 1.000000e+00 : f32
    %sub3A_2051 = vector.broadcast %sub3A_2050 : f32 to vector<32x15xf32>
    %sub3A_2052 = arith.subf %sub3A_2051, %mul3A_2049 : vector<32x15xf32>
    %max3A_2053 = arith.constant 0.000000e+00 : f32
    %max3A_2054 = vector.broadcast %max3A_2053 : f32 to vector<32x15xf32>
    %max3A_2055 = arith.maximumf %max3A_2054, %sub3A_2052 : vector<32x15xf32>
    %get3A_2056 = arith.constant 0 : index
    %get3A_2057 = arith.constant 0 : index
    %get3A_2058 = vector.load %arg6[%get3A_2056, %get3A_2057] : memref<15x1920xf32, #tpu.memory_space<vmem>>, vector<15x1920xf32>
    %dot_general3A_2059 = arith.constant dense<0.000000e+00> : vector<32x1920xf32>
    %dot_general3A_2060 = tpu.matmul %max3A_2055, %get3A_2058, %dot_general3A_2059 {dimension_numbers = #tpu.dot_dimension_numbers<[1], [0], [0], [1], [0, 0, 1, 1], [], []>, transpose_lhs_hint = false} : vector<32x15xf32>, vector<15x1920xf32>, vector<32x1920xf32> -> vector<32x1920xf32>
    %concatenate3A_2061 = tpu.concatenate %slice3A_2000, %slice3A_2000, %slice3A_2000, %slice3A_2000, %slice3A_2000, %slice3A_2000, %slice3A_2000, %slice3A_2000, %slice3A_2000, %slice3A_2000, %slice3A_2000, %slice3A_2000, %slice3A_2000, %slice3A_2000, %slice3A_2000 in 1 : vector<32x128xf32>, vector<32x128xf32>, vector<32x128xf32>, vector<32x128xf32>, vector<32x128xf32>, vector<32x128xf32>, vector<32x128xf32>, vector<32x128xf32>, vector<32x128xf32>, vector<32x128xf32>, vector<32x128xf32>, vector<32x128xf32>, vector<32x128xf32>, vector<32x128xf32>, vector<32x128xf32> -> vector<32x1920xf32>
    %mul3A_2062 = arith.mulf %dot_general3A_2060, %concatenate3A_2061 : vector<32x1920xf32>
    %add3A_2063 = arith.addf %add3A_1994, %mul3A_2062 : vector<32x1920xf32>
    %get3A_2064 = arith.constant 30 : index
    %get3A_2065 = arith.constant 0 : index
    %get3A_2066 = arith.constant 0 : index
    %get3A_2067 = vector.load %arg1[%get3A_2064, %get3A_2065, %get3A_2066] : memref<32x32x256xf32, #tpu.memory_space<vmem>>, vector<1x32x256xf32>
    %get3A_2068 = vector.shape_cast %get3A_2067 : vector<1x32x256xf32> to vector<32x256xf32>
    %slice3A_2069 = vector.extract_strided_slice %get3A_2068 {offsets = [0, 0], sizes = [32, 128], strides = [1, 1]} : vector<32x256xf32> to vector<32x128xf32>
    %slice3A_2070 = vector.extract_strided_slice %get3A_2068 {offsets = [0, 128], sizes = [32, 3], strides = [1, 1]} : vector<32x256xf32> to vector<32x3xf32>
    %sub3A_2071 = arith.subf %slice3A_2070, %get3A_1 : vector<32x3xf32>
    %mul3A_2072 = arith.mulf %sub3A_2071, %sub3A_2071 : vector<32x3xf32>
    %reduce_sum3A_2073 = arith.constant dense<0.000000e+00> : vector<32xf32>
    %reduce_sum3A_2074 = vector.multi_reduction <add>, %mul3A_2072, %reduce_sum3A_2073 [1] : vector<32x3xf32> to vector<32xf32>
    %broadcast_in_dim3A_2075 = vector.shape_cast %reduce_sum3A_2074 : vector<32xf32> to vector<32x1xf32>
    %slice3A_2076 = vector.extract_strided_slice %sub3A_2071 {offsets = [0, 0], sizes = [32, 1], strides = [1, 1]} : vector<32x3xf32> to vector<32x1xf32>
    %get3A_2077 = arith.constant 0 : index
    %get3A_2078 = arith.constant 0 : index
    %get3A_2079 = vector.load %arg4[%get3A_2077, %get3A_2078] : memref<3x15xf32, #tpu.memory_space<vmem>>, vector<1x15xf32>
    %mul3A_2080 = vector.broadcast %slice3A_2076 : vector<32x1xf32> to vector<32x15xf32>
    %mul3A_2081 = vector.broadcast %get3A_2079 : vector<1x15xf32> to vector<32x15xf32>
    %mul3A_2082 = arith.mulf %mul3A_2080, %mul3A_2081 : vector<32x15xf32>
    %slice3A_2083 = vector.extract_strided_slice %sub3A_2071 {offsets = [0, 1], sizes = [32, 1], strides = [1, 1]} : vector<32x3xf32> to vector<32x1xf32>
    %get3A_2084 = arith.constant 1 : index
    %get3A_2085 = arith.constant 0 : index
    %get3A_2086 = vector.load %arg4[%get3A_2084, %get3A_2085] : memref<3x15xf32, #tpu.memory_space<vmem>>, vector<1x15xf32>
    %mul3A_2087 = vector.broadcast %slice3A_2083 : vector<32x1xf32> to vector<32x15xf32>
    %mul3A_2088 = vector.broadcast %get3A_2086 : vector<1x15xf32> to vector<32x15xf32>
    %mul3A_2089 = arith.mulf %mul3A_2087, %mul3A_2088 : vector<32x15xf32>
    %add3A_2090 = arith.addf %mul3A_2082, %mul3A_2089 : vector<32x15xf32>
    %slice3A_2091 = vector.extract_strided_slice %sub3A_2071 {offsets = [0, 2], sizes = [32, 1], strides = [1, 1]} : vector<32x3xf32> to vector<32x1xf32>
    %get3A_2092 = arith.constant 2 : index
    %get3A_2093 = arith.constant 0 : index
    %get3A_2094 = vector.load %arg4[%get3A_2092, %get3A_2093] : memref<3x15xf32, #tpu.memory_space<vmem>>, vector<1x15xf32>
    %mul3A_2095 = vector.broadcast %slice3A_2091 : vector<32x1xf32> to vector<32x15xf32>
    %mul3A_2096 = vector.broadcast %get3A_2094 : vector<1x15xf32> to vector<32x15xf32>
    %mul3A_2097 = arith.mulf %mul3A_2095, %mul3A_2096 : vector<32x15xf32>
    %add3A_2098 = arith.addf %add3A_2090, %mul3A_2097 : vector<32x15xf32>
    %mul3A_2099 = arith.constant 2.000000e+00 : f32
    %mul3A_2100 = vector.broadcast %mul3A_2099 : f32 to vector<32x15xf32>
    %mul3A_2101 = arith.mulf %mul3A_2100, %add3A_2098 : vector<32x15xf32>
    %sub3A_2102 = vector.broadcast %broadcast_in_dim3A_2075 : vector<32x1xf32> to vector<32x15xf32>
    %sub3A_2103 = arith.subf %sub3A_2102, %mul3A_2101 : vector<32x15xf32>
    %get3A_2104 = arith.constant 0 : index
    %get3A_2105 = arith.constant 0 : index
    %get3A_2106 = vector.load %arg5[%get3A_2104, %get3A_2105] : memref<1x15xf32, #tpu.memory_space<vmem>>, vector<1x15xf32>
    %add3A_2107 = vector.broadcast %get3A_2106 : vector<1x15xf32> to vector<32x15xf32>
    %add3A_2108 = arith.addf %sub3A_2103, %add3A_2107 : vector<32x15xf32>
    %max3A_2109 = arith.constant 0.000000e+00 : f32
    %max3A_2110 = vector.broadcast %max3A_2109 : f32 to vector<32x15xf32>
    %max3A_2111 = arith.maximumf %add3A_2108, %max3A_2110 : vector<32x15xf32>
    %add3A_2112 = arith.constant 9.99999996E-13 : f32
    %add3A_2113 = vector.broadcast %add3A_2112 : f32 to vector<32x15xf32>
    %add3A_2114 = arith.addf %max3A_2111, %add3A_2113 : vector<32x15xf32>
    %sqrt3A_2115 = math.sqrt %add3A_2114 : vector<32x15xf32>
    %mul3A_2116 = arith.constant 1.000000e+01 : f32
    %mul3A_2117 = vector.broadcast %mul3A_2116 : f32 to vector<32x15xf32>
    %mul3A_2118 = arith.mulf %sqrt3A_2115, %mul3A_2117 : vector<32x15xf32>
    %sub3A_2119 = arith.constant 1.000000e+00 : f32
    %sub3A_2120 = vector.broadcast %sub3A_2119 : f32 to vector<32x15xf32>
    %sub3A_2121 = arith.subf %sub3A_2120, %mul3A_2118 : vector<32x15xf32>
    %max3A_2122 = arith.constant 0.000000e+00 : f32
    %max3A_2123 = vector.broadcast %max3A_2122 : f32 to vector<32x15xf32>
    %max3A_2124 = arith.maximumf %max3A_2123, %sub3A_2121 : vector<32x15xf32>
    %get3A_2125 = arith.constant 0 : index
    %get3A_2126 = arith.constant 0 : index
    %get3A_2127 = vector.load %arg6[%get3A_2125, %get3A_2126] : memref<15x1920xf32, #tpu.memory_space<vmem>>, vector<15x1920xf32>
    %dot_general3A_2128 = arith.constant dense<0.000000e+00> : vector<32x1920xf32>
    %dot_general3A_2129 = tpu.matmul %max3A_2124, %get3A_2127, %dot_general3A_2128 {dimension_numbers = #tpu.dot_dimension_numbers<[1], [0], [0], [1], [0, 0, 1, 1], [], []>, transpose_lhs_hint = false} : vector<32x15xf32>, vector<15x1920xf32>, vector<32x1920xf32> -> vector<32x1920xf32>
    %concatenate3A_2130 = tpu.concatenate %slice3A_2069, %slice3A_2069, %slice3A_2069, %slice3A_2069, %slice3A_2069, %slice3A_2069, %slice3A_2069, %slice3A_2069, %slice3A_2069, %slice3A_2069, %slice3A_2069, %slice3A_2069, %slice3A_2069, %slice3A_2069, %slice3A_2069 in 1 : vector<32x128xf32>, vector<32x128xf32>, vector<32x128xf32>, vector<32x128xf32>, vector<32x128xf32>, vector<32x128xf32>, vector<32x128xf32>, vector<32x128xf32>, vector<32x128xf32>, vector<32x128xf32>, vector<32x128xf32>, vector<32x128xf32>, vector<32x128xf32>, vector<32x128xf32>, vector<32x128xf32> -> vector<32x1920xf32>
    %mul3A_2131 = arith.mulf %dot_general3A_2129, %concatenate3A_2130 : vector<32x1920xf32>
    %add3A_2132 = arith.addf %add3A_2063, %mul3A_2131 : vector<32x1920xf32>
    %get3A_2133 = arith.constant 31 : index
    %get3A_2134 = arith.constant 0 : index
    %get3A_2135 = arith.constant 0 : index
    %get3A_2136 = vector.load %arg1[%get3A_2133, %get3A_2134, %get3A_2135] : memref<32x32x256xf32, #tpu.memory_space<vmem>>, vector<1x32x256xf32>
    %get3A_2137 = vector.shape_cast %get3A_2136 : vector<1x32x256xf32> to vector<32x256xf32>
    %slice3A_2138 = vector.extract_strided_slice %get3A_2137 {offsets = [0, 0], sizes = [32, 128], strides = [1, 1]} : vector<32x256xf32> to vector<32x128xf32>
    %slice3A_2139 = vector.extract_strided_slice %get3A_2137 {offsets = [0, 128], sizes = [32, 3], strides = [1, 1]} : vector<32x256xf32> to vector<32x3xf32>
    %sub3A_2140 = arith.subf %slice3A_2139, %get3A_1 : vector<32x3xf32>
    %mul3A_2141 = arith.mulf %sub3A_2140, %sub3A_2140 : vector<32x3xf32>
    %reduce_sum3A_2142 = arith.constant dense<0.000000e+00> : vector<32xf32>
    %reduce_sum3A_2143 = vector.multi_reduction <add>, %mul3A_2141, %reduce_sum3A_2142 [1] : vector<32x3xf32> to vector<32xf32>
    %broadcast_in_dim3A_2144 = vector.shape_cast %reduce_sum3A_2143 : vector<32xf32> to vector<32x1xf32>
    %slice3A_2145 = vector.extract_strided_slice %sub3A_2140 {offsets = [0, 0], sizes = [32, 1], strides = [1, 1]} : vector<32x3xf32> to vector<32x1xf32>
    %get3A_2146 = arith.constant 0 : index
    %get3A_2147 = arith.constant 0 : index
    %get3A_2148 = vector.load %arg4[%get3A_2146, %get3A_2147] : memref<3x15xf32, #tpu.memory_space<vmem>>, vector<1x15xf32>
    %mul3A_2149 = vector.broadcast %slice3A_2145 : vector<32x1xf32> to vector<32x15xf32>
    %mul3A_2150 = vector.broadcast %get3A_2148 : vector<1x15xf32> to vector<32x15xf32>
    %mul3A_2151 = arith.mulf %mul3A_2149, %mul3A_2150 : vector<32x15xf32>
    %slice3A_2152 = vector.extract_strided_slice %sub3A_2140 {offsets = [0, 1], sizes = [32, 1], strides = [1, 1]} : vector<32x3xf32> to vector<32x1xf32>
    %get3A_2153 = arith.constant 1 : index
    %get3A_2154 = arith.constant 0 : index
    %get3A_2155 = vector.load %arg4[%get3A_2153, %get3A_2154] : memref<3x15xf32, #tpu.memory_space<vmem>>, vector<1x15xf32>
    %mul3A_2156 = vector.broadcast %slice3A_2152 : vector<32x1xf32> to vector<32x15xf32>
    %mul3A_2157 = vector.broadcast %get3A_2155 : vector<1x15xf32> to vector<32x15xf32>
    %mul3A_2158 = arith.mulf %mul3A_2156, %mul3A_2157 : vector<32x15xf32>
    %add3A_2159 = arith.addf %mul3A_2151, %mul3A_2158 : vector<32x15xf32>
    %slice3A_2160 = vector.extract_strided_slice %sub3A_2140 {offsets = [0, 2], sizes = [32, 1], strides = [1, 1]} : vector<32x3xf32> to vector<32x1xf32>
    %get3A_2161 = arith.constant 2 : index
    %get3A_2162 = arith.constant 0 : index
    %get3A_2163 = vector.load %arg4[%get3A_2161, %get3A_2162] : memref<3x15xf32, #tpu.memory_space<vmem>>, vector<1x15xf32>
    %mul3A_2164 = vector.broadcast %slice3A_2160 : vector<32x1xf32> to vector<32x15xf32>
    %mul3A_2165 = vector.broadcast %get3A_2163 : vector<1x15xf32> to vector<32x15xf32>
    %mul3A_2166 = arith.mulf %mul3A_2164, %mul3A_2165 : vector<32x15xf32>
    %add3A_2167 = arith.addf %add3A_2159, %mul3A_2166 : vector<32x15xf32>
    %mul3A_2168 = arith.constant 2.000000e+00 : f32
    %mul3A_2169 = vector.broadcast %mul3A_2168 : f32 to vector<32x15xf32>
    %mul3A_2170 = arith.mulf %mul3A_2169, %add3A_2167 : vector<32x15xf32>
    %sub3A_2171 = vector.broadcast %broadcast_in_dim3A_2144 : vector<32x1xf32> to vector<32x15xf32>
    %sub3A_2172 = arith.subf %sub3A_2171, %mul3A_2170 : vector<32x15xf32>
    %get3A_2173 = arith.constant 0 : index
    %get3A_2174 = arith.constant 0 : index
    %get3A_2175 = vector.load %arg5[%get3A_2173, %get3A_2174] : memref<1x15xf32, #tpu.memory_space<vmem>>, vector<1x15xf32>
    %add3A_2176 = vector.broadcast %get3A_2175 : vector<1x15xf32> to vector<32x15xf32>
    %add3A_2177 = arith.addf %sub3A_2172, %add3A_2176 : vector<32x15xf32>
    %max3A_2178 = arith.constant 0.000000e+00 : f32
    %max3A_2179 = vector.broadcast %max3A_2178 : f32 to vector<32x15xf32>
    %max3A_2180 = arith.maximumf %add3A_2177, %max3A_2179 : vector<32x15xf32>
    %add3A_2181 = arith.constant 9.99999996E-13 : f32
    %add3A_2182 = vector.broadcast %add3A_2181 : f32 to vector<32x15xf32>
    %add3A_2183 = arith.addf %max3A_2180, %add3A_2182 : vector<32x15xf32>
    %sqrt3A_2184 = math.sqrt %add3A_2183 : vector<32x15xf32>
    %mul3A_2185 = arith.constant 1.000000e+01 : f32
    %mul3A_2186 = vector.broadcast %mul3A_2185 : f32 to vector<32x15xf32>
    %mul3A_2187 = arith.mulf %sqrt3A_2184, %mul3A_2186 : vector<32x15xf32>
    %sub3A_2188 = arith.constant 1.000000e+00 : f32
    %sub3A_2189 = vector.broadcast %sub3A_2188 : f32 to vector<32x15xf32>
    %sub3A_2190 = arith.subf %sub3A_2189, %mul3A_2187 : vector<32x15xf32>
    %max3A_2191 = arith.constant 0.000000e+00 : f32
    %max3A_2192 = vector.broadcast %max3A_2191 : f32 to vector<32x15xf32>
    %max3A_2193 = arith.maximumf %max3A_2192, %sub3A_2190 : vector<32x15xf32>
    %get3A_2194 = arith.constant 0 : index
    %get3A_2195 = arith.constant 0 : index
    %get3A_2196 = vector.load %arg6[%get3A_2194, %get3A_2195] : memref<15x1920xf32, #tpu.memory_space<vmem>>, vector<15x1920xf32>
    %dot_general3A_2197 = arith.constant dense<0.000000e+00> : vector<32x1920xf32>
    %dot_general3A_2198 = tpu.matmul %max3A_2193, %get3A_2196, %dot_general3A_2197 {dimension_numbers = #tpu.dot_dimension_numbers<[1], [0], [0], [1], [0, 0, 1, 1], [], []>, transpose_lhs_hint = false} : vector<32x15xf32>, vector<15x1920xf32>, vector<32x1920xf32> -> vector<32x1920xf32>
    %concatenate3A_2199 = tpu.concatenate %slice3A_2138, %slice3A_2138, %slice3A_2138, %slice3A_2138, %slice3A_2138, %slice3A_2138, %slice3A_2138, %slice3A_2138, %slice3A_2138, %slice3A_2138, %slice3A_2138, %slice3A_2138, %slice3A_2138, %slice3A_2138, %slice3A_2138 in 1 : vector<32x128xf32>, vector<32x128xf32>, vector<32x128xf32>, vector<32x128xf32>, vector<32x128xf32>, vector<32x128xf32>, vector<32x128xf32>, vector<32x128xf32>, vector<32x128xf32>, vector<32x128xf32>, vector<32x128xf32>, vector<32x128xf32>, vector<32x128xf32>, vector<32x128xf32>, vector<32x128xf32> -> vector<32x1920xf32>
    %mul3A_2200 = arith.mulf %dot_general3A_2198, %concatenate3A_2199 : vector<32x1920xf32>
    %add3A_2201 = arith.addf %add3A_2132, %mul3A_2200 : vector<32x1920xf32>
    %get3A_2202 = arith.constant 0 : index
    %get3A_2203 = arith.constant 0 : index
    %get3A_2204 = vector.load %arg3[%get3A_2202, %get3A_2203] : memref<1920x128xf32, #tpu.memory_space<vmem>>, vector<1920x128xf32>
    %dot_general3A_2205 = arith.constant dense<0.000000e+00> : vector<32x128xf32>
    %dot_general3A_2206 = tpu.matmul %add3A_2201, %get3A_2204, %dot_general3A_2205 {dimension_numbers = #tpu.dot_dimension_numbers<[1], [0], [0], [1], [0, 0, 1, 1], [], []>, transpose_lhs_hint = false} : vector<32x1920xf32>, vector<1920x128xf32>, vector<32x128xf32> -> vector<32x128xf32>
    %swap3A = arith.constant 0 : index
    %swap3A_2207 = arith.constant 0 : index
    %swap3A_2208 = vector.load %arg7[%swap3A, %swap3A_2207] : memref<32x128xf32, #tpu.memory_space<vmem>>, vector<32x128xf32>
    tpu.vector_store %arg7[%swap3A, %swap3A_2207], %dot_general3A_2206 {strides = array<i32>} : memref<32x128xf32, #tpu.memory_space<vmem>>, vector<32x128xf32>,
    %mul3A_2209 = arith.constant 32 : i32
    %mul3A_2210 = arith.muli %arg0, %mul3A_2209 : i32
    %iota3A = tpu.iota {dimensions = array<i32: 0>} : vector<32x1xi32>
    %add3A_2211 = vector.broadcast %mul3A_2210 : i32 to vector<32x1xi32>
    %add3A_2212 = arith.addi %add3A_2211, %iota3A : vector<32x1xi32>
    %lt3A = arith.constant 10000 : i32
    %lt3A_2213 = vector.broadcast %lt3A : i32 to vector<32x1xi32>
    %lt3A_2214 = arith.cmpi slt, %add3A_2212, %lt3A_2213 : vector<32x1xi32>
    %jit3A = arith.constant 0.000000e+00 : f32
    %broadcast_in_dim3A_2215 = vector.shape_cast %lt3A_2214 : vector<32x1xi1> to vector<32x1xi1>
    %broadcast_in_dim3A_2216 = vector.broadcast %broadcast_in_dim3A_2215 : vector<32x1xi1> to vector<32x128xi1>
    %broadcast_in_dim3A_2217 = vector.broadcast %jit3A : f32 to vector<32x128xf32>
    %select_n3A = arith.select %broadcast_in_dim3A_2216, %dot_general3A_2206, %broadcast_in_dim3A_2217 : vector<32x128xi1>, vector<32x128xf32>
    %reduce_sum3A_2218 = arith.constant dense<0.000000e+00> : vector<128xf32>
    %reduce_sum3A_2219 = vector.multi_reduction <add>, %select_n3A, %reduce_sum3A_2218 [0] : vector<32x128xf32> to vector<128xf32>
    %broadcast_in_dim3A_2220 = vector.shape_cast %reduce_sum3A_2219 : vector<128xf32> to vector<1x128xf32>
    %mul3A_2221 = arith.mulf %select_n3A, %select_n3A : vector<32x128xf32>
    %reduce_sum3A_2222 = arith.constant dense<0.000000e+00> : vector<128xf32>
    %reduce_sum3A_2223 = vector.multi_reduction <add>, %mul3A_2221, %reduce_sum3A_2222 [0] : vector<32x128xf32> to vector<128xf32>
    %broadcast_in_dim3A_2224 = vector.shape_cast %reduce_sum3A_2223 : vector<128xf32> to vector<1x128xf32>
    %eq3A = arith.constant 0 : i32
    %eq3A_2225 = arith.cmpi eq, %arg0, %eq3A : i32
    %convert_element_type3A = arith.extui %eq3A_2225 : i1 to i32
    %cond3A = arith.constant 0 : i32
    %cond3A_2226 = arith.cmpi ne, %convert_element_type3A, %cond3A : i32
    scf.if %cond3A_2226 {
      %broadcast_in_dim3A_2241 = arith.constant 0.000000e+00 : f32
      %broadcast_in_dim3A_2242 = vector.broadcast %broadcast_in_dim3A_2241 : f32 to vector<8x128xf32>
      %swap3A_2243 = arith.constant 0 : index
      %swap3A_2244 = arith.constant 0 : index
      %swap3A_2245 = vector.load %arg8[%swap3A_2243, %swap3A_2244] : memref<8x128xf32, #tpu.memory_space<vmem>>, vector<8x128xf32>
      tpu.vector_store %arg8[%swap3A_2243, %swap3A_2244], %broadcast_in_dim3A_2242 {strides = array<i32>} : memref<8x128xf32, #tpu.memory_space<vmem>>, vector<8x128xf32>,
    } else {
    }
    %get3A_2227 = arith.constant 0 : index
    %get3A_2228 = arith.constant 0 : index
    %get3A_2229 = vector.load %arg8[%get3A_2227, %get3A_2228] : memref<8x128xf32, #tpu.memory_space<vmem>>, vector<1x128xf32>
    %add3A_2230 = arith.addf %get3A_2229, %broadcast_in_dim3A_2220 : vector<1x128xf32>
    %swap3A_2231 = arith.constant 0 : index
    %swap3A_2232 = arith.constant 0 : index
    %swap3A_2233 = vector.load %arg8[%swap3A_2231, %swap3A_2232] : memref<8x128xf32, #tpu.memory_space<vmem>>, vector<1x128xf32>
    tpu.vector_store %arg8[%swap3A_2231, %swap3A_2232], %add3A_2230 {strides = array<i32>} : memref<8x128xf32, #tpu.memory_space<vmem>>, vector<1x128xf32>,
    %get3A_2234 = arith.constant 1 : index
    %get3A_2235 = arith.constant 0 : index
    %get3A_2236 = vector.load %arg8[%get3A_2234, %get3A_2235] : memref<8x128xf32, #tpu.memory_space<vmem>>, vector<1x128xf32>
    %add3A_2237 = arith.addf %get3A_2236, %broadcast_in_dim3A_2224 : vector<1x128xf32>
    %swap3A_2238 = arith.constant 1 : index
    %swap3A_2239 = arith.constant 0 : index
    %swap3A_2240 = vector.load %arg8[%swap3A_2238, %swap3A_2239] : memref<8x128xf32, #tpu.memory_space<vmem>>, vector<1x128xf32>
    tpu.vector_store %arg8[%swap3A_2238, %swap3A_2239], %add3A_2237 {strides = array<i32>} : memref<8x128xf32, #tpu.memory_space<vmem>>, vector<1x128xf32>,
    return
  }
  func.func @transform_0(%arg0: i32) -> (i32, i32, i32) {
    %c0_i32 = arith.constant 0 : i32
    %c0_i32_0 = arith.constant 0 : i32
    %c0_i32_1 = arith.constant 0 : i32
    return %c0_i32, %arg0, %c0_i32_0 : i32, i32, i32
  }
  func.func @transform_1(%arg0: i32) -> (i32, i32) {
    %c0_i32 = arith.constant 0 : i32
    %c0_i32_0 = arith.constant 0 : i32
    return %arg0, %c0_i32 : i32, i32
  }
  func.func @transform_2(%arg0: i32) -> (i32, i32) {
    %c0_i32 = arith.constant 0 : i32
    %c0_i32_0 = arith.constant 0 : i32
    %c0_i32_1 = arith.constant 0 : i32
    return %c0_i32, %c0_i32_0 : i32, i32
  }
  func.func @transform_3(%arg0: i32) -> (i32, i32) {
    %c0_i32 = arith.constant 0 : i32
    %c0_i32_0 = arith.constant 0 : i32
    %c0_i32_1 = arith.constant 0 : i32
    return %c0_i32, %c0_i32_0 : i32, i32
  }
  func.func @transform_4(%arg0: i32) -> (i32, i32) {
    %c0_i32 = arith.constant 0 : i32
    %c0_i32_0 = arith.constant 0 : i32
    %c0_i32_1 = arith.constant 0 : i32
    return %c0_i32, %c0_i32_0 : i32, i32
  }
  func.func @transform_5(%arg0: i32) -> (i32, i32) {
    %c0_i32 = arith.constant 0 : i32
    %c0_i32_0 = arith.constant 0 : i32
    %c0_i32_1 = arith.constant 0 : i32
    return %c0_i32, %c0_i32_0 : i32, i32
  }
  func.func @transform_6(%arg0: i32) -> (i32, i32) {
    %c0_i32 = arith.constant 0 : i32
    %c0_i32_0 = arith.constant 0 : i32
    return %arg0, %c0_i32 : i32, i32
  }
  func.func @transform_7(%arg0: i32) -> (i32, i32) {
    %c0_i32 = arith.constant 0 : i32
    %c0_i32_0 = arith.constant 0 : i32
    %c0_i32_1 = arith.constant 0 : i32
    return %c0_i32, %c0_i32_0 : i32, i32
  }
}

</mosaic_0001>

<sc_bundles>
// kernel: kernel.5.cloned.1.call-start
scs
__scs_entry_jumppad:
0x0: {  	(pc) =	sbr.rel $0x88, $3  }
0x1: {  	(tag) =	ssettag $0x0;
	lr =	simm.s32 $0x1  }
0x2: {  	[smem:$0x3F9A] =	sst lr;
	_ =	strace $0xD0000000  }
0x3: {  	_ = 	snop  }
0x4: {  	_ = 	snop  }
0x5: {  	_ = 	snop  }
0x6: {  	_ = 	snop  }
0x7: {  	_ = 	snop  }
__scs_overlays_trampoline_lowered:
0x8: {  	[smem:$0x3FA9] =	sst s0  }
0x9: {  	[smem:$0x3FAA] =	sst s1  }
0xa: {  	[smem:$0x3FAB] =	sst s2  }
0xb: {  	[smem:$0x3FAC] =	sst s3  }
0xc: {  	[smem:$0x3FAD] =	sst s4  }
0xd: {  	[smem:$0x3FAE] =	sst s5  }
0xe: {  	[smem:$0x3FAF] =	sst s6  }
0xf: {  	[smem:$0x3FB0] =	sst s7  }
0x10: {  	[smem:$0x3FB1] =	sst s8  }
0x11: {  	[smem:$0x3FB2] =	sst s9;
	s0 =	simm.s32 @!p0 $0x0  }
0x12: {  	s1 =	sld [smem:$0x3F98];
	s0 =	simm.s32 @p0 $0x1  }
0x13: {  	[smem:$0x3FB3] =	sst s0;
	s0 =	simm.s32 @!p1 $0x0  }
0x14: {  	s2 =	sld [smem:$0x3F97];
	s0 =	simm.s32 @p1 $0x1  }
0x15: {  	[smem:$0x3FB4] =	sst s0;
	s0 =	simm.s32 @!p2 $0x0  }
0x16: {  	s3 =	sld [smem:$0x3FDB];
	s0 =	simm.s32 @p2 $0x1  }
0x17: {  	s4 =	simm.s32 $0x1BF5;
	[smem:$0x3FB6] =	sst s0  }
0x18: {  	s0 =	sld [smem:$0x3F99];
	_ =	swait.ge [sflag:s4], $0x0  }
0x19: {  	s7 =	sld [smem:$0x3F9A]  }
0x1a: {  	s8 =	sadd.s32 $0xFFFFE003, lr  }
0x1b: {  	s9 =	sadd.s32 $0xFFFFFEF7, lr;
	s5 =	simm.s32 $0xFFFFFFFF;
	p2 =	slt.u32 s8, $0xFFFFF086  }
0x1c: {  	p1 =	slt.u32 s9, $0xF7A;
	s5 =	simm.s32 @!p2 $0x0  }
0x1d: {  	s5 =	simm.s32 @p1 $0x1;
	p0 =	seq.s32 s7, s2  }
0x1e: {  	s7 =	smul.u32 @!p0 $0xF7A, s2;
	p2 =	seq.s32 @!p0 s5, $0x0  }
0x1f: {  	s9 =	smul.u32 $0xF7A, s1;
	s8 =	simm.s32 @!p0 $0x1BF5;
	p2 =	por !p2, p0  }
0x20: {  	[sflag:s8] =	ssyncset.s32 @!p0 $0xFFFFF086;
	s6 =	sadd.s32 @!p0 s3, s7;
	s7 =	simm.s32 @!p0 $0x108  }
0x21: {  	s3 =	sadd.s32 s3, s9;
	s6 =	sadd.s32 @!p0 $0x88, s6;
	s7 =	simm.s32 @p2 $0x1082  }
0x22: {  	[simem:s7], [sflag:s8] =	dma.local @!p0 [hbm:s6], $0xF7A  }
0x23: {  	s9 =	sor.u32 $0xD0000000, s2;
	s6 =	simm.s32 $0x108;
	_ =	swait.ge @!p0 [sflag:s8], $0x0  }
0x24: {  	s3 =	sadd.s32 $0x88, s3;
	s6 =	simm.s32 @!p1 $0x1082;
	[sflag:s4] =	ssyncset.s32 $0xFFFFF086  }
0x25: {  	[simem:s6], [sflag:s4] =	dma.local [hbm:s3], $0xF7A  }
0x26: {  	[smem:$0x3F9A] =	sst s1;
	(tag) =	ssettag s2;
	_ =	strace s9  }
0x27: {  	s1 =	sld [smem:$0x3FAA]  }
0x28: {  	s2 =	sld [smem:$0x3FAB]  }
0x29: {  	s4 =	sld [smem:$0x3FAD]  }
0x2a: {  	p0 =	seq.s32 s5, $0x0;
	s5 =	sld [smem:$0x3FAE]  }
0x2b: {  	s6 =	sld [smem:$0x3FAF]  }
0x2c: {  	s7 =	sld [smem:$0x3FB0]  }
0x2d: {  	s3 =	simm.s32 $0x108;
	s8 =	sld [smem:$0x3FB1]  }
0x2e: {  	s3 =	simm.s32 @!p0 $0x1082;
	s9 =	sld [smem:$0x3FB2]  }
0x2f: {  	lr =	sadd.s32 s0, s3;
	s0 =	sld [smem:$0x3FA9]  }
0x30: {  	s3 =	sld [smem:$0x3FAC]  }
0x31: {  	[smem:$0x3FB5] =	sst s10  }
0x32: {  	s10 =	sld [smem:$0x3FB3];
	_ =	sdelay $0x3  }
0x33: {  	p0 =	seq.s32 s10, $0x1;
	s10 =	sld [smem:$0x3FB5];
	_ =	sdelay $0x3  }
0x34: {  	[smem:$0x3FB5] =	sst s10  }
0x35: {  	s10 =	sld [smem:$0x3FB4];
	_ =	sdelay $0x3  }
0x36: {  	p1 =	seq.s32 s10, $0x1;
	s10 =	sld [smem:$0x3FB5];
	_ =	sdelay $0x3  }
0x37: {  	[smem:$0x3FB5] =	sst s10  }
0x38: {  	s10 =	sld [smem:$0x3FB6]  }
0x39: {  	_ = 	snop;
	(pc) =	sbr.ind lr, $3  }
0x3a: {  	_ = 	snop  }
0x3b: {  	_ = 	snop  }
0x3c: {  	p2 =	seq.s32 s10, $0x1;
	s10 =	sld [smem:$0x3FB5]  }
0x3d: {  	_ =	shalt  }
0x3e: {  	_ =	shalt  }
0x3f: {  	_ =	shalt  }
0x40: {  	_ =	shalt  }
0x41: {  	_ =	shalt  }
0x42: {  	_ =	shalt  }
0x43: {  	_ =	shalt  }
0x44: {  	_ =	shalt  }
0x45: {  	_ =	shalt  }
0x46: {  	_ =	shalt  }
0x47: {  	_ =	shalt  }
0x48: {  	_ =	shalt  }
0x49: {  	_ =	shalt  }
0x4a: {  	_ =	shalt  }
0x4b: {  	_ =	shalt  }
0x4c: {  	_ =	shalt  }
0x4d: {  	_ =	shalt  }
0x4e: {  	_ =	shalt  }
0x4f: {  	_ =	shalt  }
0x50: {  	_ =	shalt  }
0x51: {  	_ =	shalt  }
0x52: {  	_ =	shalt  }
0x53: {  	_ =	shalt  }
0x54: {  	_ =	shalt  }
0x55: {  	_ =	shalt  }
0x56: {  	_ =	shalt  }
0x57: {  	_ =	shalt  }
0x58: {  	_ =	shalt  }
0x59: {  	_ =	shalt  }
0x5a: {  	_ =	shalt  }
0x5b: {  	_ =	shalt  }
0x5c: {  	_ =	shalt  }
0x5d: {  	_ =	shalt  }
0x5e: {  	_ =	shalt  }
0x5f: {  	_ =	shalt  }
0x60: {  	_ =	shalt  }
0x61: {  	_ =	shalt  }
0x62: {  	_ =	shalt  }
0x63: {  	_ =	shalt  }
0x64: {  	_ =	shalt  }
0x65: {  	_ =	shalt  }
0x66: {  	_ =	shalt  }
0x67: {  	_ =	shalt  }
0x68: {  	_ =	shalt  }
0x69: {  	_ =	shalt  }
0x6a: {  	_ =	shalt  }
0x6b: {  	_ =	shalt  }
0x6c: {  	_ =	shalt  }
0x6d: {  	_ =	shalt  }
0x6e: {  	_ =	shalt  }
0x6f: {  	_ =	shalt  }
0x70: {  	_ =	shalt  }
0x71: {  	_ =	shalt  }
0x72: {  	_ =	shalt  }
0x73: {  	_ =	shalt  }
0x74: {  	_ =	shalt  }
0x75: {  	_ =	shalt  }
0x76: {  	_ =	shalt  }
0x77: {  	_ =	shalt  }
0x78: {  	_ =	shalt  }
0x79: {  	_ =	shalt  }
0x7a: {  	_ =	shalt  }
0x7b: {  	_ =	shalt  }
0x7c: {  	_ =	shalt  }
0x7d: {  	_ =	shalt  }
0x7e: {  	_ =	shalt  }
0x7f: {  	_ =	shalt  }
0x80: {  	_ =	shalt  }
0x81: {  	_ =	shalt  }
0x82: {  	_ =	shalt  }
0x83: {  	_ =	shalt  }
0x84: {  	_ =	shalt  }
0x85: {  	_ =	shalt  }
0x86: {  	_ =	shalt  }
0x87: {  	_ =	shalt  }
.Lfunc_end0:
.L_simem_size_0:
called_computation_lowered:
.L_overlay_start_0:
0x88: {  	s2 =	sld [smem:$0x3FD9]  }
0x89: {  	s3 =	sld [smem:$0x3FFE];
	_ =	sdelay $0x1  }
0x8a: {  	s1 =	srdreg.scid  }
0x8b: {  	s0 =	sand.u32 $0x1, s1  }
0x8c: {  	s16 =	sshll.u32 s0, $0xA;
	s2 =	sadd.s32 s3, s2  }
0x8d: {  	s2 =	sadd.s32 s2, s16  }
0x8e: {  	[smem:$0x3FC1] =	sst s2  }
0x8f: {  	_ = 	snop  }
0x90: {  	(tm) =	ssettm $0x1  }
0x91: {  	s17 =	sld [smem:$0x3FFB];
	_ =	sdelay $0x3  }
0x92: {  	_ =	strace s17  }
0x93: {  	s2 =	sld [smem:$0x3FFC];
	_ =	sdelay $0x3  }
0x94: {  	_ =	strace s2  }
0x95: {  	s2 =	sld [smem:$0x3FFD];
	_ =	sdelay $0x3  }
0x96: {  	_ =	strace s2  }
0x97: {  	_ =	strace $0x8FFFFFFF  }
0x98: {  	s18 =	sld [smem:$0x3FDB];
	_ =	sdelay $0x1  }
0x99: {  	s19 =	simm.s32 $_scs_section_size  }
0x9a: {  	s4 =	simm.s32 $_size__tile_overlayer_lowered;
	s5 =	simm.s32 $_tile_overlayer_lowered  }
0x9b: {  	s22 =	simm.s32 $0x1BFF;
	s21 =	sshll.u32 s5, $0x1;
	s2 =	sadd.s32 s19, s18  }
0x9c: {  	s6 =	simm.s32 $0x0;
	s20 =	sshll.u32 s4, $0x1;
	s4 =	sadd.s32 s21, s2  }
0x9d: {  	[timem:s6], [sflag:s22] =	dma.local [hbm:s4], s20  }
0x9e: {  	_ =	swait.ge [sflag:s22], s20  }
0x9f: {  	s3 =	ssub.s32 $0x0, s20;
	[sflag:s22] =	ssyncset.done $0x0  }
0xa0: {  	[sflag:s22] =	ssyncadd.s32 s3;
	_ =	sdelay $0x1  }
0xa1: {  	s23 =	simm.s32 $0x1B8B  }
0xa2: {  	_ =	swait.ge [sflag:s23], $0x1  }
0xa3: {  	[sflag:s23] =	ssyncset.done $0x0  }
0xa4: {  	s25 =	simm.s32 $0x1B8E;
	s24 =	sld [smem:$0x3FFE];
	[sflag:s23] =	ssyncadd.s32 $0xFFFFFFFF  }
0xa5: {  	s26 =	simm.s32 $execute0_lowered;
	[smem:$0x3FD2] =	sst s25  }
0xa6: {  	s4 =	sshll.u32 s26, $0x1;
	_ =	strace $0x80000046;
	[dreg:$0x1] =	wrdreg $0xFFFFFFFF  }
0xa7: {  	s28 =	simm.s32 $_size_execute0_lowered;
	s2 =	sadd.s32 s2, s4;
	[dreg:$0x0] =	wrdreg $0x0  }
0xa8: {  	s4 =	sshll.u32 s28, $0x1;
	[dreg:$0x2] =	wrdreg s2  }
0xa9: {  	[dreg:$0x3] =	wrdreg s4  }
0xaa: {  	[dreg:$0x4] =	wrdreg $0xC0  }
0xab: {  	_ =	task [dreg:s6], $0x5FFFF  }
0xac: {  	[dreg:$0x1] =	wrdreg $0xFFFFFFFF  }
0xad: {  	[dreg:$0x0] =	wrdreg $0x60  }
0xae: {  	[dreg:$0x2] =	wrdreg s24  }
0xaf: {  	[dreg:$0x3] =	wrdreg $0x9  }
0xb0: {  	_ =	task.clear_ibuf [dreg:s6], $0x4FFFF;
	_ =	strace $0x90000046  }
0xb1: {  	s29 =	simm.s32 $0x9;
	_ =	strace $0x80000048  }
0xb2: {  	_ =	swait.ge [sflag:s29], $0x1  }
0xb3: {  	[sflag:s29] =	ssyncadd.s32 $0xFFFFFFFF  }
0xb4: {  	_ =	strace $0x90000048  }
0xb5: {  	_ =	sfence  }
0xb6: {  	s30 =	sld [smem:$0x0];
	_ =	sdelay $0x2  }
0xb7: {  	s31 =	sshll.u32 s1, $0xD;
	s1 =	sshrl.u32 s1, $0x2  }
0xb8: {  	s3 =	sand.u32 $0x4000, s31;
	s1 =	sadd.s32 s1, s30  }
0xb9: {  	s0 =	sor.u32 s3, s0;
	s1 =	sshll.u32 s1, $0x11  }
0xba: {  	s0 =	sor.u32 s1, s0  }
0xbb: {  	s0 =	sadd.s32 $0x8F2B, s0  }
0xbc: {  	[sflag:s0] =	ssyncadd.remote.s32 $0x1  }
0xbd: {  	_ =	sfence.sel $0xFFFF  }
0xbe: {  	[dreg:$0x0] =	wrdreg $0xFFFFFFFF;
	(pc) =	sbr.abs _section_cstart, $3  }
0xbf: {  	[dreg:$0x1] =	wrdreg $0xFFFFFFFF  }
0xc0: {  	_ =	task.clear_ibuf [dreg:s6], $0x2FFFF;
	_ =	strace $0x9FFFFFFF  }
0xc1: {  	(tm) =	ssettm $0x7FFFFFFF  }
tec
execute0_lowered:
.L_overlay_start_1:
0x0: {  	(tag) =	ssettag $0x1  }
0x1: {  	s0 =	srdreg.scid;
	s10 =	stileid.u32  }
0x2: {  	s4 =	rddreg [dreg:$0x0];
	s2 =	simm.s32 $0x0;
	s31 =	simm.s32 $0x2800  }
0x3: {  	s19 =	simm.s32 $0x3000;
	s18 =	simm.s32 $0x3800;
	s20 =	simm.s32 $0x4000  }
0x4: {  	s28 =	simm.s32 $0x7000;
	s29 =	simm.s32 $0x7800;
	s30 =	simm.s32 $0x8000  }
0x5: {  	s11 =	simm.s32 $0xD000;
	s12 =	simm.s32 $0xD800;
	s13 =	simm.s32 $0x1  }
0x6: {  	s14 =	simm.s32 $0x3;
	s15 =	simm.s32 $0x2;
	s8 =	smul.u32 $0xA0000, s10  }
0x7: {  	s0 =	sand.u32 $0x1, s0;
	s1 =	sshll.u32 s10, $0x1;
	s10 =	smul.u32 $0x500000, s10  }
0x8: {  	s16 =	simm.s32 $0x4;
	s17 =	simm.s32 $0x0;
	s21 =	smul.u32 $0x280000, s0  }
0x9: {  	s1 =	sor.u32 s0, s1;
	s7 =	ssub.s32 $0x2, s0;
	s0 =	smul.u32 $0x50000, s0  }
0xa: {  	[smem:$0x7FF] =	sst s2;
	s3 =	sadd.s32 $0xB800, s4;
	s5 =	smul.u32 $0x500, s1  }
0xb: {  	_ =	strace $0x80000047;
	s6 =	smul.u32 $0x280000, s1;
	s9 =	sshrl.u32 s7, $0x1  }
0xc: {  	[dreg:$0x8] =	wrdreg s17;
	s1 =	smul.u32 $0x50000, s1;
	s7 =	ssub.s32 s7, s9  }
0xd: {  	s24 =	sadd.s32 s21, s10;
	s21 =	simm.s32 $0xA800;
	s10 =	simm.s32 $0xC800  }
0xe: {  	s9 =	simm.s32 $0xE000;
	s5 =	sadd.s32 s5, s4;
	s4 =	sadd.s32 $0x59A00, s4  }
0xf: {  	s22 =	smax.u32 s7, $0x1;
	s6 =	sshrl.u32 s6, $0x3;
	s25 =	sor.u32 $0x10000, s24  }
0x10: {  	s24 =	simm.s32 $0x6000;
	s7 =	simm.s32 $0xB800;
	s5 =	sadd.s32 $0x1800, s5  }
0x11: {  	[dreg:$0x5] =	wrdreg s22;
	s1 =	sadd.s32 s1, s4;
	s23 =	sadd.s32 s8, s4  }
0x12: {  	s6 =	sadd.s32 s4, s6;
	s22 =	simm.s32 $0x5000;
	[dreg:$0x4] =	wrdreg s5  }
0x13: {  	s8 =	simm.s32 $0xC000;
	s0 =	sadd.s32 s0, s23;
	[dreg:$0x6] =	wrdreg s6  }
0x14: {  	s5 =	sshrl.u32 s25, $0x3;
	s1 =	sadd.s32 $0x4F000, s1;
	s25 =	simm.s32 $0x4800  }
0x15: {  	s23 =	simm.s32 $0x5800;
	s6 =	simm.s32 $0xB000;
	s0 =	sadd.s32 $0x1000, s0  }
0x16: {  	v2 =	vlaneseq.u32;
	[dreg:$0x7] =	wrdreg s1;
	s26 =	sadd.s32 s5, s4;
	s1 =	simm.s32 $0x8800  }
0x17: {  	vm0 =	vmmov $0xffff;
	v1 =	vshrl.u32 v2, $0x3;
	s4 =	simm.s32 $0x9800;
	s5 =	simm.s32 $0xA000;
	[dreg:$0x2] =	wrdreg s0  }
0x18: {  	v0 =	vand.u32 $0x7, v2;
	v2 =	vor.u32 $0x8, v2;
	v1 =	vmul.u32 $0x8, v1;
	[dreg:$0x3] =	wrdreg s26;
	s26 =	simm.s32 $0x6800;
	s0 =	simm.s32 $0x9000  }
.LBB2_1:
0x19: {  	s17 =	rddreg [dreg:$0x4]  }
0x1a: {  	[tilespmem:s2], [sflag:$0x5] =	stream.linear.gather [hbm4b:s17+s2], $0x2800, $0x38;
	[tilespmem:$0x12800] =	vst v63  }
0x1b: {  	s17 =	simm.s32 $0x5  }
0x1c: {  	_ =	swait.ge [sflag:s17], $0x2800  }
0x1d: {  	[sflag:s17] =	ssyncset.done $0x0  }
0x1e: {  	[sflag:s17] =	ssyncadd.s32 $0xFFFFD800  }
0x1f: {  	v3 =	vld [tilespmem:$0x0];
	_ =	sdelay $0x4  }
0x20: {  	v4 =	vshll.u32 v3, $0x1  }
0x21: {  	v3 =	vand.u32 $0x7, v3;
	v4 =	vand.u32 $0xFFFFFFF0, v4  }
0x22: {  	v3 =	vor.u32 v3, v4  }
0x23: {  	v4 =	vperm.xlane v3, v0;
	_ =	sdelay $0x1  }
0x24: {  	v3 =	vperm.xlane v3, v2;
	v4 =	vadd.s32 v1, v4;
	_ =	sdelay $0x1  }
0x25: {  	v3 =	vadd.s32 v1, v3;
	_ =	sdelay $0x2  }
0x26: {  	[tilespmem:s31], [sflag:$0x1] =	stream.indirect_vreg.gather [hbm4b:s3+s2], $0x80, v4, vm0, $0xb8;
	[tilespmem:$0x12800] =	vst v63  }
0x27: {  	_ = 	snop  }
0x28: {  	[tilespmem:s19], [sflag:$0x1] =	stream.indirect_vreg.gather [hbm4b:s3+s2], $0x80, v3, vm0, $0xb8;
	[tilespmem:$0x12800] =	vst v63  }
0x29: {  	v3 =	vld [tilespmem:$0x10];
	_ =	sdelay $0x4  }
0x2a: {  	v49 =	vshll.u32 v3, $0x1  }
0x2b: {  	v3 =	vand.u32 $0x7, v3;
	v4 =	vand.u32 $0xFFFFFFF0, v49  }
0x2c: {  	v3 =	vor.u32 v3, v4  }
0x2d: {  	v4 =	vperm.xlane v3, v0;
	_ =	sdelay $0x1  }
0x2e: {  	v3 =	vperm.xlane v3, v2;
	v4 =	vadd.s32 v1, v4;
	_ =	sdelay $0x1  }
0x2f: {  	v3 =	vadd.s32 v1, v3;
	_ =	sdelay $0x2  }
0x30: {  	[tilespmem:s18], [sflag:$0x1] =	stream.indirect_vreg.gather [hbm4b:s3+s2], $0x80, v4, vm0, $0xb8;
	[tilespmem:$0x12800] =	vst v63  }
0x31: {  	_ = 	snop  }
0x32: {  	[tilespmem:s20], [sflag:$0x1] =	stream.indirect_vreg.gather [hbm4b:s3+s2], $0x80, v3, vm0, $0xb8;
	[tilespmem:$0x12800] =	vst v63  }
0x33: {  	v3 =	vld [tilespmem:$0x20];
	_ =	sdelay $0x4  }
0x34: {  	v50 =	vshll.u32 v3, $0x1  }
0x35: {  	v3 =	vand.u32 $0x7, v3;
	v4 =	vand.u32 $0xFFFFFFF0, v50  }
0x36: {  	v3 =	vor.u32 v3, v4  }
0x37: {  	v4 =	vperm.xlane v3, v0;
	_ =	sdelay $0x1  }
0x38: {  	v3 =	vperm.xlane v3, v2;
	v4 =	vadd.s32 v1, v4;
	_ =	sdelay $0x1  }
0x39: {  	v3 =	vadd.s32 v1, v3;
	_ =	sdelay $0x2  }
0x3a: {  	[tilespmem:s25], [sflag:$0x1] =	stream.indirect_vreg.gather [hbm4b:s3+s2], $0x80, v4, vm0, $0xb8;
	[tilespmem:$0x12800] =	vst v63  }
0x3b: {  	_ = 	snop  }
0x3c: {  	[tilespmem:s22], [sflag:$0x1] =	stream.indirect_vreg.gather [hbm4b:s3+s2], $0x80, v3, vm0, $0xb8;
	[tilespmem:$0x12800] =	vst v63  }
0x3d: {  	v3 =	vld [tilespmem:$0x30];
	_ =	sdelay $0x4  }
0x3e: {  	v51 =	vshll.u32 v3, $0x1  }
0x3f: {  	v3 =	vand.u32 $0x7, v3;
	v4 =	vand.u32 $0xFFFFFFF0, v51  }
0x40: {  	v3 =	vor.u32 v3, v4  }
0x41: {  	v4 =	vperm.xlane v3, v0;
	_ =	sdelay $0x1  }
0x42: {  	v3 =	vperm.xlane v3, v2;
	v4 =	vadd.s32 v1, v4;
	_ =	sdelay $0x1  }
0x43: {  	v3 =	vadd.s32 v1, v3;
	_ =	sdelay $0x2  }
0x44: {  	[tilespmem:s23], [sflag:$0x1] =	stream.indirect_vreg.gather [hbm4b:s3+s2], $0x80, v4, vm0, $0xb8;
	[tilespmem:$0x12800] =	vst v63  }
0x45: {  	_ = 	snop  }
0x46: {  	[tilespmem:s24], [sflag:$0x1] =	stream.indirect_vreg.gather [hbm4b:s3+s2], $0x80, v3, vm0, $0xb8;
	[tilespmem:$0x12800] =	vst v63  }
0x47: {  	v3 =	vld [tilespmem:$0x40];
	_ =	sdelay $0x4  }
0x48: {  	v52 =	vshll.u32 v3, $0x1  }
0x49: {  	v3 =	vand.u32 $0x7, v3;
	v4 =	vand.u32 $0xFFFFFFF0, v52  }
0x4a: {  	v3 =	vor.u32 v3, v4  }
0x4b: {  	v4 =	vperm.xlane v3, v0;
	_ =	sdelay $0x1  }
0x4c: {  	v3 =	vperm.xlane v3, v2;
	v4 =	vadd.s32 v1, v4;
	_ =	sdelay $0x1  }
0x4d: {  	v3 =	vadd.s32 v1, v3;
	_ =	sdelay $0x2  }
0x4e: {  	[tilespmem:s26], [sflag:$0x1] =	stream.indirect_vreg.gather [hbm4b:s3+s2], $0x80, v4, vm0, $0xb8;
	[tilespmem:$0x12800] =	vst v63  }
0x4f: {  	_ = 	snop  }
0x50: {  	[tilespmem:s28], [sflag:$0x1] =	stream.indirect_vreg.gather [hbm4b:s3+s2], $0x80, v3, vm0, $0xb8;
	[tilespmem:$0x12800] =	vst v63  }
0x51: {  	v3 =	vld [tilespmem:$0x50];
	_ =	sdelay $0x4  }
0x52: {  	v53 =	vshll.u32 v3, $0x1  }
0x53: {  	v3 =	vand.u32 $0x7, v3;
	v4 =	vand.u32 $0xFFFFFFF0, v53  }
0x54: {  	v3 =	vor.u32 v3, v4  }
0x55: {  	v4 =	vperm.xlane v3, v0;
	_ =	sdelay $0x1  }
0x56: {  	v3 =	vperm.xlane v3, v2;
	v4 =	vadd.s32 v1, v4;
	_ =	sdelay $0x1  }
0x57: {  	v3 =	vadd.s32 v1, v3;
	_ =	sdelay $0x2  }
0x58: {  	[tilespmem:s29], [sflag:$0x1] =	stream.indirect_vreg.gather [hbm4b:s3+s2], $0x80, v4, vm0, $0xb8;
	[tilespmem:$0x12800] =	vst v63  }
0x59: {  	_ = 	snop  }
0x5a: {  	[tilespmem:s30], [sflag:$0x1] =	stream.indirect_vreg.gather [hbm4b:s3+s2], $0x80, v3, vm0, $0xb8;
	[tilespmem:$0x12800] =	vst v63  }
0x5b: {  	v3 =	vld [tilespmem:$0x60];
	_ =	sdelay $0x4  }
0x5c: {  	v54 =	vshll.u32 v3, $0x1  }
0x5d: {  	v3 =	vand.u32 $0x7, v3;
	v4 =	vand.u32 $0xFFFFFFF0, v54  }
0x5e: {  	v3 =	vor.u32 v3, v4  }
0x5f: {  	v4 =	vperm.xlane v3, v0;
	_ =	sdelay $0x1  }
0x60: {  	v3 =	vperm.xlane v3, v2;
	v4 =	vadd.s32 v1, v4;
	_ =	sdelay $0x1  }
0x61: {  	v3 =	vadd.s32 v1, v3;
	_ =	sdelay $0x2  }
0x62: {  	[tilespmem:s1], [sflag:$0x1] =	stream.indirect_vreg.gather [hbm4b:s3+s2], $0x80, v4, vm0, $0xb8;
	[tilespmem:$0x12800] =	vst v63  }
0x63: {  	_ = 	snop  }
0x64: {  	[tilespmem:s0], [sflag:$0x1] =	stream.indirect_vreg.gather [hbm4b:s3+s2], $0x80, v3, vm0, $0xb8;
	[tilespmem:$0x12800] =	vst v63  }
0x65: {  	v3 =	vld [tilespmem:$0x70];
	_ =	sdelay $0x4  }
0x66: {  	v55 =	vshll.u32 v3, $0x1  }
0x67: {  	v3 =	vand.u32 $0x7, v3;
	v4 =	vand.u32 $0xFFFFFFF0, v55  }
0x68: {  	v3 =	vor.u32 v3, v4  }
0x69: {  	v4 =	vperm.xlane v3, v0;
	_ =	sdelay $0x1  }
0x6a: {  	v3 =	vperm.xlane v3, v2;
	v4 =	vadd.s32 v1, v4;
	_ =	sdelay $0x1  }
0x6b: {  	v3 =	vadd.s32 v1, v3;
	_ =	sdelay $0x2  }
0x6c: {  	[tilespmem:s4], [sflag:$0x1] =	stream.indirect_vreg.gather [hbm4b:s3+s2], $0x80, v4, vm0, $0xb8;
	[tilespmem:$0x12800] =	vst v63  }
0x6d: {  	_ = 	snop  }
0x6e: {  	[tilespmem:s5], [sflag:$0x1] =	stream.indirect_vreg.gather [hbm4b:s3+s2], $0x80, v3, vm0, $0xb8;
	[tilespmem:$0x12800] =	vst v63  }
0x6f: {  	v3 =	vld [tilespmem:$0x80];
	_ =	sdelay $0x4  }
0x70: {  	v56 =	vshll.u32 v3, $0x1  }
0x71: {  	v3 =	vand.u32 $0x7, v3;
	v4 =	vand.u32 $0xFFFFFFF0, v56  }
0x72: {  	v3 =	vor.u32 v3, v4  }
0x73: {  	v4 =	vperm.xlane v3, v0;
	_ =	sdelay $0x1  }
0x74: {  	v3 =	vperm.xlane v3, v2;
	v4 =	vadd.s32 v1, v4;
	_ =	sdelay $0x1  }
0x75: {  	v3 =	vadd.s32 v1, v3;
	_ =	sdelay $0x2  }
0x76: {  	[tilespmem:s21], [sflag:$0x2] =	stream.indirect_vreg.gather [hbm4b:s3+s2], $0x80, v4, vm0, $0xb8;
	[tilespmem:$0x12800] =	vst v63  }
0x77: {  	_ = 	snop  }
0x78: {  	[tilespmem:s6], [sflag:$0x2] =	stream.indirect_vreg.gather [hbm4b:s3+s2], $0x80, v3, vm0, $0xb8;
	[tilespmem:$0x12800] =	vst v63  }
0x79: {  	v3 =	vld [tilespmem:$0x90];
	_ =	sdelay $0x4  }
0x7a: {  	v57 =	vshll.u32 v3, $0x1  }
0x7b: {  	v3 =	vand.u32 $0x7, v3;
	v4 =	vand.u32 $0xFFFFFFF0, v57  }
0x7c: {  	v3 =	vor.u32 v3, v4  }
0x7d: {  	v4 =	vperm.xlane v3, v0;
	_ =	sdelay $0x1  }
0x7e: {  	v3 =	vperm.xlane v3, v2;
	v4 =	vadd.s32 v1, v4;
	_ =	sdelay $0x1  }
0x7f: {  	v3 =	vadd.s32 v1, v3;
	_ =	sdelay $0x2  }
0x80: {  	[tilespmem:s7], [sflag:$0x2] =	stream.indirect_vreg.gather [hbm4b:s3+s2], $0x80, v4, vm0, $0xb8;
	[tilespmem:$0x12800] =	vst v63  }
0x81: {  	_ = 	snop  }
0x82: {  	[tilespmem:s8], [sflag:$0x2] =	stream.indirect_vreg.gather [hbm4b:s3+s2], $0x80, v3, vm0, $0xb8;
	[tilespmem:$0x12800] =	vst v63  }
0x83: {  	v3 =	vld [tilespmem:$0xA0];
	_ =	sdelay $0x4  }
0x84: {  	v58 =	vshll.u32 v3, $0x1  }
0x85: {  	v3 =	vand.u32 $0x7, v3;
	v4 =	vand.u32 $0xFFFFFFF0, v58  }
0x86: {  	v3 =	vor.u32 v3, v4  }
0x87: {  	v4 =	vperm.xlane v3, v0;
	_ =	sdelay $0x1  }
0x88: {  	v3 =	vperm.xlane v3, v2;
	v4 =	vadd.s32 v1, v4;
	_ =	sdelay $0x1  }
0x89: {  	v3 =	vadd.s32 v1, v3;
	_ =	sdelay $0x2  }
0x8a: {  	[tilespmem:s10], [sflag:$0x2] =	stream.indirect_vreg.gather [hbm4b:s3+s2], $0x80, v4, vm0, $0xb8;
	[tilespmem:$0x12800] =	vst v63  }
0x8b: {  	_ = 	snop  }
0x8c: {  	[tilespmem:s11], [sflag:$0x2] =	stream.indirect_vreg.gather [hbm4b:s3+s2], $0x80, v3, vm0, $0xb8;
	[tilespmem:$0x12800] =	vst v63  }
0x8d: {  	v3 =	vld [tilespmem:$0xB0];
	_ =	sdelay $0x4  }
0x8e: {  	v59 =	vshll.u32 v3, $0x1  }
0x8f: {  	v3 =	vand.u32 $0x7, v3;
	v4 =	vand.u32 $0xFFFFFFF0, v59  }
0x90: {  	v3 =	vor.u32 v3, v4  }
0x91: {  	v4 =	vperm.xlane v3, v0;
	_ =	sdelay $0x1  }
0x92: {  	v3 =	vperm.xlane v3, v2;
	v4 =	vadd.s32 v1, v4;
	_ =	sdelay $0x1  }
0x93: {  	v3 =	vadd.s32 v1, v3;
	_ =	sdelay $0x2  }
0x94: {  	[tilespmem:s12], [sflag:$0x2] =	stream.indirect_vreg.gather [hbm4b:s3+s2], $0x80, v4, vm0, $0xb8;
	[tilespmem:$0x12800] =	vst v63  }
0x95: {  	_ = 	snop  }
0x96: {  	[tilespmem:s9], [sflag:$0x2] =	stream.indirect_vreg.gather [hbm4b:s3+s2], $0x80, v3, vm0, $0xb8;
	[tilespmem:$0x12800] =	vst v63  }
0x97: {  	v3 =	vld [tilespmem:$0xC0];
	_ =	sdelay $0x4  }
0x98: {  	v60 =	vshll.u32 v3, $0x1  }
0x99: {  	v3 =	vand.u32 $0x7, v3;
	v4 =	vand.u32 $0xFFFFFFF0, v60  }
0x9a: {  	v3 =	vor.u32 v3, v4  }
0x9b: {  	v4 =	vperm.xlane v3, v0;
	_ =	sdelay $0x1  }
0x9c: {  	v3 =	vperm.xlane v3, v2;
	v4 =	vadd.s32 v1, v4;
	_ =	sdelay $0x1  }
0x9d: {  	v3 =	vadd.s32 v1, v3;
	_ =	sdelay $0x1  }
0x9e: {  	s18 =	simm.s32 $0xE800  }
0x9f: {  	[tilespmem:s18], [sflag:$0x2] =	stream.indirect_vreg.gather [hbm4b:s3+s2], $0x80, v4, vm0, $0xb8;
	[tilespmem:$0x12800] =	vst v63  }
0xa0: {  	s20 =	simm.s32 $0xF000  }
0xa1: {  	[tilespmem:s20], [sflag:$0x2] =	stream.indirect_vreg.gather [hbm4b:s3+s2], $0x80, v3, vm0, $0xb8;
	[tilespmem:$0x12800] =	vst v63  }
0xa2: {  	v3 =	vld [tilespmem:$0xD0];
	_ =	sdelay $0x4  }
0xa3: {  	v61 =	vshll.u32 v3, $0x1  }
0xa4: {  	v3 =	vand.u32 $0x7, v3;
	v4 =	vand.u32 $0xFFFFFFF0, v61  }
0xa5: {  	v3 =	vor.u32 v3, v4  }
0xa6: {  	v4 =	vperm.xlane v3, v0;
	_ =	sdelay $0x1  }
0xa7: {  	v3 =	vperm.xlane v3, v2;
	v4 =	vadd.s32 v1, v4;
	_ =	sdelay $0x1  }
0xa8: {  	v3 =	vadd.s32 v1, v3;
	_ =	sdelay $0x1  }
0xa9: {  	s21 =	simm.s32 $0xF800  }
0xaa: {  	[tilespmem:s21], [sflag:$0x2] =	stream.indirect_vreg.gather [hbm4b:s3+s2], $0x80, v4, vm0, $0xb8;
	[tilespmem:$0x12800] =	vst v63  }
0xab: {  	s22 =	simm.s32 $0x10000  }
0xac: {  	[tilespmem:s22], [sflag:$0x2] =	stream.indirect_vreg.gather [hbm4b:s3+s2], $0x80, v3, vm0, $0xb8;
	[tilespmem:$0x12800] =	vst v63  }
0xad: {  	v3 =	vld [tilespmem:$0xE0];
	_ =	sdelay $0x4  }
0xae: {  	v62 =	vshll.u32 v3, $0x1  }
0xaf: {  	v3 =	vand.u32 $0x7, v3;
	v4 =	vand.u32 $0xFFFFFFF0, v62  }
0xb0: {  	v3 =	vor.u32 v3, v4  }
0xb1: {  	v4 =	vperm.xlane v3, v0;
	_ =	sdelay $0x1  }
0xb2: {  	v3 =	vperm.xlane v3, v2;
	v4 =	vadd.s32 v1, v4;
	_ =	sdelay $0x1  }
0xb3: {  	v3 =	vadd.s32 v1, v3;
	_ =	sdelay $0x1  }
0xb4: {  	s23 =	simm.s32 $0x10800  }
0xb5: {  	[tilespmem:s23], [sflag:$0x2] =	stream.indirect_vreg.gather [hbm4b:s3+s2], $0x80, v4, vm0, $0xb8;
	[tilespmem:$0x12800] =	vst v63  }
0xb6: {  	s24 =	simm.s32 $0x11000  }
0xb7: {  	[tilespmem:s24], [sflag:$0x2] =	stream.indirect_vreg.gather [hbm4b:s3+s2], $0x80, v3, vm0, $0xb8;
	[tilespmem:$0x12800] =	vst v63  }
0xb8: {  	v3 =	vld [tilespmem:$0xF0];
	_ =	sdelay $0x4  }
0xb9: {  	v63 =	vshll.u32 v3, $0x1  }
0xba: {  	v3 =	vand.u32 $0x7, v3;
	v4 =	vand.u32 $0xFFFFFFF0, v63  }
0xbb: {  	v3 =	vor.u32 v3, v4  }
0xbc: {  	v4 =	vperm.xlane v3, v0;
	_ =	sdelay $0x1  }
0xbd: {  	v3 =	vperm.xlane v3, v2;
	v4 =	vadd.s32 v1, v4  }
0xbe: {  	s17 =	simm.s32 $0x1F0;
	s26 =	simm.s32 $0x11800  }
0xbf: {  	s28 =	simm.s32 $0x6800;
	s29 =	simm.s32 $0x12000;
	s30 =	simm.s32 $0x7800;
	v3 =	vadd.s32 v1, v3  }
0xc0: {  	s1 =	simm.s32 $0x8800;
	s0 =	simm.s32 $0x9000;
	s4 =	simm.s32 $0x9800  }
0xc1: {  	s5 =	simm.s32 $0xA000;
	s6 =	simm.s32 $0xB000;
	s7 =	simm.s32 $0xB800  }
0xc2: {  	[tilespmem:s26], [sflag:$0x2] =	stream.indirect_vreg.gather [hbm4b:s3+s2], $0x80, v4, vm0, $0xb8;
	[tilespmem:$0x12800] =	vst v63  }
0xc3: {  	s8 =	simm.s32 $0xC000;
	s10 =	simm.s32 $0xC800;
	s11 =	simm.s32 $0xD000  }
0xc4: {  	[tilespmem:s29], [sflag:$0x2] =	stream.indirect_vreg.gather [hbm4b:s3+s2], $0x80, v3, vm0, $0xb8;
	[tilespmem:$0x12800] =	vst v63  }
0xc5: {  	s12 =	simm.s32 $0xD800;
	s9 =	simm.s32 $0xE000;
	_ =	swait.ge [sflag:s13], $0x8000  }
0xc6: {  	s18 =	simm.s32 $0x0;
	s20 =	simm.s32 $0x3800;
	[sflag:s13] =	ssyncset.done $0x0  }
0xc7: {  	s22 =	simm.s32 $0x4800;
	s25 =	rddreg [dreg:$0x6];
	[sflag:s13] =	ssyncadd.s32 $0xFFFF8000  }
0xc8: {  	[hbm4b:s25+s2] =	stream.linear.scatter [tilespmem:s31], [sflag:$0x3], $0x8000, $0x38;
	[tilespmem:$0x12800] =	vst v63  }
0xc9: {  	s24 =	simm.s32 $0x5800;
	s25 =	simm.s32 $0x2800;
	s31 =	simm.s32 $0x8000  }
.LBB2_2:
0xca: {  	_ =	swait.ge [sflag:s14], $0x8000  }
0xcb: {  	[sflag:s14] =	ssyncset.done $0x0  }
0xcc: {  	[sflag:s14] =	ssyncadd.s32 $0xFFFF8000  }
0xcd: {  	v3 =	vld [tilespmem:s17+$0xFFFFFF10];
	_ =	sdelay $0x4  }
0xce: {  	v4 =	vshll.u32 v3, $0x1  }
0xcf: {  	v3 =	vand.u32 $0x7, v3;
	v4 =	vand.u32 $0xFFFFFFF0, v4  }
0xd0: {  	v3 =	vor.u32 v3, v4  }
0xd1: {  	v4 =	vperm.xlane v3, v0;
	_ =	sdelay $0x1  }
0xd2: {  	v3 =	vperm.xlane v3, v2;
	v4 =	vadd.s32 v1, v4;
	_ =	sdelay $0x1  }
0xd3: {  	v3 =	vadd.s32 v1, v3;
	_ =	sdelay $0x2  }
0xd4: {  	[tilespmem:s25], [sflag:$0x1] =	stream.indirect_vreg.gather [hbm4b:s3+s2], $0x80, v4, vm0, $0xb8;
	[tilespmem:$0x12800] =	vst v63  }
0xd5: {  	_ = 	snop  }
0xd6: {  	[tilespmem:s19], [sflag:$0x1] =	stream.indirect_vreg.gather [hbm4b:s3+s2], $0x80, v3, vm0, $0xb8;
	[tilespmem:$0x12800] =	vst v63  }
0xd7: {  	v3 =	vld [tilespmem:s17+$0xFFFFFF20];
	_ =	sdelay $0x4  }
0xd8: {  	v49 =	vshll.u32 v3, $0x1  }
0xd9: {  	v3 =	vand.u32 $0x7, v3;
	v4 =	vand.u32 $0xFFFFFFF0, v49  }
0xda: {  	v3 =	vor.u32 v3, v4  }
0xdb: {  	v4 =	vperm.xlane v3, v0;
	_ =	sdelay $0x1  }
0xdc: {  	v3 =	vperm.xlane v3, v2;
	v4 =	vadd.s32 v1, v4;
	_ =	sdelay $0x1  }
0xdd: {  	v3 =	vadd.s32 v1, v3;
	_ =	sdelay $0x2  }
0xde: {  	[tilespmem:s20], [sflag:$0x1] =	stream.indirect_vreg.gather [hbm4b:s3+s2], $0x80, v4, vm0, $0xb8;
	[tilespmem:$0x12800] =	vst v63  }
0xdf: {  	s21 =	simm.s32 $0x4000  }
0xe0: {  	[tilespmem:s21], [sflag:$0x1] =	stream.indirect_vreg.gather [hbm4b:s3+s2], $0x80, v3, vm0, $0xb8;
	[tilespmem:$0x12800] =	vst v63  }
0xe1: {  	v3 =	vld [tilespmem:s17+$0xFFFFFF30];
	_ =	sdelay $0x4  }
0xe2: {  	v50 =	vshll.u32 v3, $0x1  }
0xe3: {  	v3 =	vand.u32 $0x7, v3;
	v4 =	vand.u32 $0xFFFFFFF0, v50  }
0xe4: {  	v3 =	vor.u32 v3, v4  }
0xe5: {  	v4 =	vperm.xlane v3, v0;
	_ =	sdelay $0x1  }
0xe6: {  	v3 =	vperm.xlane v3, v2;
	v4 =	vadd.s32 v1, v4;
	_ =	sdelay $0x1  }
0xe7: {  	v3 =	vadd.s32 v1, v3;
	_ =	sdelay $0x2  }
0xe8: {  	[tilespmem:s22], [sflag:$0x1] =	stream.indirect_vreg.gather [hbm4b:s3+s2], $0x80, v4, vm0, $0xb8;
	[tilespmem:$0x12800] =	vst v63  }
0xe9: {  	s23 =	simm.s32 $0x5000  }
0xea: {  	[tilespmem:s23], [sflag:$0x1] =	stream.indirect_vreg.gather [hbm4b:s3+s2], $0x80, v3, vm0, $0xb8;
	[tilespmem:$0x12800] =	vst v63  }
0xeb: {  	v3 =	vld [tilespmem:s17+$0xFFFFFF40];
	_ =	sdelay $0x4  }
0xec: {  	v51 =	vshll.u32 v3, $0x1  }
0xed: {  	v3 =	vand.u32 $0x7, v3;
	v4 =	vand.u32 $0xFFFFFFF0, v51  }
0xee: {  	v3 =	vor.u32 v3, v4  }
0xef: {  	v4 =	vperm.xlane v3, v0;
	_ =	sdelay $0x1  }
0xf0: {  	v3 =	vperm.xlane v3, v2;
	v4 =	vadd.s32 v1, v4;
	_ =	sdelay $0x1  }
0xf1: {  	v3 =	vadd.s32 v1, v3;
	_ =	sdelay $0x2  }
0xf2: {  	[tilespmem:s24], [sflag:$0x1] =	stream.indirect_vreg.gather [hbm4b:s3+s2], $0x80, v4, vm0, $0xb8;
	[tilespmem:$0x12800] =	vst v63  }
0xf3: {  	s21 =	simm.s32 $0x6000  }
0xf4: {  	[tilespmem:s21], [sflag:$0x1] =	stream.indirect_vreg.gather [hbm4b:s3+s2], $0x80, v3, vm0, $0xb8;
	[tilespmem:$0x12800] =	vst v63  }
0xf5: {  	v3 =	vld [tilespmem:s17+$0xFFFFFF50];
	_ =	sdelay $0x4  }
0xf6: {  	v52 =	vshll.u32 v3, $0x1  }
0xf7: {  	v3 =	vand.u32 $0x7, v3;
	v4 =	vand.u32 $0xFFFFFFF0, v52  }
0xf8: {  	v3 =	vor.u32 v3, v4  }
0xf9: {  	v4 =	vperm.xlane v3, v0;
	_ =	sdelay $0x1  }
0xfa: {  	v3 =	vperm.xlane v3, v2;
	v4 =	vadd.s32 v1, v4;
	_ =	sdelay $0x1  }
0xfb: {  	v3 =	vadd.s32 v1, v3;
	_ =	sdelay $0x2  }
0xfc: {  	[tilespmem:s28], [sflag:$0x1] =	stream.indirect_vreg.gather [hbm4b:s3+s2], $0x80, v4, vm0, $0xb8;
	[tilespmem:$0x12800] =	vst v63  }
0xfd: {  	s23 =	simm.s32 $0x7000  }
0xfe: {  	[tilespmem:s23], [sflag:$0x1] =	stream.indirect_vreg.gather [hbm4b:s3+s2], $0x80, v3, vm0, $0xb8;
	[tilespmem:$0x12800] =	vst v63  }
0xff: {  	v3 =	vld [tilespmem:s17+$0xFFFFFF60];
	_ =	sdelay $0x4  }
0x100: {  	v53 =	vshll.u32 v3, $0x1  }
0x101: {  	v3 =	vand.u32 $0x7, v3;
	v4 =	vand.u32 $0xFFFFFFF0, v53  }
0x102: {  	v3 =	vor.u32 v3, v4  }
0x103: {  	v4 =	vperm.xlane v3, v0;
	_ =	sdelay $0x1  }
0x104: {  	v3 =	vperm.xlane v3, v2;
	v4 =	vadd.s32 v1, v4;
	_ =	sdelay $0x1  }
0x105: {  	v3 =	vadd.s32 v1, v3;
	_ =	sdelay $0x2  }
0x106: {  	[tilespmem:s30], [sflag:$0x1] =	stream.indirect_vreg.gather [hbm4b:s3+s2], $0x80, v4, vm0, $0xb8;
	[tilespmem:$0x12800] =	vst v63  }
0x107: {  	_ = 	snop  }
0x108: {  	[tilespmem:s31], [sflag:$0x1] =	stream.indirect_vreg.gather [hbm4b:s3+s2], $0x80, v3, vm0, $0xb8;
	[tilespmem:$0x12800] =	vst v63  }
0x109: {  	v3 =	vld [tilespmem:s17+$0xFFFFFF70];
	_ =	sdelay $0x4  }
0x10a: {  	v54 =	vshll.u32 v3, $0x1  }
0x10b: {  	v3 =	vand.u32 $0x7, v3;
	v4 =	vand.u32 $0xFFFFFFF0, v54  }
0x10c: {  	v3 =	vor.u32 v3, v4  }
0x10d: {  	v4 =	vperm.xlane v3, v0;
	_ =	sdelay $0x1  }
0x10e: {  	v3 =	vperm.xlane v3, v2;
	v4 =	vadd.s32 v1, v4;
	_ =	sdelay $0x1  }
0x10f: {  	v3 =	vadd.s32 v1, v3;
	_ =	sdelay $0x2  }
0x110: {  	[tilespmem:s1], [sflag:$0x1] =	stream.indirect_vreg.gather [hbm4b:s3+s2], $0x80, v4, vm0, $0xb8;
	[tilespmem:$0x12800] =	vst v63  }
0x111: {  	_ = 	snop  }
0x112: {  	[tilespmem:s0], [sflag:$0x1] =	stream.indirect_vreg.gather [hbm4b:s3+s2], $0x80, v3, vm0, $0xb8;
	[tilespmem:$0x12800] =	vst v63  }
0x113: {  	v3 =	vld [tilespmem:s17+$0xFFFFFF80];
	_ =	sdelay $0x4  }
0x114: {  	v55 =	vshll.u32 v3, $0x1  }
0x115: {  	v3 =	vand.u32 $0x7, v3;
	v4 =	vand.u32 $0xFFFFFFF0, v55  }
0x116: {  	v3 =	vor.u32 v3, v4  }
0x117: {  	v4 =	vperm.xlane v3, v0;
	_ =	sdelay $0x1  }
0x118: {  	v3 =	vperm.xlane v3, v2;
	v4 =	vadd.s32 v1, v4;
	_ =	sdelay $0x1  }
0x119: {  	v3 =	vadd.s32 v1, v3;
	_ =	sdelay $0x2  }
0x11a: {  	[tilespmem:s4], [sflag:$0x1] =	stream.indirect_vreg.gather [hbm4b:s3+s2], $0x80, v4, vm0, $0xb8;
	[tilespmem:$0x12800] =	vst v63  }
0x11b: {  	_ = 	snop  }
0x11c: {  	[tilespmem:s5], [sflag:$0x1] =	stream.indirect_vreg.gather [hbm4b:s3+s2], $0x80, v3, vm0, $0xb8;
	[tilespmem:$0x12800] =	vst v63  }
0x11d: {  	_ =	swait.ge [sflag:s15], $0x8000  }
0x11e: {  	s21 =	rddreg [dreg:$0x2];
	[sflag:s15] =	ssyncset.done $0x0  }
0x11f: {  	s23 =	simm.s32 $0xA800;
	[sflag:s15] =	ssyncadd.s32 $0xFFFF8000;
	s19 =	sadd.s32 s18, s21  }
0x120: {  	[hbm4b:s19+s2] =	stream.linear.scatter [tilespmem:s23], [sflag:$0x4], $0x8000, $0x38;
	[tilespmem:$0x12800] =	vst v63  }
0x121: {  	_ =	swait.ge [sflag:s16], $0x8000  }
0x122: {  	[sflag:s16] =	ssyncset.done $0x0  }
0x123: {  	[sflag:s16] =	ssyncadd.s32 $0xFFFF8000  }
0x124: {  	v3 =	vld [tilespmem:s17+$0xFFFFFF90];
	_ =	sdelay $0x4  }
0x125: {  	v56 =	vshll.u32 v3, $0x1  }
0x126: {  	v3 =	vand.u32 $0x7, v3;
	v4 =	vand.u32 $0xFFFFFFF0, v56  }
0x127: {  	v3 =	vor.u32 v3, v4  }
0x128: {  	v4 =	vperm.xlane v3, v0;
	_ =	sdelay $0x1  }
0x129: {  	v3 =	vperm.xlane v3, v2;
	v4 =	vadd.s32 v1, v4;
	_ =	sdelay $0x1  }
0x12a: {  	v3 =	vadd.s32 v1, v3;
	_ =	sdelay $0x2  }
0x12b: {  	[tilespmem:s23], [sflag:$0x2] =	stream.indirect_vreg.gather [hbm4b:s3+s2], $0x80, v4, vm0, $0xb8;
	[tilespmem:$0x12800] =	vst v63  }
0x12c: {  	_ = 	snop  }
0x12d: {  	[tilespmem:s6], [sflag:$0x2] =	stream.indirect_vreg.gather [hbm4b:s3+s2], $0x80, v3, vm0, $0xb8;
	[tilespmem:$0x12800] =	vst v63  }
0x12e: {  	v3 =	vld [tilespmem:s17+$0xFFFFFFA0];
	_ =	sdelay $0x4  }
0x12f: {  	v57 =	vshll.u32 v3, $0x1  }
0x130: {  	v3 =	vand.u32 $0x7, v3;
	v4 =	vand.u32 $0xFFFFFFF0, v57  }
0x131: {  	v3 =	vor.u32 v3, v4  }
0x132: {  	v4 =	vperm.xlane v3, v0;
	_ =	sdelay $0x1  }
0x133: {  	v3 =	vperm.xlane v3, v2;
	v4 =	vadd.s32 v1, v4;
	_ =	sdelay $0x1  }
0x134: {  	v3 =	vadd.s32 v1, v3;
	_ =	sdelay $0x2  }
0x135: {  	[tilespmem:s7], [sflag:$0x2] =	stream.indirect_vreg.gather [hbm4b:s3+s2], $0x80, v4, vm0, $0xb8;
	[tilespmem:$0x12800] =	vst v63  }
0x136: {  	_ = 	snop  }
0x137: {  	[tilespmem:s8], [sflag:$0x2] =	stream.indirect_vreg.gather [hbm4b:s3+s2], $0x80, v3, vm0, $0xb8;
	[tilespmem:$0x12800] =	vst v63  }
0x138: {  	v3 =	vld [tilespmem:s17+$0xFFFFFFB0];
	_ =	sdelay $0x4  }
0x139: {  	v58 =	vshll.u32 v3, $0x1  }
0x13a: {  	v3 =	vand.u32 $0x7, v3;
	v4 =	vand.u32 $0xFFFFFFF0, v58  }
0x13b: {  	v3 =	vor.u32 v3, v4  }
0x13c: {  	v4 =	vperm.xlane v3, v0;
	_ =	sdelay $0x1  }
0x13d: {  	v3 =	vperm.xlane v3, v2;
	v4 =	vadd.s32 v1, v4;
	_ =	sdelay $0x1  }
0x13e: {  	v3 =	vadd.s32 v1, v3;
	_ =	sdelay $0x2  }
0x13f: {  	[tilespmem:s10], [sflag:$0x2] =	stream.indirect_vreg.gather [hbm4b:s3+s2], $0x80, v4, vm0, $0xb8;
	[tilespmem:$0x12800] =	vst v63  }
0x140: {  	_ = 	snop  }
0x141: {  	[tilespmem:s11], [sflag:$0x2] =	stream.indirect_vreg.gather [hbm4b:s3+s2], $0x80, v3, vm0, $0xb8;
	[tilespmem:$0x12800] =	vst v63  }
0x142: {  	v3 =	vld [tilespmem:s17+$0xFFFFFFC0];
	_ =	sdelay $0x4  }
0x143: {  	v59 =	vshll.u32 v3, $0x1  }
0x144: {  	v3 =	vand.u32 $0x7, v3;
	v4 =	vand.u32 $0xFFFFFFF0, v59  }
0x145: {  	v3 =	vor.u32 v3, v4  }
0x146: {  	v4 =	vperm.xlane v3, v0;
	_ =	sdelay $0x1  }
0x147: {  	v3 =	vperm.xlane v3, v2;
	v4 =	vadd.s32 v1, v4;
	_ =	sdelay $0x1  }
0x148: {  	v3 =	vadd.s32 v1, v3;
	_ =	sdelay $0x2  }
0x149: {  	[tilespmem:s12], [sflag:$0x2] =	stream.indirect_vreg.gather [hbm4b:s3+s2], $0x80, v4, vm0, $0xb8;
	[tilespmem:$0x12800] =	vst v63  }
0x14a: {  	_ = 	snop  }
0x14b: {  	[tilespmem:s9], [sflag:$0x2] =	stream.indirect_vreg.gather [hbm4b:s3+s2], $0x80, v3, vm0, $0xb8;
	[tilespmem:$0x12800] =	vst v63  }
0x14c: {  	v3 =	vld [tilespmem:s17+$0xFFFFFFD0];
	_ =	sdelay $0x4  }
0x14d: {  	v60 =	vshll.u32 v3, $0x1  }
0x14e: {  	v3 =	vand.u32 $0x7, v3;
	v4 =	vand.u32 $0xFFFFFFF0, v60  }
0x14f: {  	v3 =	vor.u32 v3, v4  }
0x150: {  	v4 =	vperm.xlane v3, v0;
	_ =	sdelay $0x1  }
0x151: {  	v3 =	vperm.xlane v3, v2;
	v4 =	vadd.s32 v1, v4;
	_ =	sdelay $0x1  }
0x152: {  	v3 =	vadd.s32 v1, v3;
	_ =	sdelay $0x1  }
0x153: {  	s23 =	simm.s32 $0xE800  }
0x154: {  	[tilespmem:s23], [sflag:$0x2] =	stream.indirect_vreg.gather [hbm4b:s3+s2], $0x80, v4, vm0, $0xb8;
	[tilespmem:$0x12800] =	vst v63  }
0x155: {  	s23 =	simm.s32 $0xF000  }
0x156: {  	[tilespmem:s23], [sflag:$0x2] =	stream.indirect_vreg.gather [hbm4b:s3+s2], $0x80, v3, vm0, $0xb8;
	[tilespmem:$0x12800] =	vst v63  }
0x157: {  	v3 =	vld [tilespmem:s17+$0xFFFFFFE0];
	_ =	sdelay $0x4  }
0x158: {  	v61 =	vshll.u32 v3, $0x1  }
0x159: {  	v3 =	vand.u32 $0x7, v3;
	v4 =	vand.u32 $0xFFFFFFF0, v61  }
0x15a: {  	v3 =	vor.u32 v3, v4  }
0x15b: {  	v4 =	vperm.xlane v3, v0;
	_ =	sdelay $0x1  }
0x15c: {  	v3 =	vperm.xlane v3, v2;
	v4 =	vadd.s32 v1, v4;
	_ =	sdelay $0x1  }
0x15d: {  	v3 =	vadd.s32 v1, v3;
	_ =	sdelay $0x1  }
0x15e: {  	s23 =	simm.s32 $0xF800  }
0x15f: {  	[tilespmem:s23], [sflag:$0x2] =	stream.indirect_vreg.gather [hbm4b:s3+s2], $0x80, v4, vm0, $0xb8;
	[tilespmem:$0x12800] =	vst v63  }
0x160: {  	s23 =	simm.s32 $0x10000  }
0x161: {  	[tilespmem:s23], [sflag:$0x2] =	stream.indirect_vreg.gather [hbm4b:s3+s2], $0x80, v3, vm0, $0xb8;
	[tilespmem:$0x12800] =	vst v63  }
0x162: {  	v3 =	vld [tilespmem:s17+$0xFFFFFFF0];
	_ =	sdelay $0x4  }
0x163: {  	v62 =	vshll.u32 v3, $0x1  }
0x164: {  	v3 =	vand.u32 $0x7, v3;
	v4 =	vand.u32 $0xFFFFFFF0, v62  }
0x165: {  	v3 =	vor.u32 v3, v4  }
0x166: {  	v4 =	vperm.xlane v3, v0;
	_ =	sdelay $0x1  }
0x167: {  	v3 =	vperm.xlane v3, v2;
	v4 =	vadd.s32 v1, v4;
	_ =	sdelay $0x1  }
0x168: {  	v3 =	vadd.s32 v1, v3;
	_ =	sdelay $0x1  }
0x169: {  	s23 =	simm.s32 $0x10800  }
0x16a: {  	[tilespmem:s23], [sflag:$0x2] =	stream.indirect_vreg.gather [hbm4b:s3+s2], $0x80, v4, vm0, $0xb8;
	[tilespmem:$0x12800] =	vst v63  }
0x16b: {  	s23 =	simm.s32 $0x11000  }
0x16c: {  	[tilespmem:s23], [sflag:$0x2] =	stream.indirect_vreg.gather [hbm4b:s3+s2], $0x80, v3, vm0, $0xb8;
	[tilespmem:$0x12800] =	vst v63  }
0x16d: {  	v3 =	vld [tilespmem:s17+$0x0];
	_ =	sdelay $0x4  }
0x16e: {  	v63 =	vshll.u32 v3, $0x1  }
0x16f: {  	v3 =	vand.u32 $0x7, v3;
	v4 =	vand.u32 $0xFFFFFFF0, v63  }
0x170: {  	v3 =	vor.u32 v3, v4  }
0x171: {  	v4 =	vperm.xlane v3, v0;
	_ =	sdelay $0x1  }
0x172: {  	v3 =	vperm.xlane v3, v2;
	v4 =	vadd.s32 v1, v4;
	_ =	sdelay $0x1  }
0x173: {  	v3 =	vadd.s32 v1, v3;
	_ =	sdelay $0x2  }
0x174: {  	[tilespmem:s26], [sflag:$0x2] =	stream.indirect_vreg.gather [hbm4b:s3+s2], $0x80, v4, vm0, $0xb8;
	[tilespmem:$0x12800] =	vst v63  }
0x175: {  	p0 =	sne.s32 s18, $0x4C000  }
0x176: {  	[tilespmem:s29], [sflag:$0x2] =	stream.indirect_vreg.gather [hbm4b:s3+s2], $0x80, v3, vm0, $0xb8;
	[tilespmem:$0x12800] =	vst v63  }
.Ltmp0:
0x177: {  	_ =	swait.ge [sflag:s13], $0x8000;
	(pc) =	sbr.rel @p0 .LBB2_2-.Ltmp0, $4  }
0x178: {  	s23 =	rddreg [dreg:$0x3];
	[sflag:s13] =	ssyncset.done $0x0  }
0x179: {  	s21 =	simm.s32 $0xA800;
	[sflag:s13] =	ssyncadd.s32 $0xFFFF8000;
	s19 =	sadd.s32 s18, s23  }
0x17a: {  	[hbm4b:s19+s2] =	stream.linear.scatter [tilespmem:s25], [sflag:$0x3], $0x8000, $0x38;
	[tilespmem:$0x12800] =	vst v63  }
0x17b: {  	s17 =	sadd.s32 $0x100, s17;
	s18 =	sadd.s32 $0x2000, s18;
	s19 =	simm.s32 $0x3000  }
0x17c: {  	_ =	swait.ge [sflag:s15], $0x8000  }
0x17d: {  	[sflag:s15] =	ssyncset.done $0x0  }
0x17e: {  	s17 =	rddreg [dreg:$0x7];
	[sflag:s15] =	ssyncadd.s32 $0xFFFF8000  }
0x17f: {  	[hbm4b:s17+s2] =	stream.linear.scatter [tilespmem:s21], [sflag:$0x4], $0x8000, $0x38;
	[tilespmem:$0x12800] =	vst v63  }
0x180: {  	_ =	swait.ge [sflag:s14], $0x8000  }
0x181: {  	s18 =	simm.s32 $0x3800;
	s20 =	simm.s32 $0x4000;
	[sflag:s14] =	ssyncset.done $0x0  }
0x182: {  	s25 =	simm.s32 $0x4800;
	s22 =	simm.s32 $0x5000;
	[sflag:s14] =	ssyncadd.s32 $0xFFFF8000  }
0x183: {  	s23 =	simm.s32 $0x5800;
	s24 =	simm.s32 $0x6000;
	_ =	swait.ge [sflag:s16], $0x8000  }
0x184: {  	s28 =	simm.s32 $0x7000;
	s29 =	simm.s32 $0x7800;
	s0 =	rddreg [dreg:$0x8]  }
0x185: {  	s30 =	simm.s32 $0x8000;
	s26 =	rddreg [dreg:$0x5];
	s0 =	sadd.s32 $0x1, s0  }
0x186: {  	s1 =	simm.s32 $0x8800;
	s4 =	simm.s32 $0x9800;
	p0 =	sne.s32 s0, s26  }
.Ltmp1:
0x187: {  	s5 =	simm.s32 $0xA000;
	s6 =	simm.s32 $0xB000;
	(pc) =	sbr.rel @p0 .LBB2_1-.Ltmp1, $4  }
0x188: {  	s7 =	simm.s32 $0xB800;
	s8 =	simm.s32 $0xC000;
	s10 =	simm.s32 $0xC800  }
0x189: {  	s11 =	simm.s32 $0xD000;
	s12 =	simm.s32 $0xD800;
	[sflag:s16] =	ssyncset.done $0x0  }
0x18a: {  	s9 =	simm.s32 $0xE000;
	s31 =	simm.s32 $0x2800;
	[sflag:s16] =	ssyncadd.s32 $0xFFFF8000  }
0x18b: {  	[dreg:$0x8] =	wrdreg s0;
	s26 =	simm.s32 $0x6800;
	s0 =	simm.s32 $0x9000  }
0x18c: {  	_ =	sfence.sel $0x180000  }
0x18d: {  	[bflag:$0x0] =	sbarrier.arrive $0xFFFF  }
0x18e: {  	_ =	strace $0x90000047  }
0x18f: {  	s0 =	stileid.u32;
	[bflag:$0x2] =	sbarrier.arrive $0xFFFF  }
0x190: {  	p0 =	sne.s32 s0, $0x0;
	s0 =	rddreg [dreg:$0x1]  }
0x191: {  	s0 =	sadd.s32 @!p0 $0x100000, s0  }
0x192: {  	[sflag:s0] =	ssyncadd.tile.s32 @!p0 $0x1;
	_ =	shalt  }
.Lfunc_end2:
_tile_overlayer_lowered:
.L_overlay_start_2:
0x193: {  	(tag) =	ssettag $0x2  }
0x194: {  	s0 =	rddreg [dreg:$0x0];
	s2 =	stileid.u32  }
0x195: {  	s1 =	rddreg [dreg:$0x1];
	p0 =	sne.s32 s2, $0x0  }
0x196: {  	s3 =	rddreg [dreg:$0x2];
	[bflag:$0x3] =	sbarrier.arrive $0xFFFF;
	s2 =	simm.s32 @!p0 $0x1C05  }
0x197: {  	[timem:s3], [sflag:s2] =	dma.local @!p0 [hbm:s0], s1  }
0x198: {  	s0 =	simm.s32 @!p0 $0x5  }
0x199: {  	_ =	swait.ge @!p0 [sflag:s0], s1  }
0x19a: {  	s1 =	ssub.s32 @!p0 $0x0, s1;
	[sflag:s0] =	ssyncset.done @!p0 $0x0  }
0x19b: {  	[sflag:s0] =	ssyncadd.s32 @!p0 s1  }
0x19c: {  	[bflag:$0x3] =	sbarrier.arrive $0xFFFF  }
0x19d: {  	_ =	shalt  }

</sc_bundles>
